<compile_context>
chip_gen: v7x
topology: tpu7x:2x2x1
jax: 0.10.2.dev20260603
libtpu: 0.0.44.dev20260713+nightly
codegen_flags: <defaults>
</compile_context>

<pallas_src>
import functools

import jax
import jax.numpy as jnp
from jax import lax
from jax.experimental import pallas as pl
from jax.experimental.pallas import tpu as pltpu
from jax.experimental.pallas import tpu_sc as plsc

N = 10000
E = 320000
F = 128
C = 40
CP = 48
NP = 10240
TRASH = N
NC = 2
NS = 16
NW = NC * NS
EPW = 10176
EPAD = NW * EPW
assert EPAD >= E
RPT = NP // NS


def _sc_mesh():
    return plsc.VectorSubcoreMesh(core_axis_name="c", subcore_axis_name="s")


_SC_PARAMS = pltpu.CompilerParams(use_tc_tiling_on_sc=False)


CHUNK = 48
CHUNKS = 212
NBUF = 4
assert CHUNK * CHUNKS == EPW and CHUNKS % NBUF == 0


def _run_ring(h_table, agg, src_v, dst_v, bufs, gsems, ssems):

    def gather(q, b):
        pltpu.async_copy(h_table.at[src_v.at[q]], bufs[b], gsems[b])

    def scatter(q, b):
        pltpu.async_copy(bufs[b], agg.at[dst_v.at[q]], ssems[b], add=True)

    def wait_gather(q, b):
        pltpu.make_async_copy(h_table.at[src_v.at[q]], bufs[b],
                              gsems[b]).wait()

    def wait_scatter(q, b):
        pltpu.make_async_copy(bufs[b], agg.at[dst_v.at[q]],
                              ssems[b]).wait()

    for q in range(NBUF - 1):
        gather(q, q)

    def step(q, b):
        wait_gather(q, b)
        scatter(q, b)
        prev = (b + NBUF - 1) % NBUF

        @pl.when(q >= 1)
        def _():
            wait_scatter(q - 1, prev)

        @pl.when(q + NBUF - 1 < CHUNKS)
        def _():
            gather(q + NBUF - 1, prev)

    def ring(p, carry):
        q0 = p * NBUF
        for b in range(NBUF):
            step(q0 + b, b)
        return carry

    lax.fori_loop(0, CHUNKS // NBUF, ring, 0)
    wait_scatter(CHUNKS - 1, (CHUNKS - 1) % NBUF)


def _make_propagate(w, stage_h=False):
    scratch = [
        pltpu.VMEM((CHUNKS, CHUNK), jnp.int32),
        pltpu.VMEM((CHUNKS, CHUNK), jnp.int32),
        [pltpu.VMEM((CHUNK, w), jnp.float32)] * NBUF,
        pltpu.VMEM_SHARED((NP, w), jnp.float32),
        [pltpu.SemaphoreType.DMA] * NBUF,
        [pltpu.SemaphoreType.DMA] * NBUF,
    ]
    if stage_h:
        scratch.append(pltpu.VMEM_SHARED((NP, w), jnp.float32))

    @functools.partial(
        pl.kernel,
        out_type=jax.ShapeDtypeStruct((NC, NP, w), jnp.float32),
        mesh=_sc_mesh(),
        compiler_params=_SC_PARAMS,
        scratch_types=scratch,
    )
    def prop(src_hbm, dst_hbm, h_hbm, zeros_hbm, out_hbm,
             src_v, dst_v, bufs, agg, gsems, ssems, *maybe_hs):
        c = lax.axis_index("c")
        s = lax.axis_index("s")
        wid = s * NC + c
        pltpu.sync_copy(src_hbm.at[wid], src_v)
        pltpu.sync_copy(dst_hbm.at[wid], dst_v)
        base = s * RPT
        pltpu.sync_copy(zeros_hbm, agg.at[pl.ds(base, RPT)])
        if stage_h:
            h_table = maybe_hs[0]
            pltpu.sync_copy(h_hbm.at[pl.ds(base, RPT)],
                            h_table.at[pl.ds(base, RPT)])
        else:
            h_table = h_hbm
        plsc.subcore_barrier()
        _run_ring(h_table, agg, src_v, dst_v, bufs, gsems, ssems)
        plsc.subcore_barrier()
        pltpu.sync_copy(agg.at[pl.ds(base, RPT)],
                        out_hbm.at[c, pl.ds(base, RPT)])

    return prop


FH = F // 2


@functools.partial(
    pl.kernel,
    out_type=(
        jax.ShapeDtypeStruct((NP, FH), jnp.float32),
        jax.ShapeDtypeStruct((NP, FH), jnp.float32),
    ),
    mesh=_sc_mesh(),
    compiler_params=_SC_PARAMS,
    scratch_types=[
        pltpu.VMEM((CHUNKS, CHUNK), jnp.int32),
        pltpu.VMEM((CHUNKS, CHUNK), jnp.int32),
        [pltpu.VMEM((CHUNK, FH), jnp.float32)] * NBUF,
        pltpu.VMEM_SHARED((NP, FH), jnp.float32),
        pltpu.VMEM_SHARED((NP, FH), jnp.float32),
        [pltpu.SemaphoreType.DMA] * NBUF,
        [pltpu.SemaphoreType.DMA] * NBUF,
    ],
)
def _sc_prop_split(src_hbm, dst_hbm, ha_hbm, hb_hbm, zeros_hbm,
                   outa_hbm, outb_hbm,
                   src_v, dst_v, bufs, agg, h_table, gsems, ssems):
    c = lax.axis_index("c")
    s = lax.axis_index("s")
    base = s * RPT
    pltpu.sync_copy(zeros_hbm, agg.at[pl.ds(base, RPT)])

    @pl.when(c == 0)
    def _():
        pltpu.sync_copy(ha_hbm.at[pl.ds(base, RPT)],
                        h_table.at[pl.ds(base, RPT)])

    @pl.when(c == 1)
    def _():
        pltpu.sync_copy(hb_hbm.at[pl.ds(base, RPT)],
                        h_table.at[pl.ds(base, RPT)])

    plsc.subcore_barrier()
    for widx in range(2):
        wid = s * 2 + widx
        pltpu.sync_copy(src_hbm.at[wid], src_v)
        pltpu.sync_copy(dst_hbm.at[wid], dst_v)
        _run_ring(h_table, agg, src_v, dst_v, bufs, gsems, ssems)
    plsc.subcore_barrier()

    @pl.when(c == 0)
    def _():
        pltpu.sync_copy(agg.at[pl.ds(base, RPT)],
                        outa_hbm.at[pl.ds(base, RPT)])

    @pl.when(c == 1)
    def _():
        pltpu.sync_copy(agg.at[pl.ds(base, RPT)],
                        outb_hbm.at[pl.ds(base, RPT)])


_sc_prop_c = _make_propagate(CP, stage_h=True)


@functools.partial(
    pl.kernel,
    out_type=(
        jax.ShapeDtypeStruct((NC, NP, 16), jnp.float32),
        jax.ShapeDtypeStruct((NC, NP, 16), jnp.float32),
    ),
    mesh=_sc_mesh(),
    compiler_params=_SC_PARAMS,
    scratch_types=[
        pltpu.VMEM((CHUNKS, CHUNK), jnp.int32),
        pltpu.VMEM((CHUNKS, CHUNK), jnp.int32),
        pltpu.VMEM((CHUNK, 16), jnp.float32),
        pltpu.VMEM_SHARED((NP, 16), jnp.float32),
        pltpu.VMEM_SHARED((NP, 16), jnp.float32),
        [pltpu.SemaphoreType.DMA] * 4,
    ],
)
def _sc_degrees(src_hbm, dst_hbm, ones_hbm, zeros_hbm,
                osrc_hbm, odst_hbm,
                src_v, dst_v, ones_v, dsrc, ddst, sems):
    c = lax.axis_index("c")
    s = lax.axis_index("s")
    wid = s * NC + c
    pltpu.sync_copy(src_hbm.at[wid], src_v)
    pltpu.sync_copy(dst_hbm.at[wid], dst_v)
    pltpu.sync_copy(ones_hbm, ones_v)
    base = s * RPT
    pltpu.sync_copy(zeros_hbm, dsrc.at[pl.ds(base, RPT)])
    pltpu.sync_copy(zeros_hbm, ddst.at[pl.ds(base, RPT)])
    plsc.subcore_barrier()

    def issue(j, k):
        pltpu.async_copy(ones_v, dsrc.at[src_v.at[j]], sems[k], add=True)
        pltpu.async_copy(ones_v, ddst.at[dst_v.at[j]], sems[k + 1], add=True)

    def drain(j, k):
        pltpu.make_async_copy(ones_v, dsrc.at[src_v.at[j]], sems[k]).wait()
        pltpu.make_async_copy(ones_v, ddst.at[dst_v.at[j]], sems[k + 1]).wait()

    issue(0, 0)

    def body(p, carry):
        j = p * 2
        issue(j + 1, 2)
        drain(j, 0)

        @pl.when(j + 2 < CHUNKS)
        def _():
            issue(j + 2, 0)

        drain(j + 1, 2)
        return carry

    lax.fori_loop(0, CHUNKS // 2, body, 0)
    plsc.subcore_barrier()
    pltpu.sync_copy(dsrc.at[pl.ds(base, RPT)], osrc_hbm.at[c, pl.ds(base, RPT)])
    pltpu.sync_copy(ddst.at[pl.ds(base, RPT)], odst_hbm.at[c, pl.ds(base, RPT)])


_RB = 2560


def _k0_body(x_ref, w1_ref, xw_ref):
    xw_ref[...] = jnp.dot(x_ref[...], w1_ref[...],
                          preferred_element_type=jnp.float32)


def _tc_xw1(x_p, w1):
    return pl.pallas_call(
        _k0_body,
        grid=(NP // _RB,),
        in_specs=[
            pl.BlockSpec((_RB, F), lambda i: (i, 0)),
            pl.BlockSpec((F, F), lambda i: (0, 0)),
        ],
        out_specs=pl.BlockSpec((_RB, F), lambda i: (i, 0)),
        out_shape=jax.ShapeDtypeStruct((NP, F), jnp.float32),
    )(x_p, w1)


def _k2_body(dsrc_ref, ddst_ref, xw_ref, on_ref, in_ref, h0a_ref, h0b_ref):
    ds = jnp.max(dsrc_ref[0] + dsrc_ref[1], axis=1, keepdims=True)
    di = jnp.max(ddst_ref[0] + ddst_ref[1], axis=1, keepdims=True)
    on = lax.rsqrt(jnp.where(ds > 0, ds, 1.0))
    inn = lax.rsqrt(jnp.where(di > 0, di, 1.0))
    on_ref[...] = on
    in_ref[...] = inn
    xw = xw_ref[...]
    h0a_ref[...] = xw[:, :FH] * on
    h0b_ref[...] = xw[:, FH:] * on


def _tc_norms_h0(dsrc, ddst, xw):
    return pl.pallas_call(
        _k2_body,
        grid=(NP // _RB,),
        in_specs=[
            pl.BlockSpec((NC, _RB, 16), lambda i: (0, i, 0)),
            pl.BlockSpec((NC, _RB, 16), lambda i: (0, i, 0)),
            pl.BlockSpec((_RB, F), lambda i: (i, 0)),
        ],
        out_specs=[
            pl.BlockSpec((_RB, 1), lambda i: (i, 0)),
            pl.BlockSpec((_RB, 1), lambda i: (i, 0)),
            pl.BlockSpec((_RB, FH), lambda i: (i, 0)),
            pl.BlockSpec((_RB, FH), lambda i: (i, 0)),
        ],
        out_shape=[
            jax.ShapeDtypeStruct((NP, 1), jnp.float32),
            jax.ShapeDtypeStruct((NP, 1), jnp.float32),
            jax.ShapeDtypeStruct((NP, FH), jnp.float32),
            jax.ShapeDtypeStruct((NP, FH), jnp.float32),
        ],
    )(dsrc, ddst, xw)


def _k4_body(s1a_ref, s1b_ref, in_ref, on_ref, b1_ref, w2_ref, t_ref):
    inn = in_ref[...]
    onn = on_ref[...]
    b1v = b1_ref[...]
    h1a = jnp.maximum(s1a_ref[...] * inn + b1v[None, :FH], 0.0) * onn
    h1b = jnp.maximum(s1b_ref[...] * inn + b1v[None, FH:], 0.0) * onn
    t_ref[...] = (
        jnp.dot(h1a, w2_ref[:FH, :], preferred_element_type=jnp.float32)
        + jnp.dot(h1b, w2_ref[FH:, :], preferred_element_type=jnp.float32)
    )


def _tc_layer2(s1a, s1b, inn, onn, b1, w2p):
    return pl.pallas_call(
        _k4_body,
        grid=(NP // _RB,),
        in_specs=[
            pl.BlockSpec((_RB, FH), lambda i: (i, 0)),
            pl.BlockSpec((_RB, FH), lambda i: (i, 0)),
            pl.BlockSpec((_RB, 1), lambda i: (i, 0)),
            pl.BlockSpec((_RB, 1), lambda i: (i, 0)),
            pl.BlockSpec((F,), lambda i: (0,)),
            pl.BlockSpec((F, CP), lambda i: (0, 0)),
        ],
        out_specs=pl.BlockSpec((_RB, CP), lambda i: (i, 0)),
        out_shape=jax.ShapeDtypeStruct((NP, CP), jnp.float32),
    )(s1a, s1b, inn, onn, b1, w2p)


_RB6 = 2000


def _k6_body(s2_ref, in_ref, b2_ref, o_ref):
    logits = (s2_ref[0] + s2_ref[1]) * in_ref[...] + b2_ref[...][None, :]
    col = lax.broadcasted_iota(jnp.int32, (_RB6, CP), 1)
    lm = jnp.where(col < C, logits, -1e30)
    m = jnp.max(lm, axis=-1, keepdims=True)
    lse = jnp.log(jnp.sum(jnp.exp(lm - m), axis=-1, keepdims=True))
    o_ref[...] = (logits - m - lse)[:, :C]


def _tc_final(s2, inn, b2p):
    return pl.pallas_call(
        _k6_body,
        grid=(N // _RB6,),
        in_specs=[
            pl.BlockSpec((NC, _RB6, CP), lambda i: (0, i, 0)),
            pl.BlockSpec((_RB6, 1), lambda i: (i, 0)),
            pl.BlockSpec((CP,), lambda i: (0,)),
        ],
        out_specs=pl.BlockSpec((_RB6, C), lambda i: (i, 0)),
        out_shape=jax.ShapeDtypeStruct((N, C), jnp.float32),
    )(s2, inn, b2p)


def kernel(in_feat, edge_index, W1, b1, W2, b2):
    src = edge_index[0]
    dst = edge_index[1]
    fill = jnp.full((EPAD - E,), TRASH, jnp.int32)
    src_p = jnp.concatenate([src, fill]).reshape(NW, CHUNKS, CHUNK)
    dst_p = jnp.concatenate([dst, fill]).reshape(NW, CHUNKS, CHUNK)
    x_p = jnp.pad(in_feat, ((0, NP - N), (0, 0)))
    w2p = jnp.pad(W2, ((0, 0), (0, CP - C)))
    b2p = jnp.pad(b2, (0, CP - C))

    ones16 = jnp.ones((CHUNK, 16), jnp.float32)
    zeros16 = jnp.zeros((RPT, 16), jnp.float32)
    zeros_h = jnp.zeros((RPT, FH), jnp.float32)
    zeros_c = jnp.zeros((RPT, CP), jnp.float32)

    xw = _tc_xw1(x_p, W1)
    dsrc, ddst = _sc_degrees(src_p, dst_p, ones16, zeros16)
    onn, inn, h0a, h0b = _tc_norms_h0(dsrc, ddst, xw)
    s1a, s1b = _sc_prop_split(src_p, dst_p, h0a, h0b, zeros_h)
    t = _tc_layer2(s1a, s1b, inn, onn, b1, w2p)
    s2 = _sc_prop_c(src_p, dst_p, t, zeros_c)
    return _tc_final(s2, inn, b2p)

# --- scband reference (transcript-rebuilt; emitter-appended) ---
"""Pipeline reference for scband-crd-cls-16028817949561 (READ-ONLY COPY).

The authoritative reference and input builder live on the scoring server;
editing this copy changes nothing except your own understanding.
"""

import jax, jax.numpy as jnp
import numpy as np

N = 10000
E = 320000
F_IN = 128
HID = 128
N_CLS = 40


def setup_inputs(seed: int = 0) -> dict:
    key = jax.random.key(seed)
    k1, k2, k3, k4 = jax.random.split(key, 4)
    x = jax.random.normal(k1, (N, F_IN), dtype=jnp.float32)
    edge_index = jax.random.randint(k2, (2, E), 0, N, dtype=jnp.int32)
    # GraphConv weights (Glorot-ish init) and biases
    W1 = jax.random.normal(k3, (F_IN, HID), dtype=jnp.float32) * (1.0 / np.sqrt(F_IN))
    b1 = jnp.zeros((HID,), dtype=jnp.float32)
    W2 = jax.random.normal(k4, (HID, N_CLS), dtype=jnp.float32) * (1.0 / np.sqrt(HID))
    b2 = jnp.zeros((N_CLS,), dtype=jnp.float32)
    return {"in_feat": x, "edge_index": edge_index, "W1": W1, "b1": b1, "W2": W2, "b2": b2}


def _graph_conv(x, edge_index, W, b):
    # DGL GraphConv with norm='both': D_dst^{-1/2} A D_src^{-1/2} X W + b
    src = edge_index[0]
    dst = edge_index[1]
    n = x.shape[0]
    ones = jnp.ones((edge_index.shape[1],), dtype=x.dtype)
    out_deg = jax.ops.segment_sum(ones, src, num_segments=n)
    in_deg = jax.ops.segment_sum(ones, dst, num_segments=n)
    out_norm = jnp.where(out_deg > 0, out_deg, 1.0) ** -0.5
    in_norm = jnp.where(in_deg > 0, in_deg, 1.0) ** -0.5
    h = x * out_norm[:, None]
    msg = jnp.take(h, src, axis=0)
    agg = jax.ops.segment_sum(msg, dst, num_segments=n)
    agg = agg * in_norm[:, None]
    return agg @ W + b


def reference(in_feat, edge_index, W1, b1, W2, b2):
    h = _graph_conv(in_feat, edge_index, W1, b1)
    h = jax.nn.relu(h)
    # dropout omitted for determinism (eval-mode reference)
    h = _graph_conv(h, edge_index, W2, b2)
    return jax.nn.log_softmax(h, axis=-1)

if __name__ == "__main__":
    import jax
    _d = setup_inputs()
    print(jax.jit(kernel)(*tuple(_d.values())))

</pallas_src>

<mosaic_0001>
#map = affine_map<(d0, d1) -> (0, 0, 0)>
#map1 = affine_map<(d0, d1) -> (0, 0)>
module attributes {stable_mosaic.version = 14 : i64} {
  func.func @_sc_degrees(%arg0: i32, %arg1: i32, %arg2: memref<32x212x48xi32, #tpu.memory_space<hbm>>, %arg3: memref<32x212x48xi32, #tpu.memory_space<hbm>>, %arg4: memref<48x16xf32, #tpu.memory_space<hbm>>, %arg5: memref<640x16xf32, #tpu.memory_space<hbm>>, %arg6: memref<2x10240x16xf32, #tpu.memory_space<hbm>>, %arg7: memref<2x10240x16xf32, #tpu.memory_space<hbm>>, %arg8: memref<212x48xi32, #tpu.memory_space<vmem>>, %arg9: memref<212x48xi32, #tpu.memory_space<vmem>>, %arg10: memref<48x16xf32, #tpu.memory_space<vmem>>, %arg11: memref<10240x16xf32, #tpu.memory_space<vmem_shared>>, %arg12: memref<10240x16xf32, #tpu.memory_space<vmem_shared>>, %arg13: memref<!tpu.dma_semaphore, #tpu.memory_space<semaphore_mem>>, %arg14: memref<!tpu.dma_semaphore, #tpu.memory_space<semaphore_mem>>, %arg15: memref<!tpu.dma_semaphore, #tpu.memory_space<semaphore_mem>>, %arg16: memref<!tpu.dma_semaphore, #tpu.memory_space<semaphore_mem>>) attributes {dimension_semantics = [#tpu.dimension_semantics<core_parallel>, #tpu.dimension_semantics<subcore_parallel>], iteration_bounds = array<i64: 2, 16>, scalar_prefetch = 0 : i64, scratch_operands = 9 : i64, tpu.core_type = #tpu.core_type<sc_vector_subcore>, window_params = [{transform_indices = #map}, {transform_indices = #map}, {transform_indices = #map1}, {transform_indices = #map1}, {transform_indices = #map}, {transform_indices = #map}]} {
    %mul3A = arith.constant 2 : i32
    %mul3A_0 = arith.muli %arg1, %mul3A : i32
    %add3A = arith.addi %mul3A_0, %arg0 : i32
    "tpu.region"() ({
      %run_scoped3A = tpu.sem_alloc : memref<!tpu.dma_semaphore, #tpu.memory_space<semaphore_mem>>
      %dma_start3A_22 = arith.constant 0 : i32
      %dma_start3A_23 = arith.constant 0 : i32
      %dma_start3A_24 = tpu.memref_slice %arg2[%add3A, %dma_start3A_22, %dma_start3A_23] : memref<32x212x48xi32, #tpu.memory_space<hbm>> -> memref<1x212x48xi32, #tpu.memory_space<hbm>>
      %dma_start3A_25 = tpu.memref_squeeze %dma_start3A_24 : memref<1x212x48xi32, #tpu.memory_space<hbm>> -> memref<212x48xi32, #tpu.memory_space<hbm>>
      %dma_start3A_26 = arith.constant 0 : i32
      %dma_start3A_27 = arith.constant 0 : i32
      %dma_start3A_28 = tpu.memref_slice %arg2[%add3A, %dma_start3A_26, %dma_start3A_27] : memref<32x212x48xi32, #tpu.memory_space<hbm>> -> memref<1x212x48xi32, #tpu.memory_space<hbm>>
      %dma_start3A_29 = tpu.memref_squeeze %dma_start3A_28 : memref<1x212x48xi32, #tpu.memory_space<hbm>> -> memref<212x48xi32, #tpu.memory_space<hbm>>
      tpu.enqueue_dma source(%dma_start3A_29 : memref<212x48xi32, #tpu.memory_space<hbm>>) target(%arg8 : memref<212x48xi32, #tpu.memory_space<vmem>>) target_semaphore(%run_scoped3A : memref<!tpu.dma_semaphore, #tpu.memory_space<semaphore_mem>>)
      %dma_wait3A = arith.constant 0 : i32
      %dma_wait3A_30 = arith.constant 0 : i32
      %dma_wait3A_31 = tpu.memref_slice %arg2[%add3A, %dma_wait3A, %dma_wait3A_30] : memref<32x212x48xi32, #tpu.memory_space<hbm>> -> memref<1x212x48xi32, #tpu.memory_space<hbm>>
      %dma_wait3A_32 = tpu.memref_squeeze %dma_wait3A_31 : memref<1x212x48xi32, #tpu.memory_space<hbm>> -> memref<212x48xi32, #tpu.memory_space<hbm>>
      %dma_wait3A_33 = arith.constant 0 : i32
      %dma_wait3A_34 = arith.constant 0 : i32
      %dma_wait3A_35 = tpu.memref_slice %arg2[%add3A, %dma_wait3A_33, %dma_wait3A_34] : memref<32x212x48xi32, #tpu.memory_space<hbm>> -> memref<1x212x48xi32, #tpu.memory_space<hbm>>
      %dma_wait3A_36 = tpu.memref_squeeze %dma_wait3A_35 : memref<1x212x48xi32, #tpu.memory_space<hbm>> -> memref<212x48xi32, #tpu.memory_space<hbm>>
      tpu.wait_dma2 semaphore(%run_scoped3A : memref<!tpu.dma_semaphore, #tpu.memory_space<semaphore_mem>>) src(%dma_wait3A_36 : memref<212x48xi32, #tpu.memory_space<hbm>>) dst(%arg8 : memref<212x48xi32, #tpu.memory_space<vmem>>)
      tpu.yield
    }) : () -> ()
    "tpu.region"() ({
      %run_scoped3A = tpu.sem_alloc : memref<!tpu.dma_semaphore, #tpu.memory_space<semaphore_mem>>
      %dma_start3A_22 = arith.constant 0 : i32
      %dma_start3A_23 = arith.constant 0 : i32
      %dma_start3A_24 = tpu.memref_slice %arg3[%add3A, %dma_start3A_22, %dma_start3A_23] : memref<32x212x48xi32, #tpu.memory_space<hbm>> -> memref<1x212x48xi32, #tpu.memory_space<hbm>>
      %dma_start3A_25 = tpu.memref_squeeze %dma_start3A_24 : memref<1x212x48xi32, #tpu.memory_space<hbm>> -> memref<212x48xi32, #tpu.memory_space<hbm>>
      %dma_start3A_26 = arith.constant 0 : i32
      %dma_start3A_27 = arith.constant 0 : i32
      %dma_start3A_28 = tpu.memref_slice %arg3[%add3A, %dma_start3A_26, %dma_start3A_27] : memref<32x212x48xi32, #tpu.memory_space<hbm>> -> memref<1x212x48xi32, #tpu.memory_space<hbm>>
      %dma_start3A_29 = tpu.memref_squeeze %dma_start3A_28 : memref<1x212x48xi32, #tpu.memory_space<hbm>> -> memref<212x48xi32, #tpu.memory_space<hbm>>
      tpu.enqueue_dma source(%dma_start3A_29 : memref<212x48xi32, #tpu.memory_space<hbm>>) target(%arg9 : memref<212x48xi32, #tpu.memory_space<vmem>>) target_semaphore(%run_scoped3A : memref<!tpu.dma_semaphore, #tpu.memory_space<semaphore_mem>>)
      %dma_wait3A = arith.constant 0 : i32
      %dma_wait3A_30 = arith.constant 0 : i32
      %dma_wait3A_31 = tpu.memref_slice %arg3[%add3A, %dma_wait3A, %dma_wait3A_30] : memref<32x212x48xi32, #tpu.memory_space<hbm>> -> memref<1x212x48xi32, #tpu.memory_space<hbm>>
      %dma_wait3A_32 = tpu.memref_squeeze %dma_wait3A_31 : memref<1x212x48xi32, #tpu.memory_space<hbm>> -> memref<212x48xi32, #tpu.memory_space<hbm>>
      %dma_wait3A_33 = arith.constant 0 : i32
      %dma_wait3A_34 = arith.constant 0 : i32
      %dma_wait3A_35 = tpu.memref_slice %arg3[%add3A, %dma_wait3A_33, %dma_wait3A_34] : memref<32x212x48xi32, #tpu.memory_space<hbm>> -> memref<1x212x48xi32, #tpu.memory_space<hbm>>
      %dma_wait3A_36 = tpu.memref_squeeze %dma_wait3A_35 : memref<1x212x48xi32, #tpu.memory_space<hbm>> -> memref<212x48xi32, #tpu.memory_space<hbm>>
      tpu.wait_dma2 semaphore(%run_scoped3A : memref<!tpu.dma_semaphore, #tpu.memory_space<semaphore_mem>>) src(%dma_wait3A_36 : memref<212x48xi32, #tpu.memory_space<hbm>>) dst(%arg9 : memref<212x48xi32, #tpu.memory_space<vmem>>)
      tpu.yield
    }) : () -> ()
    "tpu.region"() ({
      %run_scoped3A = tpu.sem_alloc : memref<!tpu.dma_semaphore, #tpu.memory_space<semaphore_mem>>
      tpu.enqueue_dma source(%arg4 : memref<48x16xf32, #tpu.memory_space<hbm>>) target(%arg10 : memref<48x16xf32, #tpu.memory_space<vmem>>) target_semaphore(%run_scoped3A : memref<!tpu.dma_semaphore, #tpu.memory_space<semaphore_mem>>)
      tpu.wait_dma2 semaphore(%run_scoped3A : memref<!tpu.dma_semaphore, #tpu.memory_space<semaphore_mem>>) src(%arg4 : memref<48x16xf32, #tpu.memory_space<hbm>>) dst(%arg10 : memref<48x16xf32, #tpu.memory_space<vmem>>)
      tpu.yield
    }) : () -> ()
    %mul3A_1 = arith.constant 640 : i32
    %mul3A_2 = arith.muli %arg1, %mul3A_1 : i32
    "tpu.region"() ({
      %run_scoped3A = tpu.sem_alloc : memref<!tpu.dma_semaphore, #tpu.memory_space<semaphore_mem>>
      %dma_start3A_22 = arith.constant 0 : i32
      %dma_start3A_23 = tpu.memref_slice %arg11[%mul3A_2, %dma_start3A_22] : memref<10240x16xf32, #tpu.memory_space<vmem_shared>> -> memref<640x16xf32, #tpu.memory_space<vmem_shared>>
      tpu.enqueue_dma source(%arg5 : memref<640x16xf32, #tpu.memory_space<hbm>>) target(%dma_start3A_23 : memref<640x16xf32, #tpu.memory_space<vmem_shared>>) target_semaphore(%run_scoped3A : memref<!tpu.dma_semaphore, #tpu.memory_space<semaphore_mem>>)
      %dma_wait3A = arith.constant 0 : i32
      %dma_wait3A_24 = tpu.memref_slice %arg11[%mul3A_2, %dma_wait3A] : memref<10240x16xf32, #tpu.memory_space<vmem_shared>> -> memref<640x16xf32, #tpu.memory_space<vmem_shared>>
      tpu.wait_dma2 semaphore(%run_scoped3A : memref<!tpu.dma_semaphore, #tpu.memory_space<semaphore_mem>>) src(%arg5 : memref<640x16xf32, #tpu.memory_space<hbm>>) dst(%dma_wait3A_24 : memref<640x16xf32, #tpu.memory_space<vmem_shared>>)
      tpu.yield
    }) : () -> ()
    "tpu.region"() ({
      %run_scoped3A = tpu.sem_alloc : memref<!tpu.dma_semaphore, #tpu.memory_space<semaphore_mem>>
      %dma_start3A_22 = arith.constant 0 : i32
      %dma_start3A_23 = tpu.memref_slice %arg12[%mul3A_2, %dma_start3A_22] : memref<10240x16xf32, #tpu.memory_space<vmem_shared>> -> memref<640x16xf32, #tpu.memory_space<vmem_shared>>
      tpu.enqueue_dma source(%arg5 : memref<640x16xf32, #tpu.memory_space<hbm>>) target(%dma_start3A_23 : memref<640x16xf32, #tpu.memory_space<vmem_shared>>) target_semaphore(%run_scoped3A : memref<!tpu.dma_semaphore, #tpu.memory_space<semaphore_mem>>)
      %dma_wait3A = arith.constant 0 : i32
      %dma_wait3A_24 = tpu.memref_slice %arg12[%mul3A_2, %dma_wait3A] : memref<10240x16xf32, #tpu.memory_space<vmem_shared>> -> memref<640x16xf32, #tpu.memory_space<vmem_shared>>
      tpu.wait_dma2 semaphore(%run_scoped3A : memref<!tpu.dma_semaphore, #tpu.memory_space<semaphore_mem>>) src(%arg5 : memref<640x16xf32, #tpu.memory_space<hbm>>) dst(%dma_wait3A_24 : memref<640x16xf32, #tpu.memory_space<vmem_shared>>)
      tpu.yield
    }) : () -> ()
    %barrier3A = arith.constant 0 : index
    tpu.barrier barrier_id(%barrier3A)
    %dma_start3A = arith.constant 0 : i32
    %dma_start3A_3 = arith.constant 0 : i32
    %dma_start3A_4 = tpu.memref_slice %arg8[%dma_start3A, %dma_start3A_3] : memref<212x48xi32, #tpu.memory_space<vmem>> -> memref<1x48xi32, #tpu.memory_space<vmem>>
    %dma_start3A_5 = tpu.memref_squeeze %dma_start3A_4 : memref<1x48xi32, #tpu.memory_space<vmem>> -> memref<48xi32, #tpu.memory_space<vmem>>
    %dma_start3A_6 = arith.constant 0 : i32
    %dma_start3A_7 = arith.constant 0 : i32
    %dma_start3A_8 = tpu.memref_slice %arg11[%dma_start3A_6, %dma_start3A_7] : memref<10240x16xf32, #tpu.memory_space<vmem_shared>> -> memref<10240x16xf32, #tpu.memory_space<vmem_shared>>
    tpu.enqueue_indirect_dma source(%arg10 : memref<48x16xf32, #tpu.memory_space<vmem>>) target(%dma_start3A_8 : memref<10240x16xf32, #tpu.memory_space<vmem_shared>>) offsets(%dma_start3A_5 : memref<48xi32, #tpu.memory_space<vmem>>) semaphore(%arg13 : memref<!tpu.dma_semaphore, #tpu.memory_space<semaphore_mem>>) {add = true}
    %dma_start3A_9 = arith.constant 0 : i32
    %dma_start3A_10 = arith.constant 0 : i32
    %dma_start3A_11 = tpu.memref_slice %arg9[%dma_start3A_9, %dma_start3A_10] : memref<212x48xi32, #tpu.memory_space<vmem>> -> memref<1x48xi32, #tpu.memory_space<vmem>>
    %dma_start3A_12 = tpu.memref_squeeze %dma_start3A_11 : memref<1x48xi32, #tpu.memory_space<vmem>> -> memref<48xi32, #tpu.memory_space<vmem>>
    %dma_start3A_13 = arith.constant 0 : i32
    %dma_start3A_14 = arith.constant 0 : i32
    %dma_start3A_15 = tpu.memref_slice %arg12[%dma_start3A_13, %dma_start3A_14] : memref<10240x16xf32, #tpu.memory_space<vmem_shared>> -> memref<10240x16xf32, #tpu.memory_space<vmem_shared>>
    tpu.enqueue_indirect_dma source(%arg10 : memref<48x16xf32, #tpu.memory_space<vmem>>) target(%dma_start3A_15 : memref<10240x16xf32, #tpu.memory_space<vmem_shared>>) offsets(%dma_start3A_12 : memref<48xi32, #tpu.memory_space<vmem>>) semaphore(%arg14 : memref<!tpu.dma_semaphore, #tpu.memory_space<semaphore_mem>>) {add = true}
    %scan3A = arith.constant 0 : i32
    %scan3A_16 = arith.constant 0 : i32
    %scan3A_17 = arith.constant 106 : i32
    %scan3A_18 = arith.addi %scan3A_16, %scan3A_17 : i32
    %scan3A_19 = arith.constant 1 : i32
    scf.for %scan3A_22 = %scan3A_16 to %scan3A_18 step %scan3A_19  : i32 {
      %mul3A_23 = arith.constant 2 : i32
      %mul3A_24 = arith.muli %scan3A_22, %mul3A_23 : i32
      %add3A_25 = arith.constant 1 : i32
      %add3A_26 = arith.addi %mul3A_24, %add3A_25 : i32
      %dma_start3A_27 = arith.constant 0 : i32
      %dma_start3A_28 = tpu.memref_slice %arg8[%add3A_26, %dma_start3A_27] : memref<212x48xi32, #tpu.memory_space<vmem>> -> memref<1x48xi32, #tpu.memory_space<vmem>>
      %dma_start3A_29 = tpu.memref_squeeze %dma_start3A_28 : memref<1x48xi32, #tpu.memory_space<vmem>> -> memref<48xi32, #tpu.memory_space<vmem>>
      %dma_start3A_30 = arith.constant 0 : i32
      %dma_start3A_31 = arith.constant 0 : i32
      %dma_start3A_32 = tpu.memref_slice %arg11[%dma_start3A_30, %dma_start3A_31] : memref<10240x16xf32, #tpu.memory_space<vmem_shared>> -> memref<10240x16xf32, #tpu.memory_space<vmem_shared>>
      tpu.enqueue_indirect_dma source(%arg10 : memref<48x16xf32, #tpu.memory_space<vmem>>) target(%dma_start3A_32 : memref<10240x16xf32, #tpu.memory_space<vmem_shared>>) offsets(%dma_start3A_29 : memref<48xi32, #tpu.memory_space<vmem>>) semaphore(%arg15 : memref<!tpu.dma_semaphore, #tpu.memory_space<semaphore_mem>>) {add = true}
      %dma_start3A_33 = arith.constant 0 : i32
      %dma_start3A_34 = tpu.memref_slice %arg9[%add3A_26, %dma_start3A_33] : memref<212x48xi32, #tpu.memory_space<vmem>> -> memref<1x48xi32, #tpu.memory_space<vmem>>
      %dma_start3A_35 = tpu.memref_squeeze %dma_start3A_34 : memref<1x48xi32, #tpu.memory_space<vmem>> -> memref<48xi32, #tpu.memory_space<vmem>>
      %dma_start3A_36 = arith.constant 0 : i32
      %dma_start3A_37 = arith.constant 0 : i32
      %dma_start3A_38 = tpu.memref_slice %arg12[%dma_start3A_36, %dma_start3A_37] : memref<10240x16xf32, #tpu.memory_space<vmem_shared>> -> memref<10240x16xf32, #tpu.memory_space<vmem_shared>>
      tpu.enqueue_indirect_dma source(%arg10 : memref<48x16xf32, #tpu.memory_space<vmem>>) target(%dma_start3A_38 : memref<10240x16xf32, #tpu.memory_space<vmem_shared>>) offsets(%dma_start3A_35 : memref<48xi32, #tpu.memory_space<vmem>>) semaphore(%arg16 : memref<!tpu.dma_semaphore, #tpu.memory_space<semaphore_mem>>) {add = true}
      %dma_wait3A = arith.constant 0 : i32
      %dma_wait3A_39 = tpu.memref_slice %arg8[%mul3A_24, %dma_wait3A] : memref<212x48xi32, #tpu.memory_space<vmem>> -> memref<1x48xi32, #tpu.memory_space<vmem>>
      %dma_wait3A_40 = tpu.memref_squeeze %dma_wait3A_39 : memref<1x48xi32, #tpu.memory_space<vmem>> -> memref<48xi32, #tpu.memory_space<vmem>>
      %dma_wait3A_41 = arith.constant 0 : i32
      %dma_wait3A_42 = arith.constant 0 : i32
      %dma_wait3A_43 = tpu.memref_slice %arg11[%dma_wait3A_41, %dma_wait3A_42] : memref<10240x16xf32, #tpu.memory_space<vmem_shared>> -> memref<10240x16xf32, #tpu.memory_space<vmem_shared>>
      tpu.wait_indirect_dma semaphore(%arg13 : memref<!tpu.dma_semaphore, #tpu.memory_space<semaphore_mem>>) src(%arg10 : memref<48x16xf32, #tpu.memory_space<vmem>>) dst(%dma_wait3A_43 : memref<10240x16xf32, #tpu.memory_space<vmem_shared>>)
      %dma_wait3A_44 = arith.constant 0 : i32
      %dma_wait3A_45 = tpu.memref_slice %arg9[%mul3A_24, %dma_wait3A_44] : memref<212x48xi32, #tpu.memory_space<vmem>> -> memref<1x48xi32, #tpu.memory_space<vmem>>
      %dma_wait3A_46 = tpu.memref_squeeze %dma_wait3A_45 : memref<1x48xi32, #tpu.memory_space<vmem>> -> memref<48xi32, #tpu.memory_space<vmem>>
      %dma_wait3A_47 = arith.constant 0 : i32
      %dma_wait3A_48 = arith.constant 0 : i32
      %dma_wait3A_49 = tpu.memref_slice %arg12[%dma_wait3A_47, %dma_wait3A_48] : memref<10240x16xf32, #tpu.memory_space<vmem_shared>> -> memref<10240x16xf32, #tpu.memory_space<vmem_shared>>
      tpu.wait_indirect_dma semaphore(%arg14 : memref<!tpu.dma_semaphore, #tpu.memory_space<semaphore_mem>>) src(%arg10 : memref<48x16xf32, #tpu.memory_space<vmem>>) dst(%dma_wait3A_49 : memref<10240x16xf32, #tpu.memory_space<vmem_shared>>)
      %add3A_50 = arith.constant 2 : i32
      %add3A_51 = arith.addi %mul3A_24, %add3A_50 : i32
      %lt3A = arith.constant 212 : i32
      %lt3A_52 = arith.cmpi slt, %add3A_51, %lt3A : i32
      %convert_element_type3A = arith.extui %lt3A_52 : i1 to i32
      %cond3A = arith.constant 0 : i32
      %cond3A_53 = arith.cmpi ne, %convert_element_type3A, %cond3A : i32
      scf.if %cond3A_53 {
        %add3A_68 = arith.constant 2 : i32
        %add3A_69 = arith.addi %mul3A_24, %add3A_68 : i32
        %dma_start3A_70 = arith.constant 0 : i32
        %dma_start3A_71 = tpu.memref_slice %arg8[%add3A_69, %dma_start3A_70] : memref<212x48xi32, #tpu.memory_space<vmem>> -> memref<1x48xi32, #tpu.memory_space<vmem>>
        %dma_start3A_72 = tpu.memref_squeeze %dma_start3A_71 : memref<1x48xi32, #tpu.memory_space<vmem>> -> memref<48xi32, #tpu.memory_space<vmem>>
        %dma_start3A_73 = arith.constant 0 : i32
        %dma_start3A_74 = arith.constant 0 : i32
        %dma_start3A_75 = tpu.memref_slice %arg11[%dma_start3A_73, %dma_start3A_74] : memref<10240x16xf32, #tpu.memory_space<vmem_shared>> -> memref<10240x16xf32, #tpu.memory_space<vmem_shared>>
        tpu.enqueue_indirect_dma source(%arg10 : memref<48x16xf32, #tpu.memory_space<vmem>>) target(%dma_start3A_75 : memref<10240x16xf32, #tpu.memory_space<vmem_shared>>) offsets(%dma_start3A_72 : memref<48xi32, #tpu.memory_space<vmem>>) semaphore(%arg13 : memref<!tpu.dma_semaphore, #tpu.memory_space<semaphore_mem>>) {add = true}
        %dma_start3A_76 = arith.constant 0 : i32
        %dma_start3A_77 = tpu.memref_slice %arg9[%add3A_69, %dma_start3A_76] : memref<212x48xi32, #tpu.memory_space<vmem>> -> memref<1x48xi32, #tpu.memory_space<vmem>>
        %dma_start3A_78 = tpu.memref_squeeze %dma_start3A_77 : memref<1x48xi32, #tpu.memory_space<vmem>> -> memref<48xi32, #tpu.memory_space<vmem>>
        %dma_start3A_79 = arith.constant 0 : i32
        %dma_start3A_80 = arith.constant 0 : i32
        %dma_start3A_81 = tpu.memref_slice %arg12[%dma_start3A_79, %dma_start3A_80] : memref<10240x16xf32, #tpu.memory_space<vmem_shared>> -> memref<10240x16xf32, #tpu.memory_space<vmem_shared>>
        tpu.enqueue_indirect_dma source(%arg10 : memref<48x16xf32, #tpu.memory_space<vmem>>) target(%dma_start3A_81 : memref<10240x16xf32, #tpu.memory_space<vmem_shared>>) offsets(%dma_start3A_78 : memref<48xi32, #tpu.memory_space<vmem>>) semaphore(%arg14 : memref<!tpu.dma_semaphore, #tpu.memory_space<semaphore_mem>>) {add = true}
      } else {
      }
      %add3A_54 = arith.constant 1 : i32
      %add3A_55 = arith.addi %mul3A_24, %add3A_54 : i32
      %dma_wait3A_56 = arith.constant 0 : i32
      %dma_wait3A_57 = tpu.memref_slice %arg8[%add3A_55, %dma_wait3A_56] : memref<212x48xi32, #tpu.memory_space<vmem>> -> memref<1x48xi32, #tpu.memory_space<vmem>>
      %dma_wait3A_58 = tpu.memref_squeeze %dma_wait3A_57 : memref<1x48xi32, #tpu.memory_space<vmem>> -> memref<48xi32, #tpu.memory_space<vmem>>
      %dma_wait3A_59 = arith.constant 0 : i32
      %dma_wait3A_60 = arith.constant 0 : i32
      %dma_wait3A_61 = tpu.memref_slice %arg11[%dma_wait3A_59, %dma_wait3A_60] : memref<10240x16xf32, #tpu.memory_space<vmem_shared>> -> memref<10240x16xf32, #tpu.memory_space<vmem_shared>>
      tpu.wait_indirect_dma semaphore(%arg15 : memref<!tpu.dma_semaphore, #tpu.memory_space<semaphore_mem>>) src(%arg10 : memref<48x16xf32, #tpu.memory_space<vmem>>) dst(%dma_wait3A_61 : memref<10240x16xf32, #tpu.memory_space<vmem_shared>>)
      %dma_wait3A_62 = arith.constant 0 : i32
      %dma_wait3A_63 = tpu.memref_slice %arg9[%add3A_55, %dma_wait3A_62] : memref<212x48xi32, #tpu.memory_space<vmem>> -> memref<1x48xi32, #tpu.memory_space<vmem>>
      %dma_wait3A_64 = tpu.memref_squeeze %dma_wait3A_63 : memref<1x48xi32, #tpu.memory_space<vmem>> -> memref<48xi32, #tpu.memory_space<vmem>>
      %dma_wait3A_65 = arith.constant 0 : i32
      %dma_wait3A_66 = arith.constant 0 : i32
      %dma_wait3A_67 = tpu.memref_slice %arg12[%dma_wait3A_65, %dma_wait3A_66] : memref<10240x16xf32, #tpu.memory_space<vmem_shared>> -> memref<10240x16xf32, #tpu.memory_space<vmem_shared>>
      tpu.wait_indirect_dma semaphore(%arg16 : memref<!tpu.dma_semaphore, #tpu.memory_space<semaphore_mem>>) src(%arg10 : memref<48x16xf32, #tpu.memory_space<vmem>>) dst(%dma_wait3A_67 : memref<10240x16xf32, #tpu.memory_space<vmem_shared>>)
    }
    %scan3A_20 = arith.constant 106 : i32
    %barrier3A_21 = arith.constant 0 : index
    tpu.barrier barrier_id(%barrier3A_21)
    "tpu.region"() ({
      %run_scoped3A = tpu.sem_alloc : memref<!tpu.dma_semaphore, #tpu.memory_space<semaphore_mem>>
      %dma_start3A_22 = arith.constant 0 : i32
      %dma_start3A_23 = tpu.memref_slice %arg6[%arg0, %mul3A_2, %dma_start3A_22] : memref<2x10240x16xf32, #tpu.memory_space<hbm>> -> memref<1x640x16xf32, #tpu.memory_space<hbm>>
      %dma_start3A_24 = tpu.memref_squeeze %dma_start3A_23 : memref<1x640x16xf32, #tpu.memory_space<hbm>> -> memref<640x16xf32, #tpu.memory_space<hbm>>
      %dma_start3A_25 = arith.constant 0 : i32
      %dma_start3A_26 = tpu.memref_slice %arg11[%mul3A_2, %dma_start3A_25] : memref<10240x16xf32, #tpu.memory_space<vmem_shared>> -> memref<640x16xf32, #tpu.memory_space<vmem_shared>>
      tpu.enqueue_dma source(%dma_start3A_26 : memref<640x16xf32, #tpu.memory_space<vmem_shared>>) target(%dma_start3A_24 : memref<640x16xf32, #tpu.memory_space<hbm>>) target_semaphore(%run_scoped3A : memref<!tpu.dma_semaphore, #tpu.memory_space<semaphore_mem>>)
      %dma_wait3A = arith.constant 0 : i32
      %dma_wait3A_27 = tpu.memref_slice %arg6[%arg0, %mul3A_2, %dma_wait3A] : memref<2x10240x16xf32, #tpu.memory_space<hbm>> -> memref<1x640x16xf32, #tpu.memory_space<hbm>>
      %dma_wait3A_28 = tpu.memref_squeeze %dma_wait3A_27 : memref<1x640x16xf32, #tpu.memory_space<hbm>> -> memref<640x16xf32, #tpu.memory_space<hbm>>
      %dma_wait3A_29 = arith.constant 0 : i32
      %dma_wait3A_30 = tpu.memref_slice %arg11[%mul3A_2, %dma_wait3A_29] : memref<10240x16xf32, #tpu.memory_space<vmem_shared>> -> memref<640x16xf32, #tpu.memory_space<vmem_shared>>
      tpu.wait_dma2 semaphore(%run_scoped3A : memref<!tpu.dma_semaphore, #tpu.memory_space<semaphore_mem>>) src(%dma_wait3A_30 : memref<640x16xf32, #tpu.memory_space<vmem_shared>>) dst(%dma_wait3A_28 : memref<640x16xf32, #tpu.memory_space<hbm>>)
      tpu.yield
    }) : () -> ()
    "tpu.region"() ({
      %run_scoped3A = tpu.sem_alloc : memref<!tpu.dma_semaphore, #tpu.memory_space<semaphore_mem>>
      %dma_start3A_22 = arith.constant 0 : i32
      %dma_start3A_23 = tpu.memref_slice %arg7[%arg0, %mul3A_2, %dma_start3A_22] : memref<2x10240x16xf32, #tpu.memory_space<hbm>> -> memref<1x640x16xf32, #tpu.memory_space<hbm>>
      %dma_start3A_24 = tpu.memref_squeeze %dma_start3A_23 : memref<1x640x16xf32, #tpu.memory_space<hbm>> -> memref<640x16xf32, #tpu.memory_space<hbm>>
      %dma_start3A_25 = arith.constant 0 : i32
      %dma_start3A_26 = tpu.memref_slice %arg12[%mul3A_2, %dma_start3A_25] : memref<10240x16xf32, #tpu.memory_space<vmem_shared>> -> memref<640x16xf32, #tpu.memory_space<vmem_shared>>
      tpu.enqueue_dma source(%dma_start3A_26 : memref<640x16xf32, #tpu.memory_space<vmem_shared>>) target(%dma_start3A_24 : memref<640x16xf32, #tpu.memory_space<hbm>>) target_semaphore(%run_scoped3A : memref<!tpu.dma_semaphore, #tpu.memory_space<semaphore_mem>>)
      %dma_wait3A = arith.constant 0 : i32
      %dma_wait3A_27 = tpu.memref_slice %arg7[%arg0, %mul3A_2, %dma_wait3A] : memref<2x10240x16xf32, #tpu.memory_space<hbm>> -> memref<1x640x16xf32, #tpu.memory_space<hbm>>
      %dma_wait3A_28 = tpu.memref_squeeze %dma_wait3A_27 : memref<1x640x16xf32, #tpu.memory_space<hbm>> -> memref<640x16xf32, #tpu.memory_space<hbm>>
      %dma_wait3A_29 = arith.constant 0 : i32
      %dma_wait3A_30 = tpu.memref_slice %arg12[%mul3A_2, %dma_wait3A_29] : memref<10240x16xf32, #tpu.memory_space<vmem_shared>> -> memref<640x16xf32, #tpu.memory_space<vmem_shared>>
      tpu.wait_dma2 semaphore(%run_scoped3A : memref<!tpu.dma_semaphore, #tpu.memory_space<semaphore_mem>>) src(%dma_wait3A_30 : memref<640x16xf32, #tpu.memory_space<vmem_shared>>) dst(%dma_wait3A_28 : memref<640x16xf32, #tpu.memory_space<hbm>>)
      tpu.yield
    }) : () -> ()
    return
  }
}

#map = affine_map<(d0, d1) -> (0, 0, 0)>
#map1 = affine_map<(d0, d1) -> (0, 0)>
module attributes {stable_mosaic.version = 14 : i64} {
  func.func @prop(%arg0: i32, %arg1: i32, %arg2: memref<32x212x48xi32, #tpu.memory_space<hbm>>, %arg3: memref<32x212x48xi32, #tpu.memory_space<hbm>>, %arg4: memref<10240x48xf32, #tpu.memory_space<hbm>>, %arg5: memref<640x48xf32, #tpu.memory_space<hbm>>, %arg6: memref<2x10240x48xf32, #tpu.memory_space<hbm>>, %arg7: memref<212x48xi32, #tpu.memory_space<vmem>>, %arg8: memref<212x48xi32, #tpu.memory_space<vmem>>, %arg9: memref<48x48xf32, #tpu.memory_space<vmem>>, %arg10: memref<48x48xf32, #tpu.memory_space<vmem>>, %arg11: memref<48x48xf32, #tpu.memory_space<vmem>>, %arg12: memref<48x48xf32, #tpu.memory_space<vmem>>, %arg13: memref<10240x48xf32, #tpu.memory_space<vmem_shared>>, %arg14: memref<!tpu.dma_semaphore, #tpu.memory_space<semaphore_mem>>, %arg15: memref<!tpu.dma_semaphore, #tpu.memory_space<semaphore_mem>>, %arg16: memref<!tpu.dma_semaphore, #tpu.memory_space<semaphore_mem>>, %arg17: memref<!tpu.dma_semaphore, #tpu.memory_space<semaphore_mem>>, %arg18: memref<!tpu.dma_semaphore, #tpu.memory_space<semaphore_mem>>, %arg19: memref<!tpu.dma_semaphore, #tpu.memory_space<semaphore_mem>>, %arg20: memref<!tpu.dma_semaphore, #tpu.memory_space<semaphore_mem>>, %arg21: memref<!tpu.dma_semaphore, #tpu.memory_space<semaphore_mem>>, %arg22: memref<10240x48xf32, #tpu.memory_space<vmem_shared>>) attributes {dimension_semantics = [#tpu.dimension_semantics<core_parallel>, #tpu.dimension_semantics<subcore_parallel>], iteration_bounds = array<i64: 2, 16>, scalar_prefetch = 0 : i64, scratch_operands = 16 : i64, tpu.core_type = #tpu.core_type<sc_vector_subcore>, window_params = [{transform_indices = #map}, {transform_indices = #map}, {transform_indices = #map1}, {transform_indices = #map1}, {transform_indices = #map}]} {
    %mul3A = arith.constant 2 : i32
    %mul3A_0 = arith.muli %arg1, %mul3A : i32
    %add3A = arith.addi %mul3A_0, %arg0 : i32
    "tpu.region"() ({
      %run_scoped3A = tpu.sem_alloc : memref<!tpu.dma_semaphore, #tpu.memory_space<semaphore_mem>>
      %dma_start3A_35 = arith.constant 0 : i32
      %dma_start3A_36 = arith.constant 0 : i32
      %dma_start3A_37 = tpu.memref_slice %arg2[%add3A, %dma_start3A_35, %dma_start3A_36] : memref<32x212x48xi32, #tpu.memory_space<hbm>> -> memref<1x212x48xi32, #tpu.memory_space<hbm>>
      %dma_start3A_38 = tpu.memref_squeeze %dma_start3A_37 : memref<1x212x48xi32, #tpu.memory_space<hbm>> -> memref<212x48xi32, #tpu.memory_space<hbm>>
      %dma_start3A_39 = arith.constant 0 : i32
      %dma_start3A_40 = arith.constant 0 : i32
      %dma_start3A_41 = tpu.memref_slice %arg2[%add3A, %dma_start3A_39, %dma_start3A_40] : memref<32x212x48xi32, #tpu.memory_space<hbm>> -> memref<1x212x48xi32, #tpu.memory_space<hbm>>
      %dma_start3A_42 = tpu.memref_squeeze %dma_start3A_41 : memref<1x212x48xi32, #tpu.memory_space<hbm>> -> memref<212x48xi32, #tpu.memory_space<hbm>>
      tpu.enqueue_dma source(%dma_start3A_42 : memref<212x48xi32, #tpu.memory_space<hbm>>) target(%arg7 : memref<212x48xi32, #tpu.memory_space<vmem>>) target_semaphore(%run_scoped3A : memref<!tpu.dma_semaphore, #tpu.memory_space<semaphore_mem>>)
      %dma_wait3A_43 = arith.constant 0 : i32
      %dma_wait3A_44 = arith.constant 0 : i32
      %dma_wait3A_45 = tpu.memref_slice %arg2[%add3A, %dma_wait3A_43, %dma_wait3A_44] : memref<32x212x48xi32, #tpu.memory_space<hbm>> -> memref<1x212x48xi32, #tpu.memory_space<hbm>>
      %dma_wait3A_46 = tpu.memref_squeeze %dma_wait3A_45 : memref<1x212x48xi32, #tpu.memory_space<hbm>> -> memref<212x48xi32, #tpu.memory_space<hbm>>
      %dma_wait3A_47 = arith.constant 0 : i32
      %dma_wait3A_48 = arith.constant 0 : i32
      %dma_wait3A_49 = tpu.memref_slice %arg2[%add3A, %dma_wait3A_47, %dma_wait3A_48] : memref<32x212x48xi32, #tpu.memory_space<hbm>> -> memref<1x212x48xi32, #tpu.memory_space<hbm>>
      %dma_wait3A_50 = tpu.memref_squeeze %dma_wait3A_49 : memref<1x212x48xi32, #tpu.memory_space<hbm>> -> memref<212x48xi32, #tpu.memory_space<hbm>>
      tpu.wait_dma2 semaphore(%run_scoped3A : memref<!tpu.dma_semaphore, #tpu.memory_space<semaphore_mem>>) src(%dma_wait3A_50 : memref<212x48xi32, #tpu.memory_space<hbm>>) dst(%arg7 : memref<212x48xi32, #tpu.memory_space<vmem>>)
      tpu.yield
    }) : () -> ()
    "tpu.region"() ({
      %run_scoped3A = tpu.sem_alloc : memref<!tpu.dma_semaphore, #tpu.memory_space<semaphore_mem>>
      %dma_start3A_35 = arith.constant 0 : i32
      %dma_start3A_36 = arith.constant 0 : i32
      %dma_start3A_37 = tpu.memref_slice %arg3[%add3A, %dma_start3A_35, %dma_start3A_36] : memref<32x212x48xi32, #tpu.memory_space<hbm>> -> memref<1x212x48xi32, #tpu.memory_space<hbm>>
      %dma_start3A_38 = tpu.memref_squeeze %dma_start3A_37 : memref<1x212x48xi32, #tpu.memory_space<hbm>> -> memref<212x48xi32, #tpu.memory_space<hbm>>
      %dma_start3A_39 = arith.constant 0 : i32
      %dma_start3A_40 = arith.constant 0 : i32
      %dma_start3A_41 = tpu.memref_slice %arg3[%add3A, %dma_start3A_39, %dma_start3A_40] : memref<32x212x48xi32, #tpu.memory_space<hbm>> -> memref<1x212x48xi32, #tpu.memory_space<hbm>>
      %dma_start3A_42 = tpu.memref_squeeze %dma_start3A_41 : memref<1x212x48xi32, #tpu.memory_space<hbm>> -> memref<212x48xi32, #tpu.memory_space<hbm>>
      tpu.enqueue_dma source(%dma_start3A_42 : memref<212x48xi32, #tpu.memory_space<hbm>>) target(%arg8 : memref<212x48xi32, #tpu.memory_space<vmem>>) target_semaphore(%run_scoped3A : memref<!tpu.dma_semaphore, #tpu.memory_space<semaphore_mem>>)
      %dma_wait3A_43 = arith.constant 0 : i32
      %dma_wait3A_44 = arith.constant 0 : i32
      %dma_wait3A_45 = tpu.memref_slice %arg3[%add3A, %dma_wait3A_43, %dma_wait3A_44] : memref<32x212x48xi32, #tpu.memory_space<hbm>> -> memref<1x212x48xi32, #tpu.memory_space<hbm>>
      %dma_wait3A_46 = tpu.memref_squeeze %dma_wait3A_45 : memref<1x212x48xi32, #tpu.memory_space<hbm>> -> memref<212x48xi32, #tpu.memory_space<hbm>>
      %dma_wait3A_47 = arith.constant 0 : i32
      %dma_wait3A_48 = arith.constant 0 : i32
      %dma_wait3A_49 = tpu.memref_slice %arg3[%add3A, %dma_wait3A_47, %dma_wait3A_48] : memref<32x212x48xi32, #tpu.memory_space<hbm>> -> memref<1x212x48xi32, #tpu.memory_space<hbm>>
      %dma_wait3A_50 = tpu.memref_squeeze %dma_wait3A_49 : memref<1x212x48xi32, #tpu.memory_space<hbm>> -> memref<212x48xi32, #tpu.memory_space<hbm>>
      tpu.wait_dma2 semaphore(%run_scoped3A : memref<!tpu.dma_semaphore, #tpu.memory_space<semaphore_mem>>) src(%dma_wait3A_50 : memref<212x48xi32, #tpu.memory_space<hbm>>) dst(%arg8 : memref<212x48xi32, #tpu.memory_space<vmem>>)
      tpu.yield
    }) : () -> ()
    %mul3A_1 = arith.constant 640 : i32
    %mul3A_2 = arith.muli %arg1, %mul3A_1 : i32
    "tpu.region"() ({
      %run_scoped3A = tpu.sem_alloc : memref<!tpu.dma_semaphore, #tpu.memory_space<semaphore_mem>>
      %dma_start3A_35 = arith.constant 0 : i32
      %dma_start3A_36 = tpu.memref_slice %arg13[%mul3A_2, %dma_start3A_35] : memref<10240x48xf32, #tpu.memory_space<vmem_shared>> -> memref<640x48xf32, #tpu.memory_space<vmem_shared>>
      tpu.enqueue_dma source(%arg5 : memref<640x48xf32, #tpu.memory_space<hbm>>) target(%dma_start3A_36 : memref<640x48xf32, #tpu.memory_space<vmem_shared>>) target_semaphore(%run_scoped3A : memref<!tpu.dma_semaphore, #tpu.memory_space<semaphore_mem>>)
      %dma_wait3A_37 = arith.constant 0 : i32
      %dma_wait3A_38 = tpu.memref_slice %arg13[%mul3A_2, %dma_wait3A_37] : memref<10240x48xf32, #tpu.memory_space<vmem_shared>> -> memref<640x48xf32, #tpu.memory_space<vmem_shared>>
      tpu.wait_dma2 semaphore(%run_scoped3A : memref<!tpu.dma_semaphore, #tpu.memory_space<semaphore_mem>>) src(%arg5 : memref<640x48xf32, #tpu.memory_space<hbm>>) dst(%dma_wait3A_38 : memref<640x48xf32, #tpu.memory_space<vmem_shared>>)
      tpu.yield
    }) : () -> ()
    "tpu.region"() ({
      %run_scoped3A = tpu.sem_alloc : memref<!tpu.dma_semaphore, #tpu.memory_space<semaphore_mem>>
      %dma_start3A_35 = arith.constant 0 : i32
      %dma_start3A_36 = tpu.memref_slice %arg22[%mul3A_2, %dma_start3A_35] : memref<10240x48xf32, #tpu.memory_space<vmem_shared>> -> memref<640x48xf32, #tpu.memory_space<vmem_shared>>
      %dma_start3A_37 = arith.constant 0 : i32
      %dma_start3A_38 = tpu.memref_slice %arg4[%mul3A_2, %dma_start3A_37] : memref<10240x48xf32, #tpu.memory_space<hbm>> -> memref<640x48xf32, #tpu.memory_space<hbm>>
      tpu.enqueue_dma source(%dma_start3A_38 : memref<640x48xf32, #tpu.memory_space<hbm>>) target(%dma_start3A_36 : memref<640x48xf32, #tpu.memory_space<vmem_shared>>) target_semaphore(%run_scoped3A : memref<!tpu.dma_semaphore, #tpu.memory_space<semaphore_mem>>)
      %dma_wait3A_39 = arith.constant 0 : i32
      %dma_wait3A_40 = tpu.memref_slice %arg22[%mul3A_2, %dma_wait3A_39] : memref<10240x48xf32, #tpu.memory_space<vmem_shared>> -> memref<640x48xf32, #tpu.memory_space<vmem_shared>>
      %dma_wait3A_41 = arith.constant 0 : i32
      %dma_wait3A_42 = tpu.memref_slice %arg4[%mul3A_2, %dma_wait3A_41] : memref<10240x48xf32, #tpu.memory_space<hbm>> -> memref<640x48xf32, #tpu.memory_space<hbm>>
      tpu.wait_dma2 semaphore(%run_scoped3A : memref<!tpu.dma_semaphore, #tpu.memory_space<semaphore_mem>>) src(%dma_wait3A_42 : memref<640x48xf32, #tpu.memory_space<hbm>>) dst(%dma_wait3A_40 : memref<640x48xf32, #tpu.memory_space<vmem_shared>>)
      tpu.yield
    }) : () -> ()
    %barrier3A = arith.constant 0 : index
    tpu.barrier barrier_id(%barrier3A)
    %dma_start3A = arith.constant 0 : i32
    %dma_start3A_3 = arith.constant 0 : i32
    %dma_start3A_4 = tpu.memref_slice %arg7[%dma_start3A, %dma_start3A_3] : memref<212x48xi32, #tpu.memory_space<vmem>> -> memref<1x48xi32, #tpu.memory_space<vmem>>
    %dma_start3A_5 = tpu.memref_squeeze %dma_start3A_4 : memref<1x48xi32, #tpu.memory_space<vmem>> -> memref<48xi32, #tpu.memory_space<vmem>>
    %dma_start3A_6 = arith.constant 0 : i32
    %dma_start3A_7 = arith.constant 0 : i32
    %dma_start3A_8 = tpu.memref_slice %arg22[%dma_start3A_6, %dma_start3A_7] : memref<10240x48xf32, #tpu.memory_space<vmem_shared>> -> memref<10240x48xf32, #tpu.memory_space<vmem_shared>>
    tpu.enqueue_indirect_dma source(%dma_start3A_8 : memref<10240x48xf32, #tpu.memory_space<vmem_shared>>) target(%arg9 : memref<48x48xf32, #tpu.memory_space<vmem>>) offsets(%dma_start3A_5 : memref<48xi32, #tpu.memory_space<vmem>>) semaphore(%arg14 : memref<!tpu.dma_semaphore, #tpu.memory_space<semaphore_mem>>)
    %dma_start3A_9 = arith.constant 1 : i32
    %dma_start3A_10 = arith.constant 0 : i32
    %dma_start3A_11 = tpu.memref_slice %arg7[%dma_start3A_9, %dma_start3A_10] : memref<212x48xi32, #tpu.memory_space<vmem>> -> memref<1x48xi32, #tpu.memory_space<vmem>>
    %dma_start3A_12 = tpu.memref_squeeze %dma_start3A_11 : memref<1x48xi32, #tpu.memory_space<vmem>> -> memref<48xi32, #tpu.memory_space<vmem>>
    %dma_start3A_13 = arith.constant 0 : i32
    %dma_start3A_14 = arith.constant 0 : i32
    %dma_start3A_15 = tpu.memref_slice %arg22[%dma_start3A_13, %dma_start3A_14] : memref<10240x48xf32, #tpu.memory_space<vmem_shared>> -> memref<10240x48xf32, #tpu.memory_space<vmem_shared>>
    tpu.enqueue_indirect_dma source(%dma_start3A_15 : memref<10240x48xf32, #tpu.memory_space<vmem_shared>>) target(%arg10 : memref<48x48xf32, #tpu.memory_space<vmem>>) offsets(%dma_start3A_12 : memref<48xi32, #tpu.memory_space<vmem>>) semaphore(%arg15 : memref<!tpu.dma_semaphore, #tpu.memory_space<semaphore_mem>>)
    %dma_start3A_16 = arith.constant 2 : i32
    %dma_start3A_17 = arith.constant 0 : i32
    %dma_start3A_18 = tpu.memref_slice %arg7[%dma_start3A_16, %dma_start3A_17] : memref<212x48xi32, #tpu.memory_space<vmem>> -> memref<1x48xi32, #tpu.memory_space<vmem>>
    %dma_start3A_19 = tpu.memref_squeeze %dma_start3A_18 : memref<1x48xi32, #tpu.memory_space<vmem>> -> memref<48xi32, #tpu.memory_space<vmem>>
    %dma_start3A_20 = arith.constant 0 : i32
    %dma_start3A_21 = arith.constant 0 : i32
    %dma_start3A_22 = tpu.memref_slice %arg22[%dma_start3A_20, %dma_start3A_21] : memref<10240x48xf32, #tpu.memory_space<vmem_shared>> -> memref<10240x48xf32, #tpu.memory_space<vmem_shared>>
    tpu.enqueue_indirect_dma source(%dma_start3A_22 : memref<10240x48xf32, #tpu.memory_space<vmem_shared>>) target(%arg11 : memref<48x48xf32, #tpu.memory_space<vmem>>) offsets(%dma_start3A_19 : memref<48xi32, #tpu.memory_space<vmem>>) semaphore(%arg16 : memref<!tpu.dma_semaphore, #tpu.memory_space<semaphore_mem>>)
    %scan3A = arith.constant 0 : i32
    %scan3A_23 = arith.constant 0 : i32
    %scan3A_24 = arith.constant 53 : i32
    %scan3A_25 = arith.addi %scan3A_23, %scan3A_24 : i32
    %scan3A_26 = arith.constant 1 : i32
    scf.for %scan3A_35 = %scan3A_23 to %scan3A_25 step %scan3A_26  : i32 {
      %mul3A_36 = arith.constant 4 : i32
      %mul3A_37 = arith.muli %scan3A_35, %mul3A_36 : i32
      %add3A_38 = arith.constant 0 : i32
      %add3A_39 = arith.addi %mul3A_37, %add3A_38 : i32
      %dma_wait3A_40 = arith.constant 0 : i32
      %dma_wait3A_41 = tpu.memref_slice %arg7[%add3A_39, %dma_wait3A_40] : memref<212x48xi32, #tpu.memory_space<vmem>> -> memref<1x48xi32, #tpu.memory_space<vmem>>
      %dma_wait3A_42 = tpu.memref_squeeze %dma_wait3A_41 : memref<1x48xi32, #tpu.memory_space<vmem>> -> memref<48xi32, #tpu.memory_space<vmem>>
      %dma_wait3A_43 = arith.constant 0 : i32
      %dma_wait3A_44 = arith.constant 0 : i32
      %dma_wait3A_45 = tpu.memref_slice %arg22[%dma_wait3A_43, %dma_wait3A_44] : memref<10240x48xf32, #tpu.memory_space<vmem_shared>> -> memref<10240x48xf32, #tpu.memory_space<vmem_shared>>
      tpu.wait_indirect_dma semaphore(%arg14 : memref<!tpu.dma_semaphore, #tpu.memory_space<semaphore_mem>>) src(%dma_wait3A_45 : memref<10240x48xf32, #tpu.memory_space<vmem_shared>>) dst(%arg9 : memref<48x48xf32, #tpu.memory_space<vmem>>)
      %dma_start3A_46 = arith.constant 0 : i32
      %dma_start3A_47 = tpu.memref_slice %arg8[%add3A_39, %dma_start3A_46] : memref<212x48xi32, #tpu.memory_space<vmem>> -> memref<1x48xi32, #tpu.memory_space<vmem>>
      %dma_start3A_48 = tpu.memref_squeeze %dma_start3A_47 : memref<1x48xi32, #tpu.memory_space<vmem>> -> memref<48xi32, #tpu.memory_space<vmem>>
      %dma_start3A_49 = arith.constant 0 : i32
      %dma_start3A_50 = arith.constant 0 : i32
      %dma_start3A_51 = tpu.memref_slice %arg13[%dma_start3A_49, %dma_start3A_50] : memref<10240x48xf32, #tpu.memory_space<vmem_shared>> -> memref<10240x48xf32, #tpu.memory_space<vmem_shared>>
      tpu.enqueue_indirect_dma source(%arg9 : memref<48x48xf32, #tpu.memory_space<vmem>>) target(%dma_start3A_51 : memref<10240x48xf32, #tpu.memory_space<vmem_shared>>) offsets(%dma_start3A_48 : memref<48xi32, #tpu.memory_space<vmem>>) semaphore(%arg18 : memref<!tpu.dma_semaphore, #tpu.memory_space<semaphore_mem>>) {add = true}
      %ge3A = arith.constant 1 : i32
      %ge3A_52 = arith.cmpi sge, %add3A_39, %ge3A : i32
      %convert_element_type3A = arith.extui %ge3A_52 : i1 to i32
      %cond3A = arith.constant 0 : i32
      %cond3A_53 = arith.cmpi ne, %convert_element_type3A, %cond3A : i32
      scf.if %cond3A_53 {
        %sub3A_145 = arith.constant 1 : i32
        %sub3A_146 = arith.subi %add3A_39, %sub3A_145 : i32
        %dma_wait3A_147 = arith.constant 0 : i32
        %dma_wait3A_148 = tpu.memref_slice %arg8[%sub3A_146, %dma_wait3A_147] : memref<212x48xi32, #tpu.memory_space<vmem>> -> memref<1x48xi32, #tpu.memory_space<vmem>>
        %dma_wait3A_149 = tpu.memref_squeeze %dma_wait3A_148 : memref<1x48xi32, #tpu.memory_space<vmem>> -> memref<48xi32, #tpu.memory_space<vmem>>
        %dma_wait3A_150 = arith.constant 0 : i32
        %dma_wait3A_151 = arith.constant 0 : i32
        %dma_wait3A_152 = tpu.memref_slice %arg13[%dma_wait3A_150, %dma_wait3A_151] : memref<10240x48xf32, #tpu.memory_space<vmem_shared>> -> memref<10240x48xf32, #tpu.memory_space<vmem_shared>>
        tpu.wait_indirect_dma semaphore(%arg21 : memref<!tpu.dma_semaphore, #tpu.memory_space<semaphore_mem>>) src(%arg12 : memref<48x48xf32, #tpu.memory_space<vmem>>) dst(%dma_wait3A_152 : memref<10240x48xf32, #tpu.memory_space<vmem_shared>>)
      } else {
      }
      %add3A_54 = arith.constant 4 : i32
      %add3A_55 = arith.addi %add3A_39, %add3A_54 : i32
      %sub3A = arith.constant 1 : i32
      %sub3A_56 = arith.subi %add3A_55, %sub3A : i32
      %lt3A = arith.constant 212 : i32
      %lt3A_57 = arith.cmpi slt, %sub3A_56, %lt3A : i32
      %convert_element_type3A_58 = arith.extui %lt3A_57 : i1 to i32
      %cond3A_59 = arith.constant 0 : i32
      %cond3A_60 = arith.cmpi ne, %convert_element_type3A_58, %cond3A_59 : i32
      scf.if %cond3A_60 {
        %add3A_145 = arith.constant 4 : i32
        %add3A_146 = arith.addi %add3A_39, %add3A_145 : i32
        %sub3A_147 = arith.constant 1 : i32
        %sub3A_148 = arith.subi %add3A_146, %sub3A_147 : i32
        %dma_start3A_149 = arith.constant 0 : i32
        %dma_start3A_150 = tpu.memref_slice %arg7[%sub3A_148, %dma_start3A_149] : memref<212x48xi32, #tpu.memory_space<vmem>> -> memref<1x48xi32, #tpu.memory_space<vmem>>
        %dma_start3A_151 = tpu.memref_squeeze %dma_start3A_150 : memref<1x48xi32, #tpu.memory_space<vmem>> -> memref<48xi32, #tpu.memory_space<vmem>>
        %dma_start3A_152 = arith.constant 0 : i32
        %dma_start3A_153 = arith.constant 0 : i32
        %dma_start3A_154 = tpu.memref_slice %arg22[%dma_start3A_152, %dma_start3A_153] : memref<10240x48xf32, #tpu.memory_space<vmem_shared>> -> memref<10240x48xf32, #tpu.memory_space<vmem_shared>>
        tpu.enqueue_indirect_dma source(%dma_start3A_154 : memref<10240x48xf32, #tpu.memory_space<vmem_shared>>) target(%arg12 : memref<48x48xf32, #tpu.memory_space<vmem>>) offsets(%dma_start3A_151 : memref<48xi32, #tpu.memory_space<vmem>>) semaphore(%arg17 : memref<!tpu.dma_semaphore, #tpu.memory_space<semaphore_mem>>)
      } else {
      }
      %add3A_61 = arith.constant 1 : i32
      %add3A_62 = arith.addi %mul3A_37, %add3A_61 : i32
      %dma_wait3A_63 = arith.constant 0 : i32
      %dma_wait3A_64 = tpu.memref_slice %arg7[%add3A_62, %dma_wait3A_63] : memref<212x48xi32, #tpu.memory_space<vmem>> -> memref<1x48xi32, #tpu.memory_space<vmem>>
      %dma_wait3A_65 = tpu.memref_squeeze %dma_wait3A_64 : memref<1x48xi32, #tpu.memory_space<vmem>> -> memref<48xi32, #tpu.memory_space<vmem>>
      %dma_wait3A_66 = arith.constant 0 : i32
      %dma_wait3A_67 = arith.constant 0 : i32
      %dma_wait3A_68 = tpu.memref_slice %arg22[%dma_wait3A_66, %dma_wait3A_67] : memref<10240x48xf32, #tpu.memory_space<vmem_shared>> -> memref<10240x48xf32, #tpu.memory_space<vmem_shared>>
      tpu.wait_indirect_dma semaphore(%arg15 : memref<!tpu.dma_semaphore, #tpu.memory_space<semaphore_mem>>) src(%dma_wait3A_68 : memref<10240x48xf32, #tpu.memory_space<vmem_shared>>) dst(%arg10 : memref<48x48xf32, #tpu.memory_space<vmem>>)
      %dma_start3A_69 = arith.constant 0 : i32
      %dma_start3A_70 = tpu.memref_slice %arg8[%add3A_62, %dma_start3A_69] : memref<212x48xi32, #tpu.memory_space<vmem>> -> memref<1x48xi32, #tpu.memory_space<vmem>>
      %dma_start3A_71 = tpu.memref_squeeze %dma_start3A_70 : memref<1x48xi32, #tpu.memory_space<vmem>> -> memref<48xi32, #tpu.memory_space<vmem>>
      %dma_start3A_72 = arith.constant 0 : i32
      %dma_start3A_73 = arith.constant 0 : i32
      %dma_start3A_74 = tpu.memref_slice %arg13[%dma_start3A_72, %dma_start3A_73] : memref<10240x48xf32, #tpu.memory_space<vmem_shared>> -> memref<10240x48xf32, #tpu.memory_space<vmem_shared>>
      tpu.enqueue_indirect_dma source(%arg10 : memref<48x48xf32, #tpu.memory_space<vmem>>) target(%dma_start3A_74 : memref<10240x48xf32, #tpu.memory_space<vmem_shared>>) offsets(%dma_start3A_71 : memref<48xi32, #tpu.memory_space<vmem>>) semaphore(%arg19 : memref<!tpu.dma_semaphore, #tpu.memory_space<semaphore_mem>>) {add = true}
      %ge3A_75 = arith.constant 1 : i32
      %ge3A_76 = arith.cmpi sge, %add3A_62, %ge3A_75 : i32
      %convert_element_type3A_77 = arith.extui %ge3A_76 : i1 to i32
      %cond3A_78 = arith.constant 0 : i32
      %cond3A_79 = arith.cmpi ne, %convert_element_type3A_77, %cond3A_78 : i32
      scf.if %cond3A_79 {
        %sub3A_145 = arith.constant 1 : i32
        %sub3A_146 = arith.subi %add3A_62, %sub3A_145 : i32
        %dma_wait3A_147 = arith.constant 0 : i32
        %dma_wait3A_148 = tpu.memref_slice %arg8[%sub3A_146, %dma_wait3A_147] : memref<212x48xi32, #tpu.memory_space<vmem>> -> memref<1x48xi32, #tpu.memory_space<vmem>>
        %dma_wait3A_149 = tpu.memref_squeeze %dma_wait3A_148 : memref<1x48xi32, #tpu.memory_space<vmem>> -> memref<48xi32, #tpu.memory_space<vmem>>
        %dma_wait3A_150 = arith.constant 0 : i32
        %dma_wait3A_151 = arith.constant 0 : i32
        %dma_wait3A_152 = tpu.memref_slice %arg13[%dma_wait3A_150, %dma_wait3A_151] : memref<10240x48xf32, #tpu.memory_space<vmem_shared>> -> memref<10240x48xf32, #tpu.memory_space<vmem_shared>>
        tpu.wait_indirect_dma semaphore(%arg18 : memref<!tpu.dma_semaphore, #tpu.memory_space<semaphore_mem>>) src(%arg9 : memref<48x48xf32, #tpu.memory_space<vmem>>) dst(%dma_wait3A_152 : memref<10240x48xf32, #tpu.memory_space<vmem_shared>>)
      } else {
      }
      %add3A_80 = arith.constant 4 : i32
      %add3A_81 = arith.addi %add3A_62, %add3A_80 : i32
      %sub3A_82 = arith.constant 1 : i32
      %sub3A_83 = arith.subi %add3A_81, %sub3A_82 : i32
      %lt3A_84 = arith.constant 212 : i32
      %lt3A_85 = arith.cmpi slt, %sub3A_83, %lt3A_84 : i32
      %convert_element_type3A_86 = arith.extui %lt3A_85 : i1 to i32
      %cond3A_87 = arith.constant 0 : i32
      %cond3A_88 = arith.cmpi ne, %convert_element_type3A_86, %cond3A_87 : i32
      scf.if %cond3A_88 {
        %add3A_145 = arith.constant 4 : i32
        %add3A_146 = arith.addi %add3A_62, %add3A_145 : i32
        %sub3A_147 = arith.constant 1 : i32
        %sub3A_148 = arith.subi %add3A_146, %sub3A_147 : i32
        %dma_start3A_149 = arith.constant 0 : i32
        %dma_start3A_150 = tpu.memref_slice %arg7[%sub3A_148, %dma_start3A_149] : memref<212x48xi32, #tpu.memory_space<vmem>> -> memref<1x48xi32, #tpu.memory_space<vmem>>
        %dma_start3A_151 = tpu.memref_squeeze %dma_start3A_150 : memref<1x48xi32, #tpu.memory_space<vmem>> -> memref<48xi32, #tpu.memory_space<vmem>>
        %dma_start3A_152 = arith.constant 0 : i32
        %dma_start3A_153 = arith.constant 0 : i32
        %dma_start3A_154 = tpu.memref_slice %arg22[%dma_start3A_152, %dma_start3A_153] : memref<10240x48xf32, #tpu.memory_space<vmem_shared>> -> memref<10240x48xf32, #tpu.memory_space<vmem_shared>>
        tpu.enqueue_indirect_dma source(%dma_start3A_154 : memref<10240x48xf32, #tpu.memory_space<vmem_shared>>) target(%arg9 : memref<48x48xf32, #tpu.memory_space<vmem>>) offsets(%dma_start3A_151 : memref<48xi32, #tpu.memory_space<vmem>>) semaphore(%arg14 : memref<!tpu.dma_semaphore, #tpu.memory_space<semaphore_mem>>)
      } else {
      }
      %add3A_89 = arith.constant 2 : i32
      %add3A_90 = arith.addi %mul3A_37, %add3A_89 : i32
      %dma_wait3A_91 = arith.constant 0 : i32
      %dma_wait3A_92 = tpu.memref_slice %arg7[%add3A_90, %dma_wait3A_91] : memref<212x48xi32, #tpu.memory_space<vmem>> -> memref<1x48xi32, #tpu.memory_space<vmem>>
      %dma_wait3A_93 = tpu.memref_squeeze %dma_wait3A_92 : memref<1x48xi32, #tpu.memory_space<vmem>> -> memref<48xi32, #tpu.memory_space<vmem>>
      %dma_wait3A_94 = arith.constant 0 : i32
      %dma_wait3A_95 = arith.constant 0 : i32
      %dma_wait3A_96 = tpu.memref_slice %arg22[%dma_wait3A_94, %dma_wait3A_95] : memref<10240x48xf32, #tpu.memory_space<vmem_shared>> -> memref<10240x48xf32, #tpu.memory_space<vmem_shared>>
      tpu.wait_indirect_dma semaphore(%arg16 : memref<!tpu.dma_semaphore, #tpu.memory_space<semaphore_mem>>) src(%dma_wait3A_96 : memref<10240x48xf32, #tpu.memory_space<vmem_shared>>) dst(%arg11 : memref<48x48xf32, #tpu.memory_space<vmem>>)
      %dma_start3A_97 = arith.constant 0 : i32
      %dma_start3A_98 = tpu.memref_slice %arg8[%add3A_90, %dma_start3A_97] : memref<212x48xi32, #tpu.memory_space<vmem>> -> memref<1x48xi32, #tpu.memory_space<vmem>>
      %dma_start3A_99 = tpu.memref_squeeze %dma_start3A_98 : memref<1x48xi32, #tpu.memory_space<vmem>> -> memref<48xi32, #tpu.memory_space<vmem>>
      %dma_start3A_100 = arith.constant 0 : i32
      %dma_start3A_101 = arith.constant 0 : i32
      %dma_start3A_102 = tpu.memref_slice %arg13[%dma_start3A_100, %dma_start3A_101] : memref<10240x48xf32, #tpu.memory_space<vmem_shared>> -> memref<10240x48xf32, #tpu.memory_space<vmem_shared>>
      tpu.enqueue_indirect_dma source(%arg11 : memref<48x48xf32, #tpu.memory_space<vmem>>) target(%dma_start3A_102 : memref<10240x48xf32, #tpu.memory_space<vmem_shared>>) offsets(%dma_start3A_99 : memref<48xi32, #tpu.memory_space<vmem>>) semaphore(%arg20 : memref<!tpu.dma_semaphore, #tpu.memory_space<semaphore_mem>>) {add = true}
      %ge3A_103 = arith.constant 1 : i32
      %ge3A_104 = arith.cmpi sge, %add3A_90, %ge3A_103 : i32
      %convert_element_type3A_105 = arith.extui %ge3A_104 : i1 to i32
      %cond3A_106 = arith.constant 0 : i32
      %cond3A_107 = arith.cmpi ne, %convert_element_type3A_105, %cond3A_106 : i32
      scf.if %cond3A_107 {
        %sub3A_145 = arith.constant 1 : i32
        %sub3A_146 = arith.subi %add3A_90, %sub3A_145 : i32
        %dma_wait3A_147 = arith.constant 0 : i32
        %dma_wait3A_148 = tpu.memref_slice %arg8[%sub3A_146, %dma_wait3A_147] : memref<212x48xi32, #tpu.memory_space<vmem>> -> memref<1x48xi32, #tpu.memory_space<vmem>>
        %dma_wait3A_149 = tpu.memref_squeeze %dma_wait3A_148 : memref<1x48xi32, #tpu.memory_space<vmem>> -> memref<48xi32, #tpu.memory_space<vmem>>
        %dma_wait3A_150 = arith.constant 0 : i32
        %dma_wait3A_151 = arith.constant 0 : i32
        %dma_wait3A_152 = tpu.memref_slice %arg13[%dma_wait3A_150, %dma_wait3A_151] : memref<10240x48xf32, #tpu.memory_space<vmem_shared>> -> memref<10240x48xf32, #tpu.memory_space<vmem_shared>>
        tpu.wait_indirect_dma semaphore(%arg19 : memref<!tpu.dma_semaphore, #tpu.memory_space<semaphore_mem>>) src(%arg10 : memref<48x48xf32, #tpu.memory_space<vmem>>) dst(%dma_wait3A_152 : memref<10240x48xf32, #tpu.memory_space<vmem_shared>>)
      } else {
      }
      %add3A_108 = arith.constant 4 : i32
      %add3A_109 = arith.addi %add3A_90, %add3A_108 : i32
      %sub3A_110 = arith.constant 1 : i32
      %sub3A_111 = arith.subi %add3A_109, %sub3A_110 : i32
      %lt3A_112 = arith.constant 212 : i32
      %lt3A_113 = arith.cmpi slt, %sub3A_111, %lt3A_112 : i32
      %convert_element_type3A_114 = arith.extui %lt3A_113 : i1 to i32
      %cond3A_115 = arith.constant 0 : i32
      %cond3A_116 = arith.cmpi ne, %convert_element_type3A_114, %cond3A_115 : i32
      scf.if %cond3A_116 {
        %add3A_145 = arith.constant 4 : i32
        %add3A_146 = arith.addi %add3A_90, %add3A_145 : i32
        %sub3A_147 = arith.constant 1 : i32
        %sub3A_148 = arith.subi %add3A_146, %sub3A_147 : i32
        %dma_start3A_149 = arith.constant 0 : i32
        %dma_start3A_150 = tpu.memref_slice %arg7[%sub3A_148, %dma_start3A_149] : memref<212x48xi32, #tpu.memory_space<vmem>> -> memref<1x48xi32, #tpu.memory_space<vmem>>
        %dma_start3A_151 = tpu.memref_squeeze %dma_start3A_150 : memref<1x48xi32, #tpu.memory_space<vmem>> -> memref<48xi32, #tpu.memory_space<vmem>>
        %dma_start3A_152 = arith.constant 0 : i32
        %dma_start3A_153 = arith.constant 0 : i32
        %dma_start3A_154 = tpu.memref_slice %arg22[%dma_start3A_152, %dma_start3A_153] : memref<10240x48xf32, #tpu.memory_space<vmem_shared>> -> memref<10240x48xf32, #tpu.memory_space<vmem_shared>>
        tpu.enqueue_indirect_dma source(%dma_start3A_154 : memref<10240x48xf32, #tpu.memory_space<vmem_shared>>) target(%arg10 : memref<48x48xf32, #tpu.memory_space<vmem>>) offsets(%dma_start3A_151 : memref<48xi32, #tpu.memory_space<vmem>>) semaphore(%arg15 : memref<!tpu.dma_semaphore, #tpu.memory_space<semaphore_mem>>)
      } else {
      }
      %add3A_117 = arith.constant 3 : i32
      %add3A_118 = arith.addi %mul3A_37, %add3A_117 : i32
      %dma_wait3A_119 = arith.constant 0 : i32
      %dma_wait3A_120 = tpu.memref_slice %arg7[%add3A_118, %dma_wait3A_119] : memref<212x48xi32, #tpu.memory_space<vmem>> -> memref<1x48xi32, #tpu.memory_space<vmem>>
      %dma_wait3A_121 = tpu.memref_squeeze %dma_wait3A_120 : memref<1x48xi32, #tpu.memory_space<vmem>> -> memref<48xi32, #tpu.memory_space<vmem>>
      %dma_wait3A_122 = arith.constant 0 : i32
      %dma_wait3A_123 = arith.constant 0 : i32
      %dma_wait3A_124 = tpu.memref_slice %arg22[%dma_wait3A_122, %dma_wait3A_123] : memref<10240x48xf32, #tpu.memory_space<vmem_shared>> -> memref<10240x48xf32, #tpu.memory_space<vmem_shared>>
      tpu.wait_indirect_dma semaphore(%arg17 : memref<!tpu.dma_semaphore, #tpu.memory_space<semaphore_mem>>) src(%dma_wait3A_124 : memref<10240x48xf32, #tpu.memory_space<vmem_shared>>) dst(%arg12 : memref<48x48xf32, #tpu.memory_space<vmem>>)
      %dma_start3A_125 = arith.constant 0 : i32
      %dma_start3A_126 = tpu.memref_slice %arg8[%add3A_118, %dma_start3A_125] : memref<212x48xi32, #tpu.memory_space<vmem>> -> memref<1x48xi32, #tpu.memory_space<vmem>>
      %dma_start3A_127 = tpu.memref_squeeze %dma_start3A_126 : memref<1x48xi32, #tpu.memory_space<vmem>> -> memref<48xi32, #tpu.memory_space<vmem>>
      %dma_start3A_128 = arith.constant 0 : i32
      %dma_start3A_129 = arith.constant 0 : i32
      %dma_start3A_130 = tpu.memref_slice %arg13[%dma_start3A_128, %dma_start3A_129] : memref<10240x48xf32, #tpu.memory_space<vmem_shared>> -> memref<10240x48xf32, #tpu.memory_space<vmem_shared>>
      tpu.enqueue_indirect_dma source(%arg12 : memref<48x48xf32, #tpu.memory_space<vmem>>) target(%dma_start3A_130 : memref<10240x48xf32, #tpu.memory_space<vmem_shared>>) offsets(%dma_start3A_127 : memref<48xi32, #tpu.memory_space<vmem>>) semaphore(%arg21 : memref<!tpu.dma_semaphore, #tpu.memory_space<semaphore_mem>>) {add = true}
      %ge3A_131 = arith.constant 1 : i32
      %ge3A_132 = arith.cmpi sge, %add3A_118, %ge3A_131 : i32
      %convert_element_type3A_133 = arith.extui %ge3A_132 : i1 to i32
      %cond3A_134 = arith.constant 0 : i32
      %cond3A_135 = arith.cmpi ne, %convert_element_type3A_133, %cond3A_134 : i32
      scf.if %cond3A_135 {
        %sub3A_145 = arith.constant 1 : i32
        %sub3A_146 = arith.subi %add3A_118, %sub3A_145 : i32
        %dma_wait3A_147 = arith.constant 0 : i32
        %dma_wait3A_148 = tpu.memref_slice %arg8[%sub3A_146, %dma_wait3A_147] : memref<212x48xi32, #tpu.memory_space<vmem>> -> memref<1x48xi32, #tpu.memory_space<vmem>>
        %dma_wait3A_149 = tpu.memref_squeeze %dma_wait3A_148 : memref<1x48xi32, #tpu.memory_space<vmem>> -> memref<48xi32, #tpu.memory_space<vmem>>
        %dma_wait3A_150 = arith.constant 0 : i32
        %dma_wait3A_151 = arith.constant 0 : i32
        %dma_wait3A_152 = tpu.memref_slice %arg13[%dma_wait3A_150, %dma_wait3A_151] : memref<10240x48xf32, #tpu.memory_space<vmem_shared>> -> memref<10240x48xf32, #tpu.memory_space<vmem_shared>>
        tpu.wait_indirect_dma semaphore(%arg20 : memref<!tpu.dma_semaphore, #tpu.memory_space<semaphore_mem>>) src(%arg11 : memref<48x48xf32, #tpu.memory_space<vmem>>) dst(%dma_wait3A_152 : memref<10240x48xf32, #tpu.memory_space<vmem_shared>>)
      } else {
      }
      %add3A_136 = arith.constant 4 : i32
      %add3A_137 = arith.addi %add3A_118, %add3A_136 : i32
      %sub3A_138 = arith.constant 1 : i32
      %sub3A_139 = arith.subi %add3A_137, %sub3A_138 : i32
      %lt3A_140 = arith.constant 212 : i32
      %lt3A_141 = arith.cmpi slt, %sub3A_139, %lt3A_140 : i32
      %convert_element_type3A_142 = arith.extui %lt3A_141 : i1 to i32
      %cond3A_143 = arith.constant 0 : i32
      %cond3A_144 = arith.cmpi ne, %convert_element_type3A_142, %cond3A_143 : i32
      scf.if %cond3A_144 {
        %add3A_145 = arith.constant 4 : i32
        %add3A_146 = arith.addi %add3A_118, %add3A_145 : i32
        %sub3A_147 = arith.constant 1 : i32
        %sub3A_148 = arith.subi %add3A_146, %sub3A_147 : i32
        %dma_start3A_149 = arith.constant 0 : i32
        %dma_start3A_150 = tpu.memref_slice %arg7[%sub3A_148, %dma_start3A_149] : memref<212x48xi32, #tpu.memory_space<vmem>> -> memref<1x48xi32, #tpu.memory_space<vmem>>
        %dma_start3A_151 = tpu.memref_squeeze %dma_start3A_150 : memref<1x48xi32, #tpu.memory_space<vmem>> -> memref<48xi32, #tpu.memory_space<vmem>>
        %dma_start3A_152 = arith.constant 0 : i32
        %dma_start3A_153 = arith.constant 0 : i32
        %dma_start3A_154 = tpu.memref_slice %arg22[%dma_start3A_152, %dma_start3A_153] : memref<10240x48xf32, #tpu.memory_space<vmem_shared>> -> memref<10240x48xf32, #tpu.memory_space<vmem_shared>>
        tpu.enqueue_indirect_dma source(%dma_start3A_154 : memref<10240x48xf32, #tpu.memory_space<vmem_shared>>) target(%arg11 : memref<48x48xf32, #tpu.memory_space<vmem>>) offsets(%dma_start3A_151 : memref<48xi32, #tpu.memory_space<vmem>>) semaphore(%arg16 : memref<!tpu.dma_semaphore, #tpu.memory_space<semaphore_mem>>)
      } else {
      }
    }
    %scan3A_27 = arith.constant 53 : i32
    %dma_wait3A = arith.constant 211 : i32
    %dma_wait3A_28 = arith.constant 0 : i32
    %dma_wait3A_29 = tpu.memref_slice %arg8[%dma_wait3A, %dma_wait3A_28] : memref<212x48xi32, #tpu.memory_space<vmem>> -> memref<1x48xi32, #tpu.memory_space<vmem>>
    %dma_wait3A_30 = tpu.memref_squeeze %dma_wait3A_29 : memref<1x48xi32, #tpu.memory_space<vmem>> -> memref<48xi32, #tpu.memory_space<vmem>>
    %dma_wait3A_31 = arith.constant 0 : i32
    %dma_wait3A_32 = arith.constant 0 : i32
    %dma_wait3A_33 = tpu.memref_slice %arg13[%dma_wait3A_31, %dma_wait3A_32] : memref<10240x48xf32, #tpu.memory_space<vmem_shared>> -> memref<10240x48xf32, #tpu.memory_space<vmem_shared>>
    tpu.wait_indirect_dma semaphore(%arg21 : memref<!tpu.dma_semaphore, #tpu.memory_space<semaphore_mem>>) src(%arg12 : memref<48x48xf32, #tpu.memory_space<vmem>>) dst(%dma_wait3A_33 : memref<10240x48xf32, #tpu.memory_space<vmem_shared>>)
    %barrier3A_34 = arith.constant 0 : index
    tpu.barrier barrier_id(%barrier3A_34)
    "tpu.region"() ({
      %run_scoped3A = tpu.sem_alloc : memref<!tpu.dma_semaphore, #tpu.memory_space<semaphore_mem>>
      %dma_start3A_35 = arith.constant 0 : i32
      %dma_start3A_36 = tpu.memref_slice %arg6[%arg0, %mul3A_2, %dma_start3A_35] : memref<2x10240x48xf32, #tpu.memory_space<hbm>> -> memref<1x640x48xf32, #tpu.memory_space<hbm>>
      %dma_start3A_37 = tpu.memref_squeeze %dma_start3A_36 : memref<1x640x48xf32, #tpu.memory_space<hbm>> -> memref<640x48xf32, #tpu.memory_space<hbm>>
      %dma_start3A_38 = arith.constant 0 : i32
      %dma_start3A_39 = tpu.memref_slice %arg13[%mul3A_2, %dma_start3A_38] : memref<10240x48xf32, #tpu.memory_space<vmem_shared>> -> memref<640x48xf32, #tpu.memory_space<vmem_shared>>
      tpu.enqueue_dma source(%dma_start3A_39 : memref<640x48xf32, #tpu.memory_space<vmem_shared>>) target(%dma_start3A_37 : memref<640x48xf32, #tpu.memory_space<hbm>>) target_semaphore(%run_scoped3A : memref<!tpu.dma_semaphore, #tpu.memory_space<semaphore_mem>>)
      %dma_wait3A_40 = arith.constant 0 : i32
      %dma_wait3A_41 = tpu.memref_slice %arg6[%arg0, %mul3A_2, %dma_wait3A_40] : memref<2x10240x48xf32, #tpu.memory_space<hbm>> -> memref<1x640x48xf32, #tpu.memory_space<hbm>>
      %dma_wait3A_42 = tpu.memref_squeeze %dma_wait3A_41 : memref<1x640x48xf32, #tpu.memory_space<hbm>> -> memref<640x48xf32, #tpu.memory_space<hbm>>
      %dma_wait3A_43 = arith.constant 0 : i32
      %dma_wait3A_44 = tpu.memref_slice %arg13[%mul3A_2, %dma_wait3A_43] : memref<10240x48xf32, #tpu.memory_space<vmem_shared>> -> memref<640x48xf32, #tpu.memory_space<vmem_shared>>
      tpu.wait_dma2 semaphore(%run_scoped3A : memref<!tpu.dma_semaphore, #tpu.memory_space<semaphore_mem>>) src(%dma_wait3A_44 : memref<640x48xf32, #tpu.memory_space<vmem_shared>>) dst(%dma_wait3A_42 : memref<640x48xf32, #tpu.memory_space<hbm>>)
      tpu.yield
    }) : () -> ()
    return
  }
}

#map = affine_map<(d0, d1) -> (0, 0, 0)>
#map1 = affine_map<(d0, d1) -> (0, 0)>
module attributes {stable_mosaic.version = 14 : i64} {
  func.func @_sc_prop_split(%arg0: i32, %arg1: i32, %arg2: memref<32x212x48xi32, #tpu.memory_space<hbm>>, %arg3: memref<32x212x48xi32, #tpu.memory_space<hbm>>, %arg4: memref<10240x64xf32, #tpu.memory_space<hbm>>, %arg5: memref<10240x64xf32, #tpu.memory_space<hbm>>, %arg6: memref<640x64xf32, #tpu.memory_space<hbm>>, %arg7: memref<10240x64xf32, #tpu.memory_space<hbm>>, %arg8: memref<10240x64xf32, #tpu.memory_space<hbm>>, %arg9: memref<212x48xi32, #tpu.memory_space<vmem>>, %arg10: memref<212x48xi32, #tpu.memory_space<vmem>>, %arg11: memref<48x64xf32, #tpu.memory_space<vmem>>, %arg12: memref<48x64xf32, #tpu.memory_space<vmem>>, %arg13: memref<48x64xf32, #tpu.memory_space<vmem>>, %arg14: memref<48x64xf32, #tpu.memory_space<vmem>>, %arg15: memref<10240x64xf32, #tpu.memory_space<vmem_shared>>, %arg16: memref<10240x64xf32, #tpu.memory_space<vmem_shared>>, %arg17: memref<!tpu.dma_semaphore, #tpu.memory_space<semaphore_mem>>, %arg18: memref<!tpu.dma_semaphore, #tpu.memory_space<semaphore_mem>>, %arg19: memref<!tpu.dma_semaphore, #tpu.memory_space<semaphore_mem>>, %arg20: memref<!tpu.dma_semaphore, #tpu.memory_space<semaphore_mem>>, %arg21: memref<!tpu.dma_semaphore, #tpu.memory_space<semaphore_mem>>, %arg22: memref<!tpu.dma_semaphore, #tpu.memory_space<semaphore_mem>>, %arg23: memref<!tpu.dma_semaphore, #tpu.memory_space<semaphore_mem>>, %arg24: memref<!tpu.dma_semaphore, #tpu.memory_space<semaphore_mem>>) attributes {dimension_semantics = [#tpu.dimension_semantics<core_parallel>, #tpu.dimension_semantics<subcore_parallel>], iteration_bounds = array<i64: 2, 16>, scalar_prefetch = 0 : i64, scratch_operands = 16 : i64, tpu.core_type = #tpu.core_type<sc_vector_subcore>, window_params = [{transform_indices = #map}, {transform_indices = #map}, {transform_indices = #map1}, {transform_indices = #map1}, {transform_indices = #map1}, {transform_indices = #map1}, {transform_indices = #map1}]} {
    %mul3A = arith.constant 640 : i32
    %mul3A_0 = arith.muli %arg1, %mul3A : i32
    "tpu.region"() ({
      %run_scoped3A = tpu.sem_alloc : memref<!tpu.dma_semaphore, #tpu.memory_space<semaphore_mem>>
      %dma_start3A_91 = arith.constant 0 : i32
      %dma_start3A_92 = tpu.memref_slice %arg15[%mul3A_0, %dma_start3A_91] : memref<10240x64xf32, #tpu.memory_space<vmem_shared>> -> memref<640x64xf32, #tpu.memory_space<vmem_shared>>
      tpu.enqueue_dma source(%arg6 : memref<640x64xf32, #tpu.memory_space<hbm>>) target(%dma_start3A_92 : memref<640x64xf32, #tpu.memory_space<vmem_shared>>) target_semaphore(%run_scoped3A : memref<!tpu.dma_semaphore, #tpu.memory_space<semaphore_mem>>)
      %dma_wait3A_93 = arith.constant 0 : i32
      %dma_wait3A_94 = tpu.memref_slice %arg15[%mul3A_0, %dma_wait3A_93] : memref<10240x64xf32, #tpu.memory_space<vmem_shared>> -> memref<640x64xf32, #tpu.memory_space<vmem_shared>>
      tpu.wait_dma2 semaphore(%run_scoped3A : memref<!tpu.dma_semaphore, #tpu.memory_space<semaphore_mem>>) src(%arg6 : memref<640x64xf32, #tpu.memory_space<hbm>>) dst(%dma_wait3A_94 : memref<640x64xf32, #tpu.memory_space<vmem_shared>>)
      tpu.yield
    }) : () -> ()
    %eq3A = arith.constant 0 : i32
    %eq3A_1 = arith.cmpi eq, %arg0, %eq3A : i32
    %convert_element_type3A = arith.extui %eq3A_1 : i1 to i32
    %cond3A = arith.constant 0 : i32
    %cond3A_2 = arith.cmpi ne, %convert_element_type3A, %cond3A : i32
    scf.if %cond3A_2 {
      "tpu.region"() ({
        %run_scoped3A = tpu.sem_alloc : memref<!tpu.dma_semaphore, #tpu.memory_space<semaphore_mem>>
        %dma_start3A_91 = arith.constant 0 : i32
        %dma_start3A_92 = tpu.memref_slice %arg16[%mul3A_0, %dma_start3A_91] : memref<10240x64xf32, #tpu.memory_space<vmem_shared>> -> memref<640x64xf32, #tpu.memory_space<vmem_shared>>
        %dma_start3A_93 = arith.constant 0 : i32
        %dma_start3A_94 = tpu.memref_slice %arg4[%mul3A_0, %dma_start3A_93] : memref<10240x64xf32, #tpu.memory_space<hbm>> -> memref<640x64xf32, #tpu.memory_space<hbm>>
        tpu.enqueue_dma source(%dma_start3A_94 : memref<640x64xf32, #tpu.memory_space<hbm>>) target(%dma_start3A_92 : memref<640x64xf32, #tpu.memory_space<vmem_shared>>) target_semaphore(%run_scoped3A : memref<!tpu.dma_semaphore, #tpu.memory_space<semaphore_mem>>)
        %dma_wait3A_95 = arith.constant 0 : i32
        %dma_wait3A_96 = tpu.memref_slice %arg16[%mul3A_0, %dma_wait3A_95] : memref<10240x64xf32, #tpu.memory_space<vmem_shared>> -> memref<640x64xf32, #tpu.memory_space<vmem_shared>>
        %dma_wait3A_97 = arith.constant 0 : i32
        %dma_wait3A_98 = tpu.memref_slice %arg4[%mul3A_0, %dma_wait3A_97] : memref<10240x64xf32, #tpu.memory_space<hbm>> -> memref<640x64xf32, #tpu.memory_space<hbm>>
        tpu.wait_dma2 semaphore(%run_scoped3A : memref<!tpu.dma_semaphore, #tpu.memory_space<semaphore_mem>>) src(%dma_wait3A_98 : memref<640x64xf32, #tpu.memory_space<hbm>>) dst(%dma_wait3A_96 : memref<640x64xf32, #tpu.memory_space<vmem_shared>>)
        tpu.yield
      }) : () -> ()
    } else {
    }
    %eq3A_3 = arith.constant 1 : i32
    %eq3A_4 = arith.cmpi eq, %arg0, %eq3A_3 : i32
    %convert_element_type3A_5 = arith.extui %eq3A_4 : i1 to i32
    %cond3A_6 = arith.constant 0 : i32
    %cond3A_7 = arith.cmpi ne, %convert_element_type3A_5, %cond3A_6 : i32
    scf.if %cond3A_7 {
      "tpu.region"() ({
        %run_scoped3A = tpu.sem_alloc : memref<!tpu.dma_semaphore, #tpu.memory_space<semaphore_mem>>
        %dma_start3A_91 = arith.constant 0 : i32
        %dma_start3A_92 = tpu.memref_slice %arg16[%mul3A_0, %dma_start3A_91] : memref<10240x64xf32, #tpu.memory_space<vmem_shared>> -> memref<640x64xf32, #tpu.memory_space<vmem_shared>>
        %dma_start3A_93 = arith.constant 0 : i32
        %dma_start3A_94 = tpu.memref_slice %arg5[%mul3A_0, %dma_start3A_93] : memref<10240x64xf32, #tpu.memory_space<hbm>> -> memref<640x64xf32, #tpu.memory_space<hbm>>
        tpu.enqueue_dma source(%dma_start3A_94 : memref<640x64xf32, #tpu.memory_space<hbm>>) target(%dma_start3A_92 : memref<640x64xf32, #tpu.memory_space<vmem_shared>>) target_semaphore(%run_scoped3A : memref<!tpu.dma_semaphore, #tpu.memory_space<semaphore_mem>>)
        %dma_wait3A_95 = arith.constant 0 : i32
        %dma_wait3A_96 = tpu.memref_slice %arg16[%mul3A_0, %dma_wait3A_95] : memref<10240x64xf32, #tpu.memory_space<vmem_shared>> -> memref<640x64xf32, #tpu.memory_space<vmem_shared>>
        %dma_wait3A_97 = arith.constant 0 : i32
        %dma_wait3A_98 = tpu.memref_slice %arg5[%mul3A_0, %dma_wait3A_97] : memref<10240x64xf32, #tpu.memory_space<hbm>> -> memref<640x64xf32, #tpu.memory_space<hbm>>
        tpu.wait_dma2 semaphore(%run_scoped3A : memref<!tpu.dma_semaphore, #tpu.memory_space<semaphore_mem>>) src(%dma_wait3A_98 : memref<640x64xf32, #tpu.memory_space<hbm>>) dst(%dma_wait3A_96 : memref<640x64xf32, #tpu.memory_space<vmem_shared>>)
        tpu.yield
      }) : () -> ()
    } else {
    }
    %barrier3A = arith.constant 0 : index
    tpu.barrier barrier_id(%barrier3A)
    %mul3A_8 = arith.constant 2 : i32
    %mul3A_9 = arith.muli %arg1, %mul3A_8 : i32
    %add3A = arith.constant 0 : i32
    %add3A_10 = arith.addi %mul3A_9, %add3A : i32
    "tpu.region"() ({
      %run_scoped3A = tpu.sem_alloc : memref<!tpu.dma_semaphore, #tpu.memory_space<semaphore_mem>>
      %dma_start3A_91 = arith.constant 0 : i32
      %dma_start3A_92 = arith.constant 0 : i32
      %dma_start3A_93 = tpu.memref_slice %arg2[%add3A_10, %dma_start3A_91, %dma_start3A_92] : memref<32x212x48xi32, #tpu.memory_space<hbm>> -> memref<1x212x48xi32, #tpu.memory_space<hbm>>
      %dma_start3A_94 = tpu.memref_squeeze %dma_start3A_93 : memref<1x212x48xi32, #tpu.memory_space<hbm>> -> memref<212x48xi32, #tpu.memory_space<hbm>>
      %dma_start3A_95 = arith.constant 0 : i32
      %dma_start3A_96 = arith.constant 0 : i32
      %dma_start3A_97 = tpu.memref_slice %arg2[%add3A_10, %dma_start3A_95, %dma_start3A_96] : memref<32x212x48xi32, #tpu.memory_space<hbm>> -> memref<1x212x48xi32, #tpu.memory_space<hbm>>
      %dma_start3A_98 = tpu.memref_squeeze %dma_start3A_97 : memref<1x212x48xi32, #tpu.memory_space<hbm>> -> memref<212x48xi32, #tpu.memory_space<hbm>>
      tpu.enqueue_dma source(%dma_start3A_98 : memref<212x48xi32, #tpu.memory_space<hbm>>) target(%arg9 : memref<212x48xi32, #tpu.memory_space<vmem>>) target_semaphore(%run_scoped3A : memref<!tpu.dma_semaphore, #tpu.memory_space<semaphore_mem>>)
      %dma_wait3A_99 = arith.constant 0 : i32
      %dma_wait3A_100 = arith.constant 0 : i32
      %dma_wait3A_101 = tpu.memref_slice %arg2[%add3A_10, %dma_wait3A_99, %dma_wait3A_100] : memref<32x212x48xi32, #tpu.memory_space<hbm>> -> memref<1x212x48xi32, #tpu.memory_space<hbm>>
      %dma_wait3A_102 = tpu.memref_squeeze %dma_wait3A_101 : memref<1x212x48xi32, #tpu.memory_space<hbm>> -> memref<212x48xi32, #tpu.memory_space<hbm>>
      %dma_wait3A_103 = arith.constant 0 : i32
      %dma_wait3A_104 = arith.constant 0 : i32
      %dma_wait3A_105 = tpu.memref_slice %arg2[%add3A_10, %dma_wait3A_103, %dma_wait3A_104] : memref<32x212x48xi32, #tpu.memory_space<hbm>> -> memref<1x212x48xi32, #tpu.memory_space<hbm>>
      %dma_wait3A_106 = tpu.memref_squeeze %dma_wait3A_105 : memref<1x212x48xi32, #tpu.memory_space<hbm>> -> memref<212x48xi32, #tpu.memory_space<hbm>>
      tpu.wait_dma2 semaphore(%run_scoped3A : memref<!tpu.dma_semaphore, #tpu.memory_space<semaphore_mem>>) src(%dma_wait3A_106 : memref<212x48xi32, #tpu.memory_space<hbm>>) dst(%arg9 : memref<212x48xi32, #tpu.memory_space<vmem>>)
      tpu.yield
    }) : () -> ()
    "tpu.region"() ({
      %run_scoped3A = tpu.sem_alloc : memref<!tpu.dma_semaphore, #tpu.memory_space<semaphore_mem>>
      %dma_start3A_91 = arith.constant 0 : i32
      %dma_start3A_92 = arith.constant 0 : i32
      %dma_start3A_93 = tpu.memref_slice %arg3[%add3A_10, %dma_start3A_91, %dma_start3A_92] : memref<32x212x48xi32, #tpu.memory_space<hbm>> -> memref<1x212x48xi32, #tpu.memory_space<hbm>>
      %dma_start3A_94 = tpu.memref_squeeze %dma_start3A_93 : memref<1x212x48xi32, #tpu.memory_space<hbm>> -> memref<212x48xi32, #tpu.memory_space<hbm>>
      %dma_start3A_95 = arith.constant 0 : i32
      %dma_start3A_96 = arith.constant 0 : i32
      %dma_start3A_97 = tpu.memref_slice %arg3[%add3A_10, %dma_start3A_95, %dma_start3A_96] : memref<32x212x48xi32, #tpu.memory_space<hbm>> -> memref<1x212x48xi32, #tpu.memory_space<hbm>>
      %dma_start3A_98 = tpu.memref_squeeze %dma_start3A_97 : memref<1x212x48xi32, #tpu.memory_space<hbm>> -> memref<212x48xi32, #tpu.memory_space<hbm>>
      tpu.enqueue_dma source(%dma_start3A_98 : memref<212x48xi32, #tpu.memory_space<hbm>>) target(%arg10 : memref<212x48xi32, #tpu.memory_space<vmem>>) target_semaphore(%run_scoped3A : memref<!tpu.dma_semaphore, #tpu.memory_space<semaphore_mem>>)
      %dma_wait3A_99 = arith.constant 0 : i32
      %dma_wait3A_100 = arith.constant 0 : i32
      %dma_wait3A_101 = tpu.memref_slice %arg3[%add3A_10, %dma_wait3A_99, %dma_wait3A_100] : memref<32x212x48xi32, #tpu.memory_space<hbm>> -> memref<1x212x48xi32, #tpu.memory_space<hbm>>
      %dma_wait3A_102 = tpu.memref_squeeze %dma_wait3A_101 : memref<1x212x48xi32, #tpu.memory_space<hbm>> -> memref<212x48xi32, #tpu.memory_space<hbm>>
      %dma_wait3A_103 = arith.constant 0 : i32
      %dma_wait3A_104 = arith.constant 0 : i32
      %dma_wait3A_105 = tpu.memref_slice %arg3[%add3A_10, %dma_wait3A_103, %dma_wait3A_104] : memref<32x212x48xi32, #tpu.memory_space<hbm>> -> memref<1x212x48xi32, #tpu.memory_space<hbm>>
      %dma_wait3A_106 = tpu.memref_squeeze %dma_wait3A_105 : memref<1x212x48xi32, #tpu.memory_space<hbm>> -> memref<212x48xi32, #tpu.memory_space<hbm>>
      tpu.wait_dma2 semaphore(%run_scoped3A : memref<!tpu.dma_semaphore, #tpu.memory_space<semaphore_mem>>) src(%dma_wait3A_106 : memref<212x48xi32, #tpu.memory_space<hbm>>) dst(%arg10 : memref<212x48xi32, #tpu.memory_space<vmem>>)
      tpu.yield
    }) : () -> ()
    %dma_start3A = arith.constant 0 : i32
    %dma_start3A_11 = arith.constant 0 : i32
    %dma_start3A_12 = tpu.memref_slice %arg9[%dma_start3A, %dma_start3A_11] : memref<212x48xi32, #tpu.memory_space<vmem>> -> memref<1x48xi32, #tpu.memory_space<vmem>>
    %dma_start3A_13 = tpu.memref_squeeze %dma_start3A_12 : memref<1x48xi32, #tpu.memory_space<vmem>> -> memref<48xi32, #tpu.memory_space<vmem>>
    %dma_start3A_14 = arith.constant 0 : i32
    %dma_start3A_15 = arith.constant 0 : i32
    %dma_start3A_16 = tpu.memref_slice %arg16[%dma_start3A_14, %dma_start3A_15] : memref<10240x64xf32, #tpu.memory_space<vmem_shared>> -> memref<10240x64xf32, #tpu.memory_space<vmem_shared>>
    tpu.enqueue_indirect_dma source(%dma_start3A_16 : memref<10240x64xf32, #tpu.memory_space<vmem_shared>>) target(%arg11 : memref<48x64xf32, #tpu.memory_space<vmem>>) offsets(%dma_start3A_13 : memref<48xi32, #tpu.memory_space<vmem>>) semaphore(%arg17 : memref<!tpu.dma_semaphore, #tpu.memory_space<semaphore_mem>>)
    %dma_start3A_17 = arith.constant 1 : i32
    %dma_start3A_18 = arith.constant 0 : i32
    %dma_start3A_19 = tpu.memref_slice %arg9[%dma_start3A_17, %dma_start3A_18] : memref<212x48xi32, #tpu.memory_space<vmem>> -> memref<1x48xi32, #tpu.memory_space<vmem>>
    %dma_start3A_20 = tpu.memref_squeeze %dma_start3A_19 : memref<1x48xi32, #tpu.memory_space<vmem>> -> memref<48xi32, #tpu.memory_space<vmem>>
    %dma_start3A_21 = arith.constant 0 : i32
    %dma_start3A_22 = arith.constant 0 : i32
    %dma_start3A_23 = tpu.memref_slice %arg16[%dma_start3A_21, %dma_start3A_22] : memref<10240x64xf32, #tpu.memory_space<vmem_shared>> -> memref<10240x64xf32, #tpu.memory_space<vmem_shared>>
    tpu.enqueue_indirect_dma source(%dma_start3A_23 : memref<10240x64xf32, #tpu.memory_space<vmem_shared>>) target(%arg12 : memref<48x64xf32, #tpu.memory_space<vmem>>) offsets(%dma_start3A_20 : memref<48xi32, #tpu.memory_space<vmem>>) semaphore(%arg18 : memref<!tpu.dma_semaphore, #tpu.memory_space<semaphore_mem>>)
    %dma_start3A_24 = arith.constant 2 : i32
    %dma_start3A_25 = arith.constant 0 : i32
    %dma_start3A_26 = tpu.memref_slice %arg9[%dma_start3A_24, %dma_start3A_25] : memref<212x48xi32, #tpu.memory_space<vmem>> -> memref<1x48xi32, #tpu.memory_space<vmem>>
    %dma_start3A_27 = tpu.memref_squeeze %dma_start3A_26 : memref<1x48xi32, #tpu.memory_space<vmem>> -> memref<48xi32, #tpu.memory_space<vmem>>
    %dma_start3A_28 = arith.constant 0 : i32
    %dma_start3A_29 = arith.constant 0 : i32
    %dma_start3A_30 = tpu.memref_slice %arg16[%dma_start3A_28, %dma_start3A_29] : memref<10240x64xf32, #tpu.memory_space<vmem_shared>> -> memref<10240x64xf32, #tpu.memory_space<vmem_shared>>
    tpu.enqueue_indirect_dma source(%dma_start3A_30 : memref<10240x64xf32, #tpu.memory_space<vmem_shared>>) target(%arg13 : memref<48x64xf32, #tpu.memory_space<vmem>>) offsets(%dma_start3A_27 : memref<48xi32, #tpu.memory_space<vmem>>) semaphore(%arg19 : memref<!tpu.dma_semaphore, #tpu.memory_space<semaphore_mem>>)
    %scan3A = arith.constant 0 : i32
    %scan3A_31 = arith.constant 0 : i32
    %scan3A_32 = arith.constant 53 : i32
    %scan3A_33 = arith.addi %scan3A_31, %scan3A_32 : i32
    %scan3A_34 = arith.constant 1 : i32
    scf.for %scan3A_91 = %scan3A_31 to %scan3A_33 step %scan3A_34  : i32 {
      %mul3A_92 = arith.constant 4 : i32
      %mul3A_93 = arith.muli %scan3A_91, %mul3A_92 : i32
      %add3A_94 = arith.constant 0 : i32
      %add3A_95 = arith.addi %mul3A_93, %add3A_94 : i32
      %dma_wait3A_96 = arith.constant 0 : i32
      %dma_wait3A_97 = tpu.memref_slice %arg9[%add3A_95, %dma_wait3A_96] : memref<212x48xi32, #tpu.memory_space<vmem>> -> memref<1x48xi32, #tpu.memory_space<vmem>>
      %dma_wait3A_98 = tpu.memref_squeeze %dma_wait3A_97 : memref<1x48xi32, #tpu.memory_space<vmem>> -> memref<48xi32, #tpu.memory_space<vmem>>
      %dma_wait3A_99 = arith.constant 0 : i32
      %dma_wait3A_100 = arith.constant 0 : i32
      %dma_wait3A_101 = tpu.memref_slice %arg16[%dma_wait3A_99, %dma_wait3A_100] : memref<10240x64xf32, #tpu.memory_space<vmem_shared>> -> memref<10240x64xf32, #tpu.memory_space<vmem_shared>>
      tpu.wait_indirect_dma semaphore(%arg17 : memref<!tpu.dma_semaphore, #tpu.memory_space<semaphore_mem>>) src(%dma_wait3A_101 : memref<10240x64xf32, #tpu.memory_space<vmem_shared>>) dst(%arg11 : memref<48x64xf32, #tpu.memory_space<vmem>>)
      %dma_start3A_102 = arith.constant 0 : i32
      %dma_start3A_103 = tpu.memref_slice %arg10[%add3A_95, %dma_start3A_102] : memref<212x48xi32, #tpu.memory_space<vmem>> -> memref<1x48xi32, #tpu.memory_space<vmem>>
      %dma_start3A_104 = tpu.memref_squeeze %dma_start3A_103 : memref<1x48xi32, #tpu.memory_space<vmem>> -> memref<48xi32, #tpu.memory_space<vmem>>
      %dma_start3A_105 = arith.constant 0 : i32
      %dma_start3A_106 = arith.constant 0 : i32
      %dma_start3A_107 = tpu.memref_slice %arg15[%dma_start3A_105, %dma_start3A_106] : memref<10240x64xf32, #tpu.memory_space<vmem_shared>> -> memref<10240x64xf32, #tpu.memory_space<vmem_shared>>
      tpu.enqueue_indirect_dma source(%arg11 : memref<48x64xf32, #tpu.memory_space<vmem>>) target(%dma_start3A_107 : memref<10240x64xf32, #tpu.memory_space<vmem_shared>>) offsets(%dma_start3A_104 : memref<48xi32, #tpu.memory_space<vmem>>) semaphore(%arg21 : memref<!tpu.dma_semaphore, #tpu.memory_space<semaphore_mem>>) {add = true}
      %ge3A = arith.constant 1 : i32
      %ge3A_108 = arith.cmpi sge, %add3A_95, %ge3A : i32
      %convert_element_type3A_109 = arith.extui %ge3A_108 : i1 to i32
      %cond3A_110 = arith.constant 0 : i32
      %cond3A_111 = arith.cmpi ne, %convert_element_type3A_109, %cond3A_110 : i32
      scf.if %cond3A_111 {
        %sub3A_203 = arith.constant 1 : i32
        %sub3A_204 = arith.subi %add3A_95, %sub3A_203 : i32
        %dma_wait3A_205 = arith.constant 0 : i32
        %dma_wait3A_206 = tpu.memref_slice %arg10[%sub3A_204, %dma_wait3A_205] : memref<212x48xi32, #tpu.memory_space<vmem>> -> memref<1x48xi32, #tpu.memory_space<vmem>>
        %dma_wait3A_207 = tpu.memref_squeeze %dma_wait3A_206 : memref<1x48xi32, #tpu.memory_space<vmem>> -> memref<48xi32, #tpu.memory_space<vmem>>
        %dma_wait3A_208 = arith.constant 0 : i32
        %dma_wait3A_209 = arith.constant 0 : i32
        %dma_wait3A_210 = tpu.memref_slice %arg15[%dma_wait3A_208, %dma_wait3A_209] : memref<10240x64xf32, #tpu.memory_space<vmem_shared>> -> memref<10240x64xf32, #tpu.memory_space<vmem_shared>>
        tpu.wait_indirect_dma semaphore(%arg24 : memref<!tpu.dma_semaphore, #tpu.memory_space<semaphore_mem>>) src(%arg14 : memref<48x64xf32, #tpu.memory_space<vmem>>) dst(%dma_wait3A_210 : memref<10240x64xf32, #tpu.memory_space<vmem_shared>>)
      } else {
      }
      %add3A_112 = arith.constant 4 : i32
      %add3A_113 = arith.addi %add3A_95, %add3A_112 : i32
      %sub3A = arith.constant 1 : i32
      %sub3A_114 = arith.subi %add3A_113, %sub3A : i32
      %lt3A = arith.constant 212 : i32
      %lt3A_115 = arith.cmpi slt, %sub3A_114, %lt3A : i32
      %convert_element_type3A_116 = arith.extui %lt3A_115 : i1 to i32
      %cond3A_117 = arith.constant 0 : i32
      %cond3A_118 = arith.cmpi ne, %convert_element_type3A_116, %cond3A_117 : i32
      scf.if %cond3A_118 {
        %add3A_203 = arith.constant 4 : i32
        %add3A_204 = arith.addi %add3A_95, %add3A_203 : i32
        %sub3A_205 = arith.constant 1 : i32
        %sub3A_206 = arith.subi %add3A_204, %sub3A_205 : i32
        %dma_start3A_207 = arith.constant 0 : i32
        %dma_start3A_208 = tpu.memref_slice %arg9[%sub3A_206, %dma_start3A_207] : memref<212x48xi32, #tpu.memory_space<vmem>> -> memref<1x48xi32, #tpu.memory_space<vmem>>
        %dma_start3A_209 = tpu.memref_squeeze %dma_start3A_208 : memref<1x48xi32, #tpu.memory_space<vmem>> -> memref<48xi32, #tpu.memory_space<vmem>>
        %dma_start3A_210 = arith.constant 0 : i32
        %dma_start3A_211 = arith.constant 0 : i32
        %dma_start3A_212 = tpu.memref_slice %arg16[%dma_start3A_210, %dma_start3A_211] : memref<10240x64xf32, #tpu.memory_space<vmem_shared>> -> memref<10240x64xf32, #tpu.memory_space<vmem_shared>>
        tpu.enqueue_indirect_dma source(%dma_start3A_212 : memref<10240x64xf32, #tpu.memory_space<vmem_shared>>) target(%arg14 : memref<48x64xf32, #tpu.memory_space<vmem>>) offsets(%dma_start3A_209 : memref<48xi32, #tpu.memory_space<vmem>>) semaphore(%arg20 : memref<!tpu.dma_semaphore, #tpu.memory_space<semaphore_mem>>)
      } else {
      }
      %add3A_119 = arith.constant 1 : i32
      %add3A_120 = arith.addi %mul3A_93, %add3A_119 : i32
      %dma_wait3A_121 = arith.constant 0 : i32
      %dma_wait3A_122 = tpu.memref_slice %arg9[%add3A_120, %dma_wait3A_121] : memref<212x48xi32, #tpu.memory_space<vmem>> -> memref<1x48xi32, #tpu.memory_space<vmem>>
      %dma_wait3A_123 = tpu.memref_squeeze %dma_wait3A_122 : memref<1x48xi32, #tpu.memory_space<vmem>> -> memref<48xi32, #tpu.memory_space<vmem>>
      %dma_wait3A_124 = arith.constant 0 : i32
      %dma_wait3A_125 = arith.constant 0 : i32
      %dma_wait3A_126 = tpu.memref_slice %arg16[%dma_wait3A_124, %dma_wait3A_125] : memref<10240x64xf32, #tpu.memory_space<vmem_shared>> -> memref<10240x64xf32, #tpu.memory_space<vmem_shared>>
      tpu.wait_indirect_dma semaphore(%arg18 : memref<!tpu.dma_semaphore, #tpu.memory_space<semaphore_mem>>) src(%dma_wait3A_126 : memref<10240x64xf32, #tpu.memory_space<vmem_shared>>) dst(%arg12 : memref<48x64xf32, #tpu.memory_space<vmem>>)
      %dma_start3A_127 = arith.constant 0 : i32
      %dma_start3A_128 = tpu.memref_slice %arg10[%add3A_120, %dma_start3A_127] : memref<212x48xi32, #tpu.memory_space<vmem>> -> memref<1x48xi32, #tpu.memory_space<vmem>>
      %dma_start3A_129 = tpu.memref_squeeze %dma_start3A_128 : memref<1x48xi32, #tpu.memory_space<vmem>> -> memref<48xi32, #tpu.memory_space<vmem>>
      %dma_start3A_130 = arith.constant 0 : i32
      %dma_start3A_131 = arith.constant 0 : i32
      %dma_start3A_132 = tpu.memref_slice %arg15[%dma_start3A_130, %dma_start3A_131] : memref<10240x64xf32, #tpu.memory_space<vmem_shared>> -> memref<10240x64xf32, #tpu.memory_space<vmem_shared>>
      tpu.enqueue_indirect_dma source(%arg12 : memref<48x64xf32, #tpu.memory_space<vmem>>) target(%dma_start3A_132 : memref<10240x64xf32, #tpu.memory_space<vmem_shared>>) offsets(%dma_start3A_129 : memref<48xi32, #tpu.memory_space<vmem>>) semaphore(%arg22 : memref<!tpu.dma_semaphore, #tpu.memory_space<semaphore_mem>>) {add = true}
      %ge3A_133 = arith.constant 1 : i32
      %ge3A_134 = arith.cmpi sge, %add3A_120, %ge3A_133 : i32
      %convert_element_type3A_135 = arith.extui %ge3A_134 : i1 to i32
      %cond3A_136 = arith.constant 0 : i32
      %cond3A_137 = arith.cmpi ne, %convert_element_type3A_135, %cond3A_136 : i32
      scf.if %cond3A_137 {
        %sub3A_203 = arith.constant 1 : i32
        %sub3A_204 = arith.subi %add3A_120, %sub3A_203 : i32
        %dma_wait3A_205 = arith.constant 0 : i32
        %dma_wait3A_206 = tpu.memref_slice %arg10[%sub3A_204, %dma_wait3A_205] : memref<212x48xi32, #tpu.memory_space<vmem>> -> memref<1x48xi32, #tpu.memory_space<vmem>>
        %dma_wait3A_207 = tpu.memref_squeeze %dma_wait3A_206 : memref<1x48xi32, #tpu.memory_space<vmem>> -> memref<48xi32, #tpu.memory_space<vmem>>
        %dma_wait3A_208 = arith.constant 0 : i32
        %dma_wait3A_209 = arith.constant 0 : i32
        %dma_wait3A_210 = tpu.memref_slice %arg15[%dma_wait3A_208, %dma_wait3A_209] : memref<10240x64xf32, #tpu.memory_space<vmem_shared>> -> memref<10240x64xf32, #tpu.memory_space<vmem_shared>>
        tpu.wait_indirect_dma semaphore(%arg21 : memref<!tpu.dma_semaphore, #tpu.memory_space<semaphore_mem>>) src(%arg11 : memref<48x64xf32, #tpu.memory_space<vmem>>) dst(%dma_wait3A_210 : memref<10240x64xf32, #tpu.memory_space<vmem_shared>>)
      } else {
      }
      %add3A_138 = arith.constant 4 : i32
      %add3A_139 = arith.addi %add3A_120, %add3A_138 : i32
      %sub3A_140 = arith.constant 1 : i32
      %sub3A_141 = arith.subi %add3A_139, %sub3A_140 : i32
      %lt3A_142 = arith.constant 212 : i32
      %lt3A_143 = arith.cmpi slt, %sub3A_141, %lt3A_142 : i32
      %convert_element_type3A_144 = arith.extui %lt3A_143 : i1 to i32
      %cond3A_145 = arith.constant 0 : i32
      %cond3A_146 = arith.cmpi ne, %convert_element_type3A_144, %cond3A_145 : i32
      scf.if %cond3A_146 {
        %add3A_203 = arith.constant 4 : i32
        %add3A_204 = arith.addi %add3A_120, %add3A_203 : i32
        %sub3A_205 = arith.constant 1 : i32
        %sub3A_206 = arith.subi %add3A_204, %sub3A_205 : i32
        %dma_start3A_207 = arith.constant 0 : i32
        %dma_start3A_208 = tpu.memref_slice %arg9[%sub3A_206, %dma_start3A_207] : memref<212x48xi32, #tpu.memory_space<vmem>> -> memref<1x48xi32, #tpu.memory_space<vmem>>
        %dma_start3A_209 = tpu.memref_squeeze %dma_start3A_208 : memref<1x48xi32, #tpu.memory_space<vmem>> -> memref<48xi32, #tpu.memory_space<vmem>>
        %dma_start3A_210 = arith.constant 0 : i32
        %dma_start3A_211 = arith.constant 0 : i32
        %dma_start3A_212 = tpu.memref_slice %arg16[%dma_start3A_210, %dma_start3A_211] : memref<10240x64xf32, #tpu.memory_space<vmem_shared>> -> memref<10240x64xf32, #tpu.memory_space<vmem_shared>>
        tpu.enqueue_indirect_dma source(%dma_start3A_212 : memref<10240x64xf32, #tpu.memory_space<vmem_shared>>) target(%arg11 : memref<48x64xf32, #tpu.memory_space<vmem>>) offsets(%dma_start3A_209 : memref<48xi32, #tpu.memory_space<vmem>>) semaphore(%arg17 : memref<!tpu.dma_semaphore, #tpu.memory_space<semaphore_mem>>)
      } else {
      }
      %add3A_147 = arith.constant 2 : i32
      %add3A_148 = arith.addi %mul3A_93, %add3A_147 : i32
      %dma_wait3A_149 = arith.constant 0 : i32
      %dma_wait3A_150 = tpu.memref_slice %arg9[%add3A_148, %dma_wait3A_149] : memref<212x48xi32, #tpu.memory_space<vmem>> -> memref<1x48xi32, #tpu.memory_space<vmem>>
      %dma_wait3A_151 = tpu.memref_squeeze %dma_wait3A_150 : memref<1x48xi32, #tpu.memory_space<vmem>> -> memref<48xi32, #tpu.memory_space<vmem>>
      %dma_wait3A_152 = arith.constant 0 : i32
      %dma_wait3A_153 = arith.constant 0 : i32
      %dma_wait3A_154 = tpu.memref_slice %arg16[%dma_wait3A_152, %dma_wait3A_153] : memref<10240x64xf32, #tpu.memory_space<vmem_shared>> -> memref<10240x64xf32, #tpu.memory_space<vmem_shared>>
      tpu.wait_indirect_dma semaphore(%arg19 : memref<!tpu.dma_semaphore, #tpu.memory_space<semaphore_mem>>) src(%dma_wait3A_154 : memref<10240x64xf32, #tpu.memory_space<vmem_shared>>) dst(%arg13 : memref<48x64xf32, #tpu.memory_space<vmem>>)
      %dma_start3A_155 = arith.constant 0 : i32
      %dma_start3A_156 = tpu.memref_slice %arg10[%add3A_148, %dma_start3A_155] : memref<212x48xi32, #tpu.memory_space<vmem>> -> memref<1x48xi32, #tpu.memory_space<vmem>>
      %dma_start3A_157 = tpu.memref_squeeze %dma_start3A_156 : memref<1x48xi32, #tpu.memory_space<vmem>> -> memref<48xi32, #tpu.memory_space<vmem>>
      %dma_start3A_158 = arith.constant 0 : i32
      %dma_start3A_159 = arith.constant 0 : i32
      %dma_start3A_160 = tpu.memref_slice %arg15[%dma_start3A_158, %dma_start3A_159] : memref<10240x64xf32, #tpu.memory_space<vmem_shared>> -> memref<10240x64xf32, #tpu.memory_space<vmem_shared>>
      tpu.enqueue_indirect_dma source(%arg13 : memref<48x64xf32, #tpu.memory_space<vmem>>) target(%dma_start3A_160 : memref<10240x64xf32, #tpu.memory_space<vmem_shared>>) offsets(%dma_start3A_157 : memref<48xi32, #tpu.memory_space<vmem>>) semaphore(%arg23 : memref<!tpu.dma_semaphore, #tpu.memory_space<semaphore_mem>>) {add = true}
      %ge3A_161 = arith.constant 1 : i32
      %ge3A_162 = arith.cmpi sge, %add3A_148, %ge3A_161 : i32
      %convert_element_type3A_163 = arith.extui %ge3A_162 : i1 to i32
      %cond3A_164 = arith.constant 0 : i32
      %cond3A_165 = arith.cmpi ne, %convert_element_type3A_163, %cond3A_164 : i32
      scf.if %cond3A_165 {
        %sub3A_203 = arith.constant 1 : i32
        %sub3A_204 = arith.subi %add3A_148, %sub3A_203 : i32
        %dma_wait3A_205 = arith.constant 0 : i32
        %dma_wait3A_206 = tpu.memref_slice %arg10[%sub3A_204, %dma_wait3A_205] : memref<212x48xi32, #tpu.memory_space<vmem>> -> memref<1x48xi32, #tpu.memory_space<vmem>>
        %dma_wait3A_207 = tpu.memref_squeeze %dma_wait3A_206 : memref<1x48xi32, #tpu.memory_space<vmem>> -> memref<48xi32, #tpu.memory_space<vmem>>
        %dma_wait3A_208 = arith.constant 0 : i32
        %dma_wait3A_209 = arith.constant 0 : i32
        %dma_wait3A_210 = tpu.memref_slice %arg15[%dma_wait3A_208, %dma_wait3A_209] : memref<10240x64xf32, #tpu.memory_space<vmem_shared>> -> memref<10240x64xf32, #tpu.memory_space<vmem_shared>>
        tpu.wait_indirect_dma semaphore(%arg22 : memref<!tpu.dma_semaphore, #tpu.memory_space<semaphore_mem>>) src(%arg12 : memref<48x64xf32, #tpu.memory_space<vmem>>) dst(%dma_wait3A_210 : memref<10240x64xf32, #tpu.memory_space<vmem_shared>>)
      } else {
      }
      %add3A_166 = arith.constant 4 : i32
      %add3A_167 = arith.addi %add3A_148, %add3A_166 : i32
      %sub3A_168 = arith.constant 1 : i32
      %sub3A_169 = arith.subi %add3A_167, %sub3A_168 : i32
      %lt3A_170 = arith.constant 212 : i32
      %lt3A_171 = arith.cmpi slt, %sub3A_169, %lt3A_170 : i32
      %convert_element_type3A_172 = arith.extui %lt3A_171 : i1 to i32
      %cond3A_173 = arith.constant 0 : i32
      %cond3A_174 = arith.cmpi ne, %convert_element_type3A_172, %cond3A_173 : i32
      scf.if %cond3A_174 {
        %add3A_203 = arith.constant 4 : i32
        %add3A_204 = arith.addi %add3A_148, %add3A_203 : i32
        %sub3A_205 = arith.constant 1 : i32
        %sub3A_206 = arith.subi %add3A_204, %sub3A_205 : i32
        %dma_start3A_207 = arith.constant 0 : i32
        %dma_start3A_208 = tpu.memref_slice %arg9[%sub3A_206, %dma_start3A_207] : memref<212x48xi32, #tpu.memory_space<vmem>> -> memref<1x48xi32, #tpu.memory_space<vmem>>
        %dma_start3A_209 = tpu.memref_squeeze %dma_start3A_208 : memref<1x48xi32, #tpu.memory_space<vmem>> -> memref<48xi32, #tpu.memory_space<vmem>>
        %dma_start3A_210 = arith.constant 0 : i32
        %dma_start3A_211 = arith.constant 0 : i32
        %dma_start3A_212 = tpu.memref_slice %arg16[%dma_start3A_210, %dma_start3A_211] : memref<10240x64xf32, #tpu.memory_space<vmem_shared>> -> memref<10240x64xf32, #tpu.memory_space<vmem_shared>>
        tpu.enqueue_indirect_dma source(%dma_start3A_212 : memref<10240x64xf32, #tpu.memory_space<vmem_shared>>) target(%arg12 : memref<48x64xf32, #tpu.memory_space<vmem>>) offsets(%dma_start3A_209 : memref<48xi32, #tpu.memory_space<vmem>>) semaphore(%arg18 : memref<!tpu.dma_semaphore, #tpu.memory_space<semaphore_mem>>)
      } else {
      }
      %add3A_175 = arith.constant 3 : i32
      %add3A_176 = arith.addi %mul3A_93, %add3A_175 : i32
      %dma_wait3A_177 = arith.constant 0 : i32
      %dma_wait3A_178 = tpu.memref_slice %arg9[%add3A_176, %dma_wait3A_177] : memref<212x48xi32, #tpu.memory_space<vmem>> -> memref<1x48xi32, #tpu.memory_space<vmem>>
      %dma_wait3A_179 = tpu.memref_squeeze %dma_wait3A_178 : memref<1x48xi32, #tpu.memory_space<vmem>> -> memref<48xi32, #tpu.memory_space<vmem>>
      %dma_wait3A_180 = arith.constant 0 : i32
      %dma_wait3A_181 = arith.constant 0 : i32
      %dma_wait3A_182 = tpu.memref_slice %arg16[%dma_wait3A_180, %dma_wait3A_181] : memref<10240x64xf32, #tpu.memory_space<vmem_shared>> -> memref<10240x64xf32, #tpu.memory_space<vmem_shared>>
      tpu.wait_indirect_dma semaphore(%arg20 : memref<!tpu.dma_semaphore, #tpu.memory_space<semaphore_mem>>) src(%dma_wait3A_182 : memref<10240x64xf32, #tpu.memory_space<vmem_shared>>) dst(%arg14 : memref<48x64xf32, #tpu.memory_space<vmem>>)
      %dma_start3A_183 = arith.constant 0 : i32
      %dma_start3A_184 = tpu.memref_slice %arg10[%add3A_176, %dma_start3A_183] : memref<212x48xi32, #tpu.memory_space<vmem>> -> memref<1x48xi32, #tpu.memory_space<vmem>>
      %dma_start3A_185 = tpu.memref_squeeze %dma_start3A_184 : memref<1x48xi32, #tpu.memory_space<vmem>> -> memref<48xi32, #tpu.memory_space<vmem>>
      %dma_start3A_186 = arith.constant 0 : i32
      %dma_start3A_187 = arith.constant 0 : i32
      %dma_start3A_188 = tpu.memref_slice %arg15[%dma_start3A_186, %dma_start3A_187] : memref<10240x64xf32, #tpu.memory_space<vmem_shared>> -> memref<10240x64xf32, #tpu.memory_space<vmem_shared>>
      tpu.enqueue_indirect_dma source(%arg14 : memref<48x64xf32, #tpu.memory_space<vmem>>) target(%dma_start3A_188 : memref<10240x64xf32, #tpu.memory_space<vmem_shared>>) offsets(%dma_start3A_185 : memref<48xi32, #tpu.memory_space<vmem>>) semaphore(%arg24 : memref<!tpu.dma_semaphore, #tpu.memory_space<semaphore_mem>>) {add = true}
      %ge3A_189 = arith.constant 1 : i32
      %ge3A_190 = arith.cmpi sge, %add3A_176, %ge3A_189 : i32
      %convert_element_type3A_191 = arith.extui %ge3A_190 : i1 to i32
      %cond3A_192 = arith.constant 0 : i32
      %cond3A_193 = arith.cmpi ne, %convert_element_type3A_191, %cond3A_192 : i32
      scf.if %cond3A_193 {
        %sub3A_203 = arith.constant 1 : i32
        %sub3A_204 = arith.subi %add3A_176, %sub3A_203 : i32
        %dma_wait3A_205 = arith.constant 0 : i32
        %dma_wait3A_206 = tpu.memref_slice %arg10[%sub3A_204, %dma_wait3A_205] : memref<212x48xi32, #tpu.memory_space<vmem>> -> memref<1x48xi32, #tpu.memory_space<vmem>>
        %dma_wait3A_207 = tpu.memref_squeeze %dma_wait3A_206 : memref<1x48xi32, #tpu.memory_space<vmem>> -> memref<48xi32, #tpu.memory_space<vmem>>
        %dma_wait3A_208 = arith.constant 0 : i32
        %dma_wait3A_209 = arith.constant 0 : i32
        %dma_wait3A_210 = tpu.memref_slice %arg15[%dma_wait3A_208, %dma_wait3A_209] : memref<10240x64xf32, #tpu.memory_space<vmem_shared>> -> memref<10240x64xf32, #tpu.memory_space<vmem_shared>>
        tpu.wait_indirect_dma semaphore(%arg23 : memref<!tpu.dma_semaphore, #tpu.memory_space<semaphore_mem>>) src(%arg13 : memref<48x64xf32, #tpu.memory_space<vmem>>) dst(%dma_wait3A_210 : memref<10240x64xf32, #tpu.memory_space<vmem_shared>>)
      } else {
      }
      %add3A_194 = arith.constant 4 : i32
      %add3A_195 = arith.addi %add3A_176, %add3A_194 : i32
      %sub3A_196 = arith.constant 1 : i32
      %sub3A_197 = arith.subi %add3A_195, %sub3A_196 : i32
      %lt3A_198 = arith.constant 212 : i32
      %lt3A_199 = arith.cmpi slt, %sub3A_197, %lt3A_198 : i32
      %convert_element_type3A_200 = arith.extui %lt3A_199 : i1 to i32
      %cond3A_201 = arith.constant 0 : i32
      %cond3A_202 = arith.cmpi ne, %convert_element_type3A_200, %cond3A_201 : i32
      scf.if %cond3A_202 {
        %add3A_203 = arith.constant 4 : i32
        %add3A_204 = arith.addi %add3A_176, %add3A_203 : i32
        %sub3A_205 = arith.constant 1 : i32
        %sub3A_206 = arith.subi %add3A_204, %sub3A_205 : i32
        %dma_start3A_207 = arith.constant 0 : i32
        %dma_start3A_208 = tpu.memref_slice %arg9[%sub3A_206, %dma_start3A_207] : memref<212x48xi32, #tpu.memory_space<vmem>> -> memref<1x48xi32, #tpu.memory_space<vmem>>
        %dma_start3A_209 = tpu.memref_squeeze %dma_start3A_208 : memref<1x48xi32, #tpu.memory_space<vmem>> -> memref<48xi32, #tpu.memory_space<vmem>>
        %dma_start3A_210 = arith.constant 0 : i32
        %dma_start3A_211 = arith.constant 0 : i32
        %dma_start3A_212 = tpu.memref_slice %arg16[%dma_start3A_210, %dma_start3A_211] : memref<10240x64xf32, #tpu.memory_space<vmem_shared>> -> memref<10240x64xf32, #tpu.memory_space<vmem_shared>>
        tpu.enqueue_indirect_dma source(%dma_start3A_212 : memref<10240x64xf32, #tpu.memory_space<vmem_shared>>) target(%arg13 : memref<48x64xf32, #tpu.memory_space<vmem>>) offsets(%dma_start3A_209 : memref<48xi32, #tpu.memory_space<vmem>>) semaphore(%arg19 : memref<!tpu.dma_semaphore, #tpu.memory_space<semaphore_mem>>)
      } else {
      }
    }
    %scan3A_35 = arith.constant 53 : i32
    %dma_wait3A = arith.constant 211 : i32
    %dma_wait3A_36 = arith.constant 0 : i32
    %dma_wait3A_37 = tpu.memref_slice %arg10[%dma_wait3A, %dma_wait3A_36] : memref<212x48xi32, #tpu.memory_space<vmem>> -> memref<1x48xi32, #tpu.memory_space<vmem>>
    %dma_wait3A_38 = tpu.memref_squeeze %dma_wait3A_37 : memref<1x48xi32, #tpu.memory_space<vmem>> -> memref<48xi32, #tpu.memory_space<vmem>>
    %dma_wait3A_39 = arith.constant 0 : i32
    %dma_wait3A_40 = arith.constant 0 : i32
    %dma_wait3A_41 = tpu.memref_slice %arg15[%dma_wait3A_39, %dma_wait3A_40] : memref<10240x64xf32, #tpu.memory_space<vmem_shared>> -> memref<10240x64xf32, #tpu.memory_space<vmem_shared>>
    tpu.wait_indirect_dma semaphore(%arg24 : memref<!tpu.dma_semaphore, #tpu.memory_space<semaphore_mem>>) src(%arg14 : memref<48x64xf32, #tpu.memory_space<vmem>>) dst(%dma_wait3A_41 : memref<10240x64xf32, #tpu.memory_space<vmem_shared>>)
    %mul3A_42 = arith.constant 2 : i32
    %mul3A_43 = arith.muli %arg1, %mul3A_42 : i32
    %add3A_44 = arith.constant 1 : i32
    %add3A_45 = arith.addi %mul3A_43, %add3A_44 : i32
    "tpu.region"() ({
      %run_scoped3A = tpu.sem_alloc : memref<!tpu.dma_semaphore, #tpu.memory_space<semaphore_mem>>
      %dma_start3A_91 = arith.constant 0 : i32
      %dma_start3A_92 = arith.constant 0 : i32
      %dma_start3A_93 = tpu.memref_slice %arg2[%add3A_45, %dma_start3A_91, %dma_start3A_92] : memref<32x212x48xi32, #tpu.memory_space<hbm>> -> memref<1x212x48xi32, #tpu.memory_space<hbm>>
      %dma_start3A_94 = tpu.memref_squeeze %dma_start3A_93 : memref<1x212x48xi32, #tpu.memory_space<hbm>> -> memref<212x48xi32, #tpu.memory_space<hbm>>
      %dma_start3A_95 = arith.constant 0 : i32
      %dma_start3A_96 = arith.constant 0 : i32
      %dma_start3A_97 = tpu.memref_slice %arg2[%add3A_45, %dma_start3A_95, %dma_start3A_96] : memref<32x212x48xi32, #tpu.memory_space<hbm>> -> memref<1x212x48xi32, #tpu.memory_space<hbm>>
      %dma_start3A_98 = tpu.memref_squeeze %dma_start3A_97 : memref<1x212x48xi32, #tpu.memory_space<hbm>> -> memref<212x48xi32, #tpu.memory_space<hbm>>
      tpu.enqueue_dma source(%dma_start3A_98 : memref<212x48xi32, #tpu.memory_space<hbm>>) target(%arg9 : memref<212x48xi32, #tpu.memory_space<vmem>>) target_semaphore(%run_scoped3A : memref<!tpu.dma_semaphore, #tpu.memory_space<semaphore_mem>>)
      %dma_wait3A_99 = arith.constant 0 : i32
      %dma_wait3A_100 = arith.constant 0 : i32
      %dma_wait3A_101 = tpu.memref_slice %arg2[%add3A_45, %dma_wait3A_99, %dma_wait3A_100] : memref<32x212x48xi32, #tpu.memory_space<hbm>> -> memref<1x212x48xi32, #tpu.memory_space<hbm>>
      %dma_wait3A_102 = tpu.memref_squeeze %dma_wait3A_101 : memref<1x212x48xi32, #tpu.memory_space<hbm>> -> memref<212x48xi32, #tpu.memory_space<hbm>>
      %dma_wait3A_103 = arith.constant 0 : i32
      %dma_wait3A_104 = arith.constant 0 : i32
      %dma_wait3A_105 = tpu.memref_slice %arg2[%add3A_45, %dma_wait3A_103, %dma_wait3A_104] : memref<32x212x48xi32, #tpu.memory_space<hbm>> -> memref<1x212x48xi32, #tpu.memory_space<hbm>>
      %dma_wait3A_106 = tpu.memref_squeeze %dma_wait3A_105 : memref<1x212x48xi32, #tpu.memory_space<hbm>> -> memref<212x48xi32, #tpu.memory_space<hbm>>
      tpu.wait_dma2 semaphore(%run_scoped3A : memref<!tpu.dma_semaphore, #tpu.memory_space<semaphore_mem>>) src(%dma_wait3A_106 : memref<212x48xi32, #tpu.memory_space<hbm>>) dst(%arg9 : memref<212x48xi32, #tpu.memory_space<vmem>>)
      tpu.yield
    }) : () -> ()
    "tpu.region"() ({
      %run_scoped3A = tpu.sem_alloc : memref<!tpu.dma_semaphore, #tpu.memory_space<semaphore_mem>>
      %dma_start3A_91 = arith.constant 0 : i32
      %dma_start3A_92 = arith.constant 0 : i32
      %dma_start3A_93 = tpu.memref_slice %arg3[%add3A_45, %dma_start3A_91, %dma_start3A_92] : memref<32x212x48xi32, #tpu.memory_space<hbm>> -> memref<1x212x48xi32, #tpu.memory_space<hbm>>
      %dma_start3A_94 = tpu.memref_squeeze %dma_start3A_93 : memref<1x212x48xi32, #tpu.memory_space<hbm>> -> memref<212x48xi32, #tpu.memory_space<hbm>>
      %dma_start3A_95 = arith.constant 0 : i32
      %dma_start3A_96 = arith.constant 0 : i32
      %dma_start3A_97 = tpu.memref_slice %arg3[%add3A_45, %dma_start3A_95, %dma_start3A_96] : memref<32x212x48xi32, #tpu.memory_space<hbm>> -> memref<1x212x48xi32, #tpu.memory_space<hbm>>
      %dma_start3A_98 = tpu.memref_squeeze %dma_start3A_97 : memref<1x212x48xi32, #tpu.memory_space<hbm>> -> memref<212x48xi32, #tpu.memory_space<hbm>>
      tpu.enqueue_dma source(%dma_start3A_98 : memref<212x48xi32, #tpu.memory_space<hbm>>) target(%arg10 : memref<212x48xi32, #tpu.memory_space<vmem>>) target_semaphore(%run_scoped3A : memref<!tpu.dma_semaphore, #tpu.memory_space<semaphore_mem>>)
      %dma_wait3A_99 = arith.constant 0 : i32
      %dma_wait3A_100 = arith.constant 0 : i32
      %dma_wait3A_101 = tpu.memref_slice %arg3[%add3A_45, %dma_wait3A_99, %dma_wait3A_100] : memref<32x212x48xi32, #tpu.memory_space<hbm>> -> memref<1x212x48xi32, #tpu.memory_space<hbm>>
      %dma_wait3A_102 = tpu.memref_squeeze %dma_wait3A_101 : memref<1x212x48xi32, #tpu.memory_space<hbm>> -> memref<212x48xi32, #tpu.memory_space<hbm>>
      %dma_wait3A_103 = arith.constant 0 : i32
      %dma_wait3A_104 = arith.constant 0 : i32
      %dma_wait3A_105 = tpu.memref_slice %arg3[%add3A_45, %dma_wait3A_103, %dma_wait3A_104] : memref<32x212x48xi32, #tpu.memory_space<hbm>> -> memref<1x212x48xi32, #tpu.memory_space<hbm>>
      %dma_wait3A_106 = tpu.memref_squeeze %dma_wait3A_105 : memref<1x212x48xi32, #tpu.memory_space<hbm>> -> memref<212x48xi32, #tpu.memory_space<hbm>>
      tpu.wait_dma2 semaphore(%run_scoped3A : memref<!tpu.dma_semaphore, #tpu.memory_space<semaphore_mem>>) src(%dma_wait3A_106 : memref<212x48xi32, #tpu.memory_space<hbm>>) dst(%arg10 : memref<212x48xi32, #tpu.memory_space<vmem>>)
      tpu.yield
    }) : () -> ()
    %dma_start3A_46 = arith.constant 0 : i32
    %dma_start3A_47 = arith.constant 0 : i32
    %dma_start3A_48 = tpu.memref_slice %arg9[%dma_start3A_46, %dma_start3A_47] : memref<212x48xi32, #tpu.memory_space<vmem>> -> memref<1x48xi32, #tpu.memory_space<vmem>>
    %dma_start3A_49 = tpu.memref_squeeze %dma_start3A_48 : memref<1x48xi32, #tpu.memory_space<vmem>> -> memref<48xi32, #tpu.memory_space<vmem>>
    %dma_start3A_50 = arith.constant 0 : i32
    %dma_start3A_51 = arith.constant 0 : i32
    %dma_start3A_52 = tpu.memref_slice %arg16[%dma_start3A_50, %dma_start3A_51] : memref<10240x64xf32, #tpu.memory_space<vmem_shared>> -> memref<10240x64xf32, #tpu.memory_space<vmem_shared>>
    tpu.enqueue_indirect_dma source(%dma_start3A_52 : memref<10240x64xf32, #tpu.memory_space<vmem_shared>>) target(%arg11 : memref<48x64xf32, #tpu.memory_space<vmem>>) offsets(%dma_start3A_49 : memref<48xi32, #tpu.memory_space<vmem>>) semaphore(%arg17 : memref<!tpu.dma_semaphore, #tpu.memory_space<semaphore_mem>>)
    %dma_start3A_53 = arith.constant 1 : i32
    %dma_start3A_54 = arith.constant 0 : i32
    %dma_start3A_55 = tpu.memref_slice %arg9[%dma_start3A_53, %dma_start3A_54] : memref<212x48xi32, #tpu.memory_space<vmem>> -> memref<1x48xi32, #tpu.memory_space<vmem>>
    %dma_start3A_56 = tpu.memref_squeeze %dma_start3A_55 : memref<1x48xi32, #tpu.memory_space<vmem>> -> memref<48xi32, #tpu.memory_space<vmem>>
    %dma_start3A_57 = arith.constant 0 : i32
    %dma_start3A_58 = arith.constant 0 : i32
    %dma_start3A_59 = tpu.memref_slice %arg16[%dma_start3A_57, %dma_start3A_58] : memref<10240x64xf32, #tpu.memory_space<vmem_shared>> -> memref<10240x64xf32, #tpu.memory_space<vmem_shared>>
    tpu.enqueue_indirect_dma source(%dma_start3A_59 : memref<10240x64xf32, #tpu.memory_space<vmem_shared>>) target(%arg12 : memref<48x64xf32, #tpu.memory_space<vmem>>) offsets(%dma_start3A_56 : memref<48xi32, #tpu.memory_space<vmem>>) semaphore(%arg18 : memref<!tpu.dma_semaphore, #tpu.memory_space<semaphore_mem>>)
    %dma_start3A_60 = arith.constant 2 : i32
    %dma_start3A_61 = arith.constant 0 : i32
    %dma_start3A_62 = tpu.memref_slice %arg9[%dma_start3A_60, %dma_start3A_61] : memref<212x48xi32, #tpu.memory_space<vmem>> -> memref<1x48xi32, #tpu.memory_space<vmem>>
    %dma_start3A_63 = tpu.memref_squeeze %dma_start3A_62 : memref<1x48xi32, #tpu.memory_space<vmem>> -> memref<48xi32, #tpu.memory_space<vmem>>
    %dma_start3A_64 = arith.constant 0 : i32
    %dma_start3A_65 = arith.constant 0 : i32
    %dma_start3A_66 = tpu.memref_slice %arg16[%dma_start3A_64, %dma_start3A_65] : memref<10240x64xf32, #tpu.memory_space<vmem_shared>> -> memref<10240x64xf32, #tpu.memory_space<vmem_shared>>
    tpu.enqueue_indirect_dma source(%dma_start3A_66 : memref<10240x64xf32, #tpu.memory_space<vmem_shared>>) target(%arg13 : memref<48x64xf32, #tpu.memory_space<vmem>>) offsets(%dma_start3A_63 : memref<48xi32, #tpu.memory_space<vmem>>) semaphore(%arg19 : memref<!tpu.dma_semaphore, #tpu.memory_space<semaphore_mem>>)
    %scan3A_67 = arith.constant 0 : i32
    %scan3A_68 = arith.constant 0 : i32
    %scan3A_69 = arith.constant 53 : i32
    %scan3A_70 = arith.addi %scan3A_68, %scan3A_69 : i32
    %scan3A_71 = arith.constant 1 : i32
    scf.for %scan3A_91 = %scan3A_68 to %scan3A_70 step %scan3A_71  : i32 {
      %mul3A_92 = arith.constant 4 : i32
      %mul3A_93 = arith.muli %scan3A_91, %mul3A_92 : i32
      %add3A_94 = arith.constant 0 : i32
      %add3A_95 = arith.addi %mul3A_93, %add3A_94 : i32
      %dma_wait3A_96 = arith.constant 0 : i32
      %dma_wait3A_97 = tpu.memref_slice %arg9[%add3A_95, %dma_wait3A_96] : memref<212x48xi32, #tpu.memory_space<vmem>> -> memref<1x48xi32, #tpu.memory_space<vmem>>
      %dma_wait3A_98 = tpu.memref_squeeze %dma_wait3A_97 : memref<1x48xi32, #tpu.memory_space<vmem>> -> memref<48xi32, #tpu.memory_space<vmem>>
      %dma_wait3A_99 = arith.constant 0 : i32
      %dma_wait3A_100 = arith.constant 0 : i32
      %dma_wait3A_101 = tpu.memref_slice %arg16[%dma_wait3A_99, %dma_wait3A_100] : memref<10240x64xf32, #tpu.memory_space<vmem_shared>> -> memref<10240x64xf32, #tpu.memory_space<vmem_shared>>
      tpu.wait_indirect_dma semaphore(%arg17 : memref<!tpu.dma_semaphore, #tpu.memory_space<semaphore_mem>>) src(%dma_wait3A_101 : memref<10240x64xf32, #tpu.memory_space<vmem_shared>>) dst(%arg11 : memref<48x64xf32, #tpu.memory_space<vmem>>)
      %dma_start3A_102 = arith.constant 0 : i32
      %dma_start3A_103 = tpu.memref_slice %arg10[%add3A_95, %dma_start3A_102] : memref<212x48xi32, #tpu.memory_space<vmem>> -> memref<1x48xi32, #tpu.memory_space<vmem>>
      %dma_start3A_104 = tpu.memref_squeeze %dma_start3A_103 : memref<1x48xi32, #tpu.memory_space<vmem>> -> memref<48xi32, #tpu.memory_space<vmem>>
      %dma_start3A_105 = arith.constant 0 : i32
      %dma_start3A_106 = arith.constant 0 : i32
      %dma_start3A_107 = tpu.memref_slice %arg15[%dma_start3A_105, %dma_start3A_106] : memref<10240x64xf32, #tpu.memory_space<vmem_shared>> -> memref<10240x64xf32, #tpu.memory_space<vmem_shared>>
      tpu.enqueue_indirect_dma source(%arg11 : memref<48x64xf32, #tpu.memory_space<vmem>>) target(%dma_start3A_107 : memref<10240x64xf32, #tpu.memory_space<vmem_shared>>) offsets(%dma_start3A_104 : memref<48xi32, #tpu.memory_space<vmem>>) semaphore(%arg21 : memref<!tpu.dma_semaphore, #tpu.memory_space<semaphore_mem>>) {add = true}
      %ge3A = arith.constant 1 : i32
      %ge3A_108 = arith.cmpi sge, %add3A_95, %ge3A : i32
      %convert_element_type3A_109 = arith.extui %ge3A_108 : i1 to i32
      %cond3A_110 = arith.constant 0 : i32
      %cond3A_111 = arith.cmpi ne, %convert_element_type3A_109, %cond3A_110 : i32
      scf.if %cond3A_111 {
        %sub3A_203 = arith.constant 1 : i32
        %sub3A_204 = arith.subi %add3A_95, %sub3A_203 : i32
        %dma_wait3A_205 = arith.constant 0 : i32
        %dma_wait3A_206 = tpu.memref_slice %arg10[%sub3A_204, %dma_wait3A_205] : memref<212x48xi32, #tpu.memory_space<vmem>> -> memref<1x48xi32, #tpu.memory_space<vmem>>
        %dma_wait3A_207 = tpu.memref_squeeze %dma_wait3A_206 : memref<1x48xi32, #tpu.memory_space<vmem>> -> memref<48xi32, #tpu.memory_space<vmem>>
        %dma_wait3A_208 = arith.constant 0 : i32
        %dma_wait3A_209 = arith.constant 0 : i32
        %dma_wait3A_210 = tpu.memref_slice %arg15[%dma_wait3A_208, %dma_wait3A_209] : memref<10240x64xf32, #tpu.memory_space<vmem_shared>> -> memref<10240x64xf32, #tpu.memory_space<vmem_shared>>
        tpu.wait_indirect_dma semaphore(%arg24 : memref<!tpu.dma_semaphore, #tpu.memory_space<semaphore_mem>>) src(%arg14 : memref<48x64xf32, #tpu.memory_space<vmem>>) dst(%dma_wait3A_210 : memref<10240x64xf32, #tpu.memory_space<vmem_shared>>)
      } else {
      }
      %add3A_112 = arith.constant 4 : i32
      %add3A_113 = arith.addi %add3A_95, %add3A_112 : i32
      %sub3A = arith.constant 1 : i32
      %sub3A_114 = arith.subi %add3A_113, %sub3A : i32
      %lt3A = arith.constant 212 : i32
      %lt3A_115 = arith.cmpi slt, %sub3A_114, %lt3A : i32
      %convert_element_type3A_116 = arith.extui %lt3A_115 : i1 to i32
      %cond3A_117 = arith.constant 0 : i32
      %cond3A_118 = arith.cmpi ne, %convert_element_type3A_116, %cond3A_117 : i32
      scf.if %cond3A_118 {
        %add3A_203 = arith.constant 4 : i32
        %add3A_204 = arith.addi %add3A_95, %add3A_203 : i32
        %sub3A_205 = arith.constant 1 : i32
        %sub3A_206 = arith.subi %add3A_204, %sub3A_205 : i32
        %dma_start3A_207 = arith.constant 0 : i32
        %dma_start3A_208 = tpu.memref_slice %arg9[%sub3A_206, %dma_start3A_207] : memref<212x48xi32, #tpu.memory_space<vmem>> -> memref<1x48xi32, #tpu.memory_space<vmem>>
        %dma_start3A_209 = tpu.memref_squeeze %dma_start3A_208 : memref<1x48xi32, #tpu.memory_space<vmem>> -> memref<48xi32, #tpu.memory_space<vmem>>
        %dma_start3A_210 = arith.constant 0 : i32
        %dma_start3A_211 = arith.constant 0 : i32
        %dma_start3A_212 = tpu.memref_slice %arg16[%dma_start3A_210, %dma_start3A_211] : memref<10240x64xf32, #tpu.memory_space<vmem_shared>> -> memref<10240x64xf32, #tpu.memory_space<vmem_shared>>
        tpu.enqueue_indirect_dma source(%dma_start3A_212 : memref<10240x64xf32, #tpu.memory_space<vmem_shared>>) target(%arg14 : memref<48x64xf32, #tpu.memory_space<vmem>>) offsets(%dma_start3A_209 : memref<48xi32, #tpu.memory_space<vmem>>) semaphore(%arg20 : memref<!tpu.dma_semaphore, #tpu.memory_space<semaphore_mem>>)
      } else {
      }
      %add3A_119 = arith.constant 1 : i32
      %add3A_120 = arith.addi %mul3A_93, %add3A_119 : i32
      %dma_wait3A_121 = arith.constant 0 : i32
      %dma_wait3A_122 = tpu.memref_slice %arg9[%add3A_120, %dma_wait3A_121] : memref<212x48xi32, #tpu.memory_space<vmem>> -> memref<1x48xi32, #tpu.memory_space<vmem>>
      %dma_wait3A_123 = tpu.memref_squeeze %dma_wait3A_122 : memref<1x48xi32, #tpu.memory_space<vmem>> -> memref<48xi32, #tpu.memory_space<vmem>>
      %dma_wait3A_124 = arith.constant 0 : i32
      %dma_wait3A_125 = arith.constant 0 : i32
      %dma_wait3A_126 = tpu.memref_slice %arg16[%dma_wait3A_124, %dma_wait3A_125] : memref<10240x64xf32, #tpu.memory_space<vmem_shared>> -> memref<10240x64xf32, #tpu.memory_space<vmem_shared>>
      tpu.wait_indirect_dma semaphore(%arg18 : memref<!tpu.dma_semaphore, #tpu.memory_space<semaphore_mem>>) src(%dma_wait3A_126 : memref<10240x64xf32, #tpu.memory_space<vmem_shared>>) dst(%arg12 : memref<48x64xf32, #tpu.memory_space<vmem>>)
      %dma_start3A_127 = arith.constant 0 : i32
      %dma_start3A_128 = tpu.memref_slice %arg10[%add3A_120, %dma_start3A_127] : memref<212x48xi32, #tpu.memory_space<vmem>> -> memref<1x48xi32, #tpu.memory_space<vmem>>
      %dma_start3A_129 = tpu.memref_squeeze %dma_start3A_128 : memref<1x48xi32, #tpu.memory_space<vmem>> -> memref<48xi32, #tpu.memory_space<vmem>>
      %dma_start3A_130 = arith.constant 0 : i32
      %dma_start3A_131 = arith.constant 0 : i32
      %dma_start3A_132 = tpu.memref_slice %arg15[%dma_start3A_130, %dma_start3A_131] : memref<10240x64xf32, #tpu.memory_space<vmem_shared>> -> memref<10240x64xf32, #tpu.memory_space<vmem_shared>>
      tpu.enqueue_indirect_dma source(%arg12 : memref<48x64xf32, #tpu.memory_space<vmem>>) target(%dma_start3A_132 : memref<10240x64xf32, #tpu.memory_space<vmem_shared>>) offsets(%dma_start3A_129 : memref<48xi32, #tpu.memory_space<vmem>>) semaphore(%arg22 : memref<!tpu.dma_semaphore, #tpu.memory_space<semaphore_mem>>) {add = true}
      %ge3A_133 = arith.constant 1 : i32
      %ge3A_134 = arith.cmpi sge, %add3A_120, %ge3A_133 : i32
      %convert_element_type3A_135 = arith.extui %ge3A_134 : i1 to i32
      %cond3A_136 = arith.constant 0 : i32
      %cond3A_137 = arith.cmpi ne, %convert_element_type3A_135, %cond3A_136 : i32
      scf.if %cond3A_137 {
        %sub3A_203 = arith.constant 1 : i32
        %sub3A_204 = arith.subi %add3A_120, %sub3A_203 : i32
        %dma_wait3A_205 = arith.constant 0 : i32
        %dma_wait3A_206 = tpu.memref_slice %arg10[%sub3A_204, %dma_wait3A_205] : memref<212x48xi32, #tpu.memory_space<vmem>> -> memref<1x48xi32, #tpu.memory_space<vmem>>
        %dma_wait3A_207 = tpu.memref_squeeze %dma_wait3A_206 : memref<1x48xi32, #tpu.memory_space<vmem>> -> memref<48xi32, #tpu.memory_space<vmem>>
        %dma_wait3A_208 = arith.constant 0 : i32
        %dma_wait3A_209 = arith.constant 0 : i32
        %dma_wait3A_210 = tpu.memref_slice %arg15[%dma_wait3A_208, %dma_wait3A_209] : memref<10240x64xf32, #tpu.memory_space<vmem_shared>> -> memref<10240x64xf32, #tpu.memory_space<vmem_shared>>
        tpu.wait_indirect_dma semaphore(%arg21 : memref<!tpu.dma_semaphore, #tpu.memory_space<semaphore_mem>>) src(%arg11 : memref<48x64xf32, #tpu.memory_space<vmem>>) dst(%dma_wait3A_210 : memref<10240x64xf32, #tpu.memory_space<vmem_shared>>)
      } else {
      }
      %add3A_138 = arith.constant 4 : i32
      %add3A_139 = arith.addi %add3A_120, %add3A_138 : i32
      %sub3A_140 = arith.constant 1 : i32
      %sub3A_141 = arith.subi %add3A_139, %sub3A_140 : i32
      %lt3A_142 = arith.constant 212 : i32
      %lt3A_143 = arith.cmpi slt, %sub3A_141, %lt3A_142 : i32
      %convert_element_type3A_144 = arith.extui %lt3A_143 : i1 to i32
      %cond3A_145 = arith.constant 0 : i32
      %cond3A_146 = arith.cmpi ne, %convert_element_type3A_144, %cond3A_145 : i32
      scf.if %cond3A_146 {
        %add3A_203 = arith.constant 4 : i32
        %add3A_204 = arith.addi %add3A_120, %add3A_203 : i32
        %sub3A_205 = arith.constant 1 : i32
        %sub3A_206 = arith.subi %add3A_204, %sub3A_205 : i32
        %dma_start3A_207 = arith.constant 0 : i32
        %dma_start3A_208 = tpu.memref_slice %arg9[%sub3A_206, %dma_start3A_207] : memref<212x48xi32, #tpu.memory_space<vmem>> -> memref<1x48xi32, #tpu.memory_space<vmem>>
        %dma_start3A_209 = tpu.memref_squeeze %dma_start3A_208 : memref<1x48xi32, #tpu.memory_space<vmem>> -> memref<48xi32, #tpu.memory_space<vmem>>
        %dma_start3A_210 = arith.constant 0 : i32
        %dma_start3A_211 = arith.constant 0 : i32
        %dma_start3A_212 = tpu.memref_slice %arg16[%dma_start3A_210, %dma_start3A_211] : memref<10240x64xf32, #tpu.memory_space<vmem_shared>> -> memref<10240x64xf32, #tpu.memory_space<vmem_shared>>
        tpu.enqueue_indirect_dma source(%dma_start3A_212 : memref<10240x64xf32, #tpu.memory_space<vmem_shared>>) target(%arg11 : memref<48x64xf32, #tpu.memory_space<vmem>>) offsets(%dma_start3A_209 : memref<48xi32, #tpu.memory_space<vmem>>) semaphore(%arg17 : memref<!tpu.dma_semaphore, #tpu.memory_space<semaphore_mem>>)
      } else {
      }
      %add3A_147 = arith.constant 2 : i32
      %add3A_148 = arith.addi %mul3A_93, %add3A_147 : i32
      %dma_wait3A_149 = arith.constant 0 : i32
      %dma_wait3A_150 = tpu.memref_slice %arg9[%add3A_148, %dma_wait3A_149] : memref<212x48xi32, #tpu.memory_space<vmem>> -> memref<1x48xi32, #tpu.memory_space<vmem>>
      %dma_wait3A_151 = tpu.memref_squeeze %dma_wait3A_150 : memref<1x48xi32, #tpu.memory_space<vmem>> -> memref<48xi32, #tpu.memory_space<vmem>>
      %dma_wait3A_152 = arith.constant 0 : i32
      %dma_wait3A_153 = arith.constant 0 : i32
      %dma_wait3A_154 = tpu.memref_slice %arg16[%dma_wait3A_152, %dma_wait3A_153] : memref<10240x64xf32, #tpu.memory_space<vmem_shared>> -> memref<10240x64xf32, #tpu.memory_space<vmem_shared>>
      tpu.wait_indirect_dma semaphore(%arg19 : memref<!tpu.dma_semaphore, #tpu.memory_space<semaphore_mem>>) src(%dma_wait3A_154 : memref<10240x64xf32, #tpu.memory_space<vmem_shared>>) dst(%arg13 : memref<48x64xf32, #tpu.memory_space<vmem>>)
      %dma_start3A_155 = arith.constant 0 : i32
      %dma_start3A_156 = tpu.memref_slice %arg10[%add3A_148, %dma_start3A_155] : memref<212x48xi32, #tpu.memory_space<vmem>> -> memref<1x48xi32, #tpu.memory_space<vmem>>
      %dma_start3A_157 = tpu.memref_squeeze %dma_start3A_156 : memref<1x48xi32, #tpu.memory_space<vmem>> -> memref<48xi32, #tpu.memory_space<vmem>>
      %dma_start3A_158 = arith.constant 0 : i32
      %dma_start3A_159 = arith.constant 0 : i32
      %dma_start3A_160 = tpu.memref_slice %arg15[%dma_start3A_158, %dma_start3A_159] : memref<10240x64xf32, #tpu.memory_space<vmem_shared>> -> memref<10240x64xf32, #tpu.memory_space<vmem_shared>>
      tpu.enqueue_indirect_dma source(%arg13 : memref<48x64xf32, #tpu.memory_space<vmem>>) target(%dma_start3A_160 : memref<10240x64xf32, #tpu.memory_space<vmem_shared>>) offsets(%dma_start3A_157 : memref<48xi32, #tpu.memory_space<vmem>>) semaphore(%arg23 : memref<!tpu.dma_semaphore, #tpu.memory_space<semaphore_mem>>) {add = true}
      %ge3A_161 = arith.constant 1 : i32
      %ge3A_162 = arith.cmpi sge, %add3A_148, %ge3A_161 : i32
      %convert_element_type3A_163 = arith.extui %ge3A_162 : i1 to i32
      %cond3A_164 = arith.constant 0 : i32
      %cond3A_165 = arith.cmpi ne, %convert_element_type3A_163, %cond3A_164 : i32
      scf.if %cond3A_165 {
        %sub3A_203 = arith.constant 1 : i32
        %sub3A_204 = arith.subi %add3A_148, %sub3A_203 : i32
        %dma_wait3A_205 = arith.constant 0 : i32
        %dma_wait3A_206 = tpu.memref_slice %arg10[%sub3A_204, %dma_wait3A_205] : memref<212x48xi32, #tpu.memory_space<vmem>> -> memref<1x48xi32, #tpu.memory_space<vmem>>
        %dma_wait3A_207 = tpu.memref_squeeze %dma_wait3A_206 : memref<1x48xi32, #tpu.memory_space<vmem>> -> memref<48xi32, #tpu.memory_space<vmem>>
        %dma_wait3A_208 = arith.constant 0 : i32
        %dma_wait3A_209 = arith.constant 0 : i32
        %dma_wait3A_210 = tpu.memref_slice %arg15[%dma_wait3A_208, %dma_wait3A_209] : memref<10240x64xf32, #tpu.memory_space<vmem_shared>> -> memref<10240x64xf32, #tpu.memory_space<vmem_shared>>
        tpu.wait_indirect_dma semaphore(%arg22 : memref<!tpu.dma_semaphore, #tpu.memory_space<semaphore_mem>>) src(%arg12 : memref<48x64xf32, #tpu.memory_space<vmem>>) dst(%dma_wait3A_210 : memref<10240x64xf32, #tpu.memory_space<vmem_shared>>)
      } else {
      }
      %add3A_166 = arith.constant 4 : i32
      %add3A_167 = arith.addi %add3A_148, %add3A_166 : i32
      %sub3A_168 = arith.constant 1 : i32
      %sub3A_169 = arith.subi %add3A_167, %sub3A_168 : i32
      %lt3A_170 = arith.constant 212 : i32
      %lt3A_171 = arith.cmpi slt, %sub3A_169, %lt3A_170 : i32
      %convert_element_type3A_172 = arith.extui %lt3A_171 : i1 to i32
      %cond3A_173 = arith.constant 0 : i32
      %cond3A_174 = arith.cmpi ne, %convert_element_type3A_172, %cond3A_173 : i32
      scf.if %cond3A_174 {
        %add3A_203 = arith.constant 4 : i32
        %add3A_204 = arith.addi %add3A_148, %add3A_203 : i32
        %sub3A_205 = arith.constant 1 : i32
        %sub3A_206 = arith.subi %add3A_204, %sub3A_205 : i32
        %dma_start3A_207 = arith.constant 0 : i32
        %dma_start3A_208 = tpu.memref_slice %arg9[%sub3A_206, %dma_start3A_207] : memref<212x48xi32, #tpu.memory_space<vmem>> -> memref<1x48xi32, #tpu.memory_space<vmem>>
        %dma_start3A_209 = tpu.memref_squeeze %dma_start3A_208 : memref<1x48xi32, #tpu.memory_space<vmem>> -> memref<48xi32, #tpu.memory_space<vmem>>
        %dma_start3A_210 = arith.constant 0 : i32
        %dma_start3A_211 = arith.constant 0 : i32
        %dma_start3A_212 = tpu.memref_slice %arg16[%dma_start3A_210, %dma_start3A_211] : memref<10240x64xf32, #tpu.memory_space<vmem_shared>> -> memref<10240x64xf32, #tpu.memory_space<vmem_shared>>
        tpu.enqueue_indirect_dma source(%dma_start3A_212 : memref<10240x64xf32, #tpu.memory_space<vmem_shared>>) target(%arg12 : memref<48x64xf32, #tpu.memory_space<vmem>>) offsets(%dma_start3A_209 : memref<48xi32, #tpu.memory_space<vmem>>) semaphore(%arg18 : memref<!tpu.dma_semaphore, #tpu.memory_space<semaphore_mem>>)
      } else {
      }
      %add3A_175 = arith.constant 3 : i32
      %add3A_176 = arith.addi %mul3A_93, %add3A_175 : i32
      %dma_wait3A_177 = arith.constant 0 : i32
      %dma_wait3A_178 = tpu.memref_slice %arg9[%add3A_176, %dma_wait3A_177] : memref<212x48xi32, #tpu.memory_space<vmem>> -> memref<1x48xi32, #tpu.memory_space<vmem>>
      %dma_wait3A_179 = tpu.memref_squeeze %dma_wait3A_178 : memref<1x48xi32, #tpu.memory_space<vmem>> -> memref<48xi32, #tpu.memory_space<vmem>>
      %dma_wait3A_180 = arith.constant 0 : i32
      %dma_wait3A_181 = arith.constant 0 : i32
      %dma_wait3A_182 = tpu.memref_slice %arg16[%dma_wait3A_180, %dma_wait3A_181] : memref<10240x64xf32, #tpu.memory_space<vmem_shared>> -> memref<10240x64xf32, #tpu.memory_space<vmem_shared>>
      tpu.wait_indirect_dma semaphore(%arg20 : memref<!tpu.dma_semaphore, #tpu.memory_space<semaphore_mem>>) src(%dma_wait3A_182 : memref<10240x64xf32, #tpu.memory_space<vmem_shared>>) dst(%arg14 : memref<48x64xf32, #tpu.memory_space<vmem>>)
      %dma_start3A_183 = arith.constant 0 : i32
      %dma_start3A_184 = tpu.memref_slice %arg10[%add3A_176, %dma_start3A_183] : memref<212x48xi32, #tpu.memory_space<vmem>> -> memref<1x48xi32, #tpu.memory_space<vmem>>
      %dma_start3A_185 = tpu.memref_squeeze %dma_start3A_184 : memref<1x48xi32, #tpu.memory_space<vmem>> -> memref<48xi32, #tpu.memory_space<vmem>>
      %dma_start3A_186 = arith.constant 0 : i32
      %dma_start3A_187 = arith.constant 0 : i32
      %dma_start3A_188 = tpu.memref_slice %arg15[%dma_start3A_186, %dma_start3A_187] : memref<10240x64xf32, #tpu.memory_space<vmem_shared>> -> memref<10240x64xf32, #tpu.memory_space<vmem_shared>>
      tpu.enqueue_indirect_dma source(%arg14 : memref<48x64xf32, #tpu.memory_space<vmem>>) target(%dma_start3A_188 : memref<10240x64xf32, #tpu.memory_space<vmem_shared>>) offsets(%dma_start3A_185 : memref<48xi32, #tpu.memory_space<vmem>>) semaphore(%arg24 : memref<!tpu.dma_semaphore, #tpu.memory_space<semaphore_mem>>) {add = true}
      %ge3A_189 = arith.constant 1 : i32
      %ge3A_190 = arith.cmpi sge, %add3A_176, %ge3A_189 : i32
      %convert_element_type3A_191 = arith.extui %ge3A_190 : i1 to i32
      %cond3A_192 = arith.constant 0 : i32
      %cond3A_193 = arith.cmpi ne, %convert_element_type3A_191, %cond3A_192 : i32
      scf.if %cond3A_193 {
        %sub3A_203 = arith.constant 1 : i32
        %sub3A_204 = arith.subi %add3A_176, %sub3A_203 : i32
        %dma_wait3A_205 = arith.constant 0 : i32
        %dma_wait3A_206 = tpu.memref_slice %arg10[%sub3A_204, %dma_wait3A_205] : memref<212x48xi32, #tpu.memory_space<vmem>> -> memref<1x48xi32, #tpu.memory_space<vmem>>
        %dma_wait3A_207 = tpu.memref_squeeze %dma_wait3A_206 : memref<1x48xi32, #tpu.memory_space<vmem>> -> memref<48xi32, #tpu.memory_space<vmem>>
        %dma_wait3A_208 = arith.constant 0 : i32
        %dma_wait3A_209 = arith.constant 0 : i32
        %dma_wait3A_210 = tpu.memref_slice %arg15[%dma_wait3A_208, %dma_wait3A_209] : memref<10240x64xf32, #tpu.memory_space<vmem_shared>> -> memref<10240x64xf32, #tpu.memory_space<vmem_shared>>
        tpu.wait_indirect_dma semaphore(%arg23 : memref<!tpu.dma_semaphore, #tpu.memory_space<semaphore_mem>>) src(%arg13 : memref<48x64xf32, #tpu.memory_space<vmem>>) dst(%dma_wait3A_210 : memref<10240x64xf32, #tpu.memory_space<vmem_shared>>)
      } else {
      }
      %add3A_194 = arith.constant 4 : i32
      %add3A_195 = arith.addi %add3A_176, %add3A_194 : i32
      %sub3A_196 = arith.constant 1 : i32
      %sub3A_197 = arith.subi %add3A_195, %sub3A_196 : i32
      %lt3A_198 = arith.constant 212 : i32
      %lt3A_199 = arith.cmpi slt, %sub3A_197, %lt3A_198 : i32
      %convert_element_type3A_200 = arith.extui %lt3A_199 : i1 to i32
      %cond3A_201 = arith.constant 0 : i32
      %cond3A_202 = arith.cmpi ne, %convert_element_type3A_200, %cond3A_201 : i32
      scf.if %cond3A_202 {
        %add3A_203 = arith.constant 4 : i32
        %add3A_204 = arith.addi %add3A_176, %add3A_203 : i32
        %sub3A_205 = arith.constant 1 : i32
        %sub3A_206 = arith.subi %add3A_204, %sub3A_205 : i32
        %dma_start3A_207 = arith.constant 0 : i32
        %dma_start3A_208 = tpu.memref_slice %arg9[%sub3A_206, %dma_start3A_207] : memref<212x48xi32, #tpu.memory_space<vmem>> -> memref<1x48xi32, #tpu.memory_space<vmem>>
        %dma_start3A_209 = tpu.memref_squeeze %dma_start3A_208 : memref<1x48xi32, #tpu.memory_space<vmem>> -> memref<48xi32, #tpu.memory_space<vmem>>
        %dma_start3A_210 = arith.constant 0 : i32
        %dma_start3A_211 = arith.constant 0 : i32
        %dma_start3A_212 = tpu.memref_slice %arg16[%dma_start3A_210, %dma_start3A_211] : memref<10240x64xf32, #tpu.memory_space<vmem_shared>> -> memref<10240x64xf32, #tpu.memory_space<vmem_shared>>
        tpu.enqueue_indirect_dma source(%dma_start3A_212 : memref<10240x64xf32, #tpu.memory_space<vmem_shared>>) target(%arg13 : memref<48x64xf32, #tpu.memory_space<vmem>>) offsets(%dma_start3A_209 : memref<48xi32, #tpu.memory_space<vmem>>) semaphore(%arg19 : memref<!tpu.dma_semaphore, #tpu.memory_space<semaphore_mem>>)
      } else {
      }
    }
    %scan3A_72 = arith.constant 53 : i32
    %dma_wait3A_73 = arith.constant 211 : i32
    %dma_wait3A_74 = arith.constant 0 : i32
    %dma_wait3A_75 = tpu.memref_slice %arg10[%dma_wait3A_73, %dma_wait3A_74] : memref<212x48xi32, #tpu.memory_space<vmem>> -> memref<1x48xi32, #tpu.memory_space<vmem>>
    %dma_wait3A_76 = tpu.memref_squeeze %dma_wait3A_75 : memref<1x48xi32, #tpu.memory_space<vmem>> -> memref<48xi32, #tpu.memory_space<vmem>>
    %dma_wait3A_77 = arith.constant 0 : i32
    %dma_wait3A_78 = arith.constant 0 : i32
    %dma_wait3A_79 = tpu.memref_slice %arg15[%dma_wait3A_77, %dma_wait3A_78] : memref<10240x64xf32, #tpu.memory_space<vmem_shared>> -> memref<10240x64xf32, #tpu.memory_space<vmem_shared>>
    tpu.wait_indirect_dma semaphore(%arg24 : memref<!tpu.dma_semaphore, #tpu.memory_space<semaphore_mem>>) src(%arg14 : memref<48x64xf32, #tpu.memory_space<vmem>>) dst(%dma_wait3A_79 : memref<10240x64xf32, #tpu.memory_space<vmem_shared>>)
    %barrier3A_80 = arith.constant 0 : index
    tpu.barrier barrier_id(%barrier3A_80)
    %eq3A_81 = arith.constant 0 : i32
    %eq3A_82 = arith.cmpi eq, %arg0, %eq3A_81 : i32
    %convert_element_type3A_83 = arith.extui %eq3A_82 : i1 to i32
    %cond3A_84 = arith.constant 0 : i32
    %cond3A_85 = arith.cmpi ne, %convert_element_type3A_83, %cond3A_84 : i32
    scf.if %cond3A_85 {
      "tpu.region"() ({
        %run_scoped3A = tpu.sem_alloc : memref<!tpu.dma_semaphore, #tpu.memory_space<semaphore_mem>>
        %dma_start3A_91 = arith.constant 0 : i32
        %dma_start3A_92 = tpu.memref_slice %arg7[%mul3A_0, %dma_start3A_91] : memref<10240x64xf32, #tpu.memory_space<hbm>> -> memref<640x64xf32, #tpu.memory_space<hbm>>
        %dma_start3A_93 = arith.constant 0 : i32
        %dma_start3A_94 = tpu.memref_slice %arg15[%mul3A_0, %dma_start3A_93] : memref<10240x64xf32, #tpu.memory_space<vmem_shared>> -> memref<640x64xf32, #tpu.memory_space<vmem_shared>>
        tpu.enqueue_dma source(%dma_start3A_94 : memref<640x64xf32, #tpu.memory_space<vmem_shared>>) target(%dma_start3A_92 : memref<640x64xf32, #tpu.memory_space<hbm>>) target_semaphore(%run_scoped3A : memref<!tpu.dma_semaphore, #tpu.memory_space<semaphore_mem>>)
        %dma_wait3A_95 = arith.constant 0 : i32
        %dma_wait3A_96 = tpu.memref_slice %arg7[%mul3A_0, %dma_wait3A_95] : memref<10240x64xf32, #tpu.memory_space<hbm>> -> memref<640x64xf32, #tpu.memory_space<hbm>>
        %dma_wait3A_97 = arith.constant 0 : i32
        %dma_wait3A_98 = tpu.memref_slice %arg15[%mul3A_0, %dma_wait3A_97] : memref<10240x64xf32, #tpu.memory_space<vmem_shared>> -> memref<640x64xf32, #tpu.memory_space<vmem_shared>>
        tpu.wait_dma2 semaphore(%run_scoped3A : memref<!tpu.dma_semaphore, #tpu.memory_space<semaphore_mem>>) src(%dma_wait3A_98 : memref<640x64xf32, #tpu.memory_space<vmem_shared>>) dst(%dma_wait3A_96 : memref<640x64xf32, #tpu.memory_space<hbm>>)
        tpu.yield
      }) : () -> ()
    } else {
    }
    %eq3A_86 = arith.constant 1 : i32
    %eq3A_87 = arith.cmpi eq, %arg0, %eq3A_86 : i32
    %convert_element_type3A_88 = arith.extui %eq3A_87 : i1 to i32
    %cond3A_89 = arith.constant 0 : i32
    %cond3A_90 = arith.cmpi ne, %convert_element_type3A_88, %cond3A_89 : i32
    scf.if %cond3A_90 {
      "tpu.region"() ({
        %run_scoped3A = tpu.sem_alloc : memref<!tpu.dma_semaphore, #tpu.memory_space<semaphore_mem>>
        %dma_start3A_91 = arith.constant 0 : i32
        %dma_start3A_92 = tpu.memref_slice %arg8[%mul3A_0, %dma_start3A_91] : memref<10240x64xf32, #tpu.memory_space<hbm>> -> memref<640x64xf32, #tpu.memory_space<hbm>>
        %dma_start3A_93 = arith.constant 0 : i32
        %dma_start3A_94 = tpu.memref_slice %arg15[%mul3A_0, %dma_start3A_93] : memref<10240x64xf32, #tpu.memory_space<vmem_shared>> -> memref<640x64xf32, #tpu.memory_space<vmem_shared>>
        tpu.enqueue_dma source(%dma_start3A_94 : memref<640x64xf32, #tpu.memory_space<vmem_shared>>) target(%dma_start3A_92 : memref<640x64xf32, #tpu.memory_space<hbm>>) target_semaphore(%run_scoped3A : memref<!tpu.dma_semaphore, #tpu.memory_space<semaphore_mem>>)
        %dma_wait3A_95 = arith.constant 0 : i32
        %dma_wait3A_96 = tpu.memref_slice %arg8[%mul3A_0, %dma_wait3A_95] : memref<10240x64xf32, #tpu.memory_space<hbm>> -> memref<640x64xf32, #tpu.memory_space<hbm>>
        %dma_wait3A_97 = arith.constant 0 : i32
        %dma_wait3A_98 = tpu.memref_slice %arg15[%mul3A_0, %dma_wait3A_97] : memref<10240x64xf32, #tpu.memory_space<vmem_shared>> -> memref<640x64xf32, #tpu.memory_space<vmem_shared>>
        tpu.wait_dma2 semaphore(%run_scoped3A : memref<!tpu.dma_semaphore, #tpu.memory_space<semaphore_mem>>) src(%dma_wait3A_98 : memref<640x64xf32, #tpu.memory_space<vmem_shared>>) dst(%dma_wait3A_96 : memref<640x64xf32, #tpu.memory_space<hbm>>)
        tpu.yield
      }) : () -> ()
    } else {
    }
    return
  }
}

module attributes {stable_mosaic.version = 14 : i64} {
  func.func @_k0_body(%arg0: i32, %arg1: memref<2560x128xf32, #tpu.memory_space<vmem>>, %arg2: memref<128x128xf32, #tpu.memory_space<vmem>>, %arg3: memref<2560x128xf32, #tpu.memory_space<vmem>>) attributes {dimension_semantics = [#tpu.dimension_semantics<arbitrary>], iteration_bounds = array<i64: 4>, scalar_prefetch = 0 : i64, scratch_operands = 0 : i64, tpu.core_type = #tpu.core_type<tc>, window_params = [{transform_indices = @transform_0, window_bounds = array<i64: 2560, 128>}, {pipeline_mode = #tpu.pipeline_mode<synchronous>, transform_indices = @transform_1, window_bounds = array<i64: 128, 128>}, {transform_indices = @transform_2, window_bounds = array<i64: 2560, 128>}]} {
    %get3A = arith.constant 0 : index
    %get3A_0 = arith.constant 0 : index
    %get3A_1 = vector.load %arg1[%get3A, %get3A_0] : memref<2560x128xf32, #tpu.memory_space<vmem>>, vector<2560x128xf32>
    %get3A_2 = arith.constant 0 : index
    %get3A_3 = arith.constant 0 : index
    %get3A_4 = vector.load %arg2[%get3A_2, %get3A_3] : memref<128x128xf32, #tpu.memory_space<vmem>>, vector<128x128xf32>
    %dot_general3A = arith.constant dense<0.000000e+00> : vector<2560x128xf32>
    %dot_general3A_5 = tpu.matmul %get3A_1, %get3A_4, %dot_general3A {dimension_numbers = #tpu.dot_dimension_numbers<[1], [0], [0], [1], [0, 0, 1, 1], [], []>, transpose_lhs_hint = false} : vector<2560x128xf32>, vector<128x128xf32>, vector<2560x128xf32> -> vector<2560x128xf32>
    %swap3A = arith.constant 0 : index
    %swap3A_6 = arith.constant 0 : index
    %swap3A_7 = vector.load %arg3[%swap3A, %swap3A_6] : memref<2560x128xf32, #tpu.memory_space<vmem>>, vector<2560x128xf32>
    tpu.vector_store %arg3[%swap3A, %swap3A_6], %dot_general3A_5 {strides = array<i32>} : memref<2560x128xf32, #tpu.memory_space<vmem>>, vector<2560x128xf32>,
    return
  }
  func.func @transform_0(%arg0: i32) -> (i32, i32) {
    %c0_i32 = arith.constant 0 : i32
    %c0_i32_0 = arith.constant 0 : i32
    return %arg0, %c0_i32 : i32, i32
  }
  func.func @transform_1(%arg0: i32) -> (i32, i32) {
    %c0_i32 = arith.constant 0 : i32
    %c0_i32_0 = arith.constant 0 : i32
    %c0_i32_1 = arith.constant 0 : i32
    return %c0_i32, %c0_i32_0 : i32, i32
  }
  func.func @transform_2(%arg0: i32) -> (i32, i32) {
    %c0_i32 = arith.constant 0 : i32
    %c0_i32_0 = arith.constant 0 : i32
    return %arg0, %c0_i32 : i32, i32
  }
}

module attributes {stable_mosaic.version = 14 : i64} {
  func.func @_k2_body(%arg0: i32, %arg1: memref<2x2560x16xf32, #tpu.memory_space<vmem>>, %arg2: memref<2x2560x16xf32, #tpu.memory_space<vmem>>, %arg3: memref<2560x128xf32, #tpu.memory_space<vmem>>, %arg4: memref<2560x1xf32, #tpu.memory_space<vmem>>, %arg5: memref<2560x1xf32, #tpu.memory_space<vmem>>, %arg6: memref<2560x64xf32, #tpu.memory_space<vmem>>, %arg7: memref<2560x64xf32, #tpu.memory_space<vmem>>) attributes {dimension_semantics = [#tpu.dimension_semantics<arbitrary>], iteration_bounds = array<i64: 4>, scalar_prefetch = 0 : i64, scratch_operands = 0 : i64, tpu.core_type = #tpu.core_type<tc>, window_params = [{transform_indices = @transform_0, window_bounds = array<i64: 2, 2560, 16>}, {transform_indices = @transform_1, window_bounds = array<i64: 2, 2560, 16>}, {transform_indices = @transform_2, window_bounds = array<i64: 2560, 128>}, {transform_indices = @transform_3, window_bounds = array<i64: 2560, 1>}, {transform_indices = @transform_4, window_bounds = array<i64: 2560, 1>}, {transform_indices = @transform_5, window_bounds = array<i64: 2560, 64>}, {transform_indices = @transform_6, window_bounds = array<i64: 2560, 64>}]} {
    %get3A = arith.constant 0 : index
    %get3A_0 = arith.constant 0 : index
    %get3A_1 = arith.constant 0 : index
    %get3A_2 = vector.load %arg1[%get3A, %get3A_0, %get3A_1] : memref<2x2560x16xf32, #tpu.memory_space<vmem>>, vector<1x2560x16xf32>
    %get3A_3 = vector.shape_cast %get3A_2 : vector<1x2560x16xf32> to vector<2560x16xf32>
    %get3A_4 = arith.constant 1 : index
    %get3A_5 = arith.constant 0 : index
    %get3A_6 = arith.constant 0 : index
    %get3A_7 = vector.load %arg1[%get3A_4, %get3A_5, %get3A_6] : memref<2x2560x16xf32, #tpu.memory_space<vmem>>, vector<1x2560x16xf32>
    %get3A_8 = vector.shape_cast %get3A_7 : vector<1x2560x16xf32> to vector<2560x16xf32>
    %add3A = arith.addf %get3A_3, %get3A_8 : vector<2560x16xf32>
    %reduce_max3A = arith.constant dense<0xFF800000> : vector<2560xf32>
    %reduce_max3A_9 = vector.multi_reduction <maximumf>, %add3A, %reduce_max3A [1] : vector<2560x16xf32> to vector<2560xf32>
    %broadcast_in_dim3A = vector.shape_cast %reduce_max3A_9 : vector<2560xf32> to vector<2560x1xf32>
    %get3A_10 = arith.constant 0 : index
    %get3A_11 = arith.constant 0 : index
    %get3A_12 = arith.constant 0 : index
    %get3A_13 = vector.load %arg2[%get3A_10, %get3A_11, %get3A_12] : memref<2x2560x16xf32, #tpu.memory_space<vmem>>, vector<1x2560x16xf32>
    %get3A_14 = vector.shape_cast %get3A_13 : vector<1x2560x16xf32> to vector<2560x16xf32>
    %get3A_15 = arith.constant 1 : index
    %get3A_16 = arith.constant 0 : index
    %get3A_17 = arith.constant 0 : index
    %get3A_18 = vector.load %arg2[%get3A_15, %get3A_16, %get3A_17] : memref<2x2560x16xf32, #tpu.memory_space<vmem>>, vector<1x2560x16xf32>
    %get3A_19 = vector.shape_cast %get3A_18 : vector<1x2560x16xf32> to vector<2560x16xf32>
    %add3A_20 = arith.addf %get3A_14, %get3A_19 : vector<2560x16xf32>
    %reduce_max3A_21 = arith.constant dense<0xFF800000> : vector<2560xf32>
    %reduce_max3A_22 = vector.multi_reduction <maximumf>, %add3A_20, %reduce_max3A_21 [1] : vector<2560x16xf32> to vector<2560xf32>
    %broadcast_in_dim3A_23 = vector.shape_cast %reduce_max3A_22 : vector<2560xf32> to vector<2560x1xf32>
    %gt3A = arith.constant 0.000000e+00 : f32
    %gt3A_24 = vector.broadcast %gt3A : f32 to vector<2560x1xf32>
    %gt3A_25 = arith.cmpf ogt, %broadcast_in_dim3A, %gt3A_24 : vector<2560x1xf32>
    %jit3A = arith.constant 1.000000e+00 : f32
    %broadcast_in_dim3A_26 = vector.broadcast %jit3A : f32 to vector<2560x1xf32>
    %select_n3A = arith.select %gt3A_25, %broadcast_in_dim3A, %broadcast_in_dim3A_26 : vector<2560x1xi1>, vector<2560x1xf32>
    %rsqrt3A = math.rsqrt %select_n3A : vector<2560x1xf32>
    %gt3A_27 = arith.constant 0.000000e+00 : f32
    %gt3A_28 = vector.broadcast %gt3A_27 : f32 to vector<2560x1xf32>
    %gt3A_29 = arith.cmpf ogt, %broadcast_in_dim3A_23, %gt3A_28 : vector<2560x1xf32>
    %jit3A_30 = arith.constant 1.000000e+00 : f32
    %broadcast_in_dim3A_31 = vector.broadcast %jit3A_30 : f32 to vector<2560x1xf32>
    %select_n3A_32 = arith.select %gt3A_29, %broadcast_in_dim3A_23, %broadcast_in_dim3A_31 : vector<2560x1xi1>, vector<2560x1xf32>
    %rsqrt3A_33 = math.rsqrt %select_n3A_32 : vector<2560x1xf32>
    %swap3A = arith.constant 0 : index
    %swap3A_34 = arith.constant 0 : index
    %swap3A_35 = vector.load %arg4[%swap3A, %swap3A_34] : memref<2560x1xf32, #tpu.memory_space<vmem>>, vector<2560x1xf32>
    tpu.vector_store %arg4[%swap3A, %swap3A_34], %rsqrt3A {strides = array<i32>} : memref<2560x1xf32, #tpu.memory_space<vmem>>, vector<2560x1xf32>,
    %swap3A_36 = arith.constant 0 : index
    %swap3A_37 = arith.constant 0 : index
    %swap3A_38 = vector.load %arg5[%swap3A_36, %swap3A_37] : memref<2560x1xf32, #tpu.memory_space<vmem>>, vector<2560x1xf32>
    tpu.vector_store %arg5[%swap3A_36, %swap3A_37], %rsqrt3A_33 {strides = array<i32>} : memref<2560x1xf32, #tpu.memory_space<vmem>>, vector<2560x1xf32>,
    %get3A_39 = arith.constant 0 : index
    %get3A_40 = arith.constant 0 : index
    %get3A_41 = vector.load %arg3[%get3A_39, %get3A_40] : memref<2560x128xf32, #tpu.memory_space<vmem>>, vector<2560x128xf32>
    %slice3A = vector.extract_strided_slice %get3A_41 {offsets = [0, 0], sizes = [2560, 64], strides = [1, 1]} : vector<2560x128xf32> to vector<2560x64xf32>
    %mul3A = vector.broadcast %rsqrt3A : vector<2560x1xf32> to vector<2560x64xf32>
    %mul3A_42 = arith.mulf %slice3A, %mul3A : vector<2560x64xf32>
    %swap3A_43 = arith.constant 0 : index
    %swap3A_44 = arith.constant 0 : index
    %swap3A_45 = vector.load %arg6[%swap3A_43, %swap3A_44] : memref<2560x64xf32, #tpu.memory_space<vmem>>, vector<2560x64xf32>
    tpu.vector_store %arg6[%swap3A_43, %swap3A_44], %mul3A_42 {strides = array<i32>} : memref<2560x64xf32, #tpu.memory_space<vmem>>, vector<2560x64xf32>,
    %slice3A_46 = vector.extract_strided_slice %get3A_41 {offsets = [0, 64], sizes = [2560, 64], strides = [1, 1]} : vector<2560x128xf32> to vector<2560x64xf32>
    %mul3A_47 = vector.broadcast %rsqrt3A : vector<2560x1xf32> to vector<2560x64xf32>
    %mul3A_48 = arith.mulf %slice3A_46, %mul3A_47 : vector<2560x64xf32>
    %swap3A_49 = arith.constant 0 : index
    %swap3A_50 = arith.constant 0 : index
    %swap3A_51 = vector.load %arg7[%swap3A_49, %swap3A_50] : memref<2560x64xf32, #tpu.memory_space<vmem>>, vector<2560x64xf32>
    tpu.vector_store %arg7[%swap3A_49, %swap3A_50], %mul3A_48 {strides = array<i32>} : memref<2560x64xf32, #tpu.memory_space<vmem>>, vector<2560x64xf32>,
    return
  }
  func.func @transform_0(%arg0: i32) -> (i32, i32, i32) {
    %c0_i32 = arith.constant 0 : i32
    %c0_i32_0 = arith.constant 0 : i32
    %c0_i32_1 = arith.constant 0 : i32
    return %c0_i32, %arg0, %c0_i32_0 : i32, i32, i32
  }
  func.func @transform_1(%arg0: i32) -> (i32, i32, i32) {
    %c0_i32 = arith.constant 0 : i32
    %c0_i32_0 = arith.constant 0 : i32
    %c0_i32_1 = arith.constant 0 : i32
    return %c0_i32, %arg0, %c0_i32_0 : i32, i32, i32
  }
  func.func @transform_2(%arg0: i32) -> (i32, i32) {
    %c0_i32 = arith.constant 0 : i32
    %c0_i32_0 = arith.constant 0 : i32
    return %arg0, %c0_i32 : i32, i32
  }
  func.func @transform_3(%arg0: i32) -> (i32, i32) {
    %c0_i32 = arith.constant 0 : i32
    %c0_i32_0 = arith.constant 0 : i32
    return %arg0, %c0_i32 : i32, i32
  }
  func.func @transform_4(%arg0: i32) -> (i32, i32) {
    %c0_i32 = arith.constant 0 : i32
    %c0_i32_0 = arith.constant 0 : i32
    return %arg0, %c0_i32 : i32, i32
  }
  func.func @transform_5(%arg0: i32) -> (i32, i32) {
    %c0_i32 = arith.constant 0 : i32
    %c0_i32_0 = arith.constant 0 : i32
    return %arg0, %c0_i32 : i32, i32
  }
  func.func @transform_6(%arg0: i32) -> (i32, i32) {
    %c0_i32 = arith.constant 0 : i32
    %c0_i32_0 = arith.constant 0 : i32
    return %arg0, %c0_i32 : i32, i32
  }
}

module attributes {stable_mosaic.version = 14 : i64} {
  func.func @_k4_body(%arg0: i32, %arg1: memref<2560x64xf32, #tpu.memory_space<vmem>>, %arg2: memref<2560x64xf32, #tpu.memory_space<vmem>>, %arg3: memref<2560x1xf32, #tpu.memory_space<vmem>>, %arg4: memref<2560x1xf32, #tpu.memory_space<vmem>>, %arg5: memref<128xf32, #tpu.memory_space<vmem>>, %arg6: memref<128x48xf32, #tpu.memory_space<vmem>>, %arg7: memref<2560x48xf32, #tpu.memory_space<vmem>>) attributes {dimension_semantics = [#tpu.dimension_semantics<arbitrary>], iteration_bounds = array<i64: 4>, scalar_prefetch = 0 : i64, scratch_operands = 0 : i64, tpu.core_type = #tpu.core_type<tc>, window_params = [{transform_indices = @transform_0, window_bounds = array<i64: 2560, 64>}, {transform_indices = @transform_1, window_bounds = array<i64: 2560, 64>}, {transform_indices = @transform_2, window_bounds = array<i64: 2560, 1>}, {transform_indices = @transform_3, window_bounds = array<i64: 2560, 1>}, {pipeline_mode = #tpu.pipeline_mode<synchronous>, transform_indices = @transform_4, window_bounds = array<i64: 128>}, {pipeline_mode = #tpu.pipeline_mode<synchronous>, transform_indices = @transform_5, window_bounds = array<i64: 128, 48>}, {transform_indices = @transform_6, window_bounds = array<i64: 2560, 48>}]} {
    %get3A = arith.constant 0 : index
    %get3A_0 = arith.constant 0 : index
    %get3A_1 = vector.load %arg3[%get3A, %get3A_0] : memref<2560x1xf32, #tpu.memory_space<vmem>>, vector<2560x1xf32>
    %get3A_2 = arith.constant 0 : index
    %get3A_3 = arith.constant 0 : index
    %get3A_4 = vector.load %arg4[%get3A_2, %get3A_3] : memref<2560x1xf32, #tpu.memory_space<vmem>>, vector<2560x1xf32>
    %get3A_5 = arith.constant 0 : index
    %get3A_6 = vector.load %arg5[%get3A_5] : memref<128xf32, #tpu.memory_space<vmem>>, vector<128xf32>
    %get3A_7 = arith.constant 0 : index
    %get3A_8 = arith.constant 0 : index
    %get3A_9 = vector.load %arg1[%get3A_7, %get3A_8] : memref<2560x64xf32, #tpu.memory_space<vmem>>, vector<2560x64xf32>
    %mul3A = vector.broadcast %get3A_1 : vector<2560x1xf32> to vector<2560x64xf32>
    %mul3A_10 = arith.mulf %get3A_9, %mul3A : vector<2560x64xf32>
    %slice3A = vector.extract_strided_slice %get3A_6 {offsets = [0], sizes = [64], strides = [1]} : vector<128xf32> to vector<64xf32>
    %broadcast_in_dim3A = vector.shape_cast %slice3A : vector<64xf32> to vector<1x64xf32>
    %add3A = vector.broadcast %broadcast_in_dim3A : vector<1x64xf32> to vector<2560x64xf32>
    %add3A_11 = arith.addf %mul3A_10, %add3A : vector<2560x64xf32>
    %max3A = arith.constant 0.000000e+00 : f32
    %max3A_12 = vector.broadcast %max3A : f32 to vector<2560x64xf32>
    %max3A_13 = arith.maximumf %add3A_11, %max3A_12 : vector<2560x64xf32>
    %mul3A_14 = vector.broadcast %get3A_4 : vector<2560x1xf32> to vector<2560x64xf32>
    %mul3A_15 = arith.mulf %max3A_13, %mul3A_14 : vector<2560x64xf32>
    %get3A_16 = arith.constant 0 : index
    %get3A_17 = arith.constant 0 : index
    %get3A_18 = vector.load %arg2[%get3A_16, %get3A_17] : memref<2560x64xf32, #tpu.memory_space<vmem>>, vector<2560x64xf32>
    %mul3A_19 = vector.broadcast %get3A_1 : vector<2560x1xf32> to vector<2560x64xf32>
    %mul3A_20 = arith.mulf %get3A_18, %mul3A_19 : vector<2560x64xf32>
    %slice3A_21 = vector.extract_strided_slice %get3A_6 {offsets = [64], sizes = [64], strides = [1]} : vector<128xf32> to vector<64xf32>
    %broadcast_in_dim3A_22 = vector.shape_cast %slice3A_21 : vector<64xf32> to vector<1x64xf32>
    %add3A_23 = vector.broadcast %broadcast_in_dim3A_22 : vector<1x64xf32> to vector<2560x64xf32>
    %add3A_24 = arith.addf %mul3A_20, %add3A_23 : vector<2560x64xf32>
    %max3A_25 = arith.constant 0.000000e+00 : f32
    %max3A_26 = vector.broadcast %max3A_25 : f32 to vector<2560x64xf32>
    %max3A_27 = arith.maximumf %add3A_24, %max3A_26 : vector<2560x64xf32>
    %mul3A_28 = vector.broadcast %get3A_4 : vector<2560x1xf32> to vector<2560x64xf32>
    %mul3A_29 = arith.mulf %max3A_27, %mul3A_28 : vector<2560x64xf32>
    %get3A_30 = arith.constant 0 : index
    %get3A_31 = arith.constant 0 : index
    %get3A_32 = vector.load %arg6[%get3A_30, %get3A_31] : memref<128x48xf32, #tpu.memory_space<vmem>>, vector<64x48xf32>
    %dot_general3A = arith.constant dense<0.000000e+00> : vector<2560x48xf32>
    %dot_general3A_33 = tpu.matmul %mul3A_15, %get3A_32, %dot_general3A {dimension_numbers = #tpu.dot_dimension_numbers<[1], [0], [0], [1], [0, 0, 1, 1], [], []>, transpose_lhs_hint = false} : vector<2560x64xf32>, vector<64x48xf32>, vector<2560x48xf32> -> vector<2560x48xf32>
    %get3A_34 = arith.constant 64 : index
    %get3A_35 = arith.constant 0 : index
    %get3A_36 = vector.load %arg6[%get3A_34, %get3A_35] : memref<128x48xf32, #tpu.memory_space<vmem>>, vector<64x48xf32>
    %dot_general3A_37 = arith.constant dense<0.000000e+00> : vector<2560x48xf32>
    %dot_general3A_38 = tpu.matmul %mul3A_29, %get3A_36, %dot_general3A_37 {dimension_numbers = #tpu.dot_dimension_numbers<[1], [0], [0], [1], [0, 0, 1, 1], [], []>, transpose_lhs_hint = false} : vector<2560x64xf32>, vector<64x48xf32>, vector<2560x48xf32> -> vector<2560x48xf32>
    %add3A_39 = arith.addf %dot_general3A_33, %dot_general3A_38 : vector<2560x48xf32>
    %swap3A = arith.constant 0 : index
    %swap3A_40 = arith.constant 0 : index
    %swap3A_41 = vector.load %arg7[%swap3A, %swap3A_40] : memref<2560x48xf32, #tpu.memory_space<vmem>>, vector<2560x48xf32>
    tpu.vector_store %arg7[%swap3A, %swap3A_40], %add3A_39 {strides = array<i32>} : memref<2560x48xf32, #tpu.memory_space<vmem>>, vector<2560x48xf32>,
    return
  }
  func.func @transform_0(%arg0: i32) -> (i32, i32) {
    %c0_i32 = arith.constant 0 : i32
    %c0_i32_0 = arith.constant 0 : i32
    return %arg0, %c0_i32 : i32, i32
  }
  func.func @transform_1(%arg0: i32) -> (i32, i32) {
    %c0_i32 = arith.constant 0 : i32
    %c0_i32_0 = arith.constant 0 : i32
    return %arg0, %c0_i32 : i32, i32
  }
  func.func @transform_2(%arg0: i32) -> (i32, i32) {
    %c0_i32 = arith.constant 0 : i32
    %c0_i32_0 = arith.constant 0 : i32
    return %arg0, %c0_i32 : i32, i32
  }
  func.func @transform_3(%arg0: i32) -> (i32, i32) {
    %c0_i32 = arith.constant 0 : i32
    %c0_i32_0 = arith.constant 0 : i32
    return %arg0, %c0_i32 : i32, i32
  }
  func.func @transform_4(%arg0: i32) -> i32 {
    %c0_i32 = arith.constant 0 : i32
    %c0_i32_0 = arith.constant 0 : i32
    return %c0_i32 : i32
  }
  func.func @transform_5(%arg0: i32) -> (i32, i32) {
    %c0_i32 = arith.constant 0 : i32
    %c0_i32_0 = arith.constant 0 : i32
    %c0_i32_1 = arith.constant 0 : i32
    return %c0_i32, %c0_i32_0 : i32, i32
  }
  func.func @transform_6(%arg0: i32) -> (i32, i32) {
    %c0_i32 = arith.constant 0 : i32
    %c0_i32_0 = arith.constant 0 : i32
    return %arg0, %c0_i32 : i32, i32
  }
}

module attributes {stable_mosaic.version = 14 : i64} {
  func.func @_k6_body(%arg0: i32, %arg1: memref<2x2000x48xf32, #tpu.memory_space<vmem>>, %arg2: memref<2000x1xf32, #tpu.memory_space<vmem>>, %arg3: memref<48xf32, #tpu.memory_space<vmem>>, %arg4: memref<2000x40xf32, #tpu.memory_space<vmem>>) attributes {dimension_semantics = [#tpu.dimension_semantics<arbitrary>], iteration_bounds = array<i64: 5>, scalar_prefetch = 0 : i64, scratch_operands = 0 : i64, tpu.core_type = #tpu.core_type<tc>, window_params = [{transform_indices = @transform_0, window_bounds = array<i64: 2, 2000, 48>}, {transform_indices = @transform_1, window_bounds = array<i64: 2000, 1>}, {pipeline_mode = #tpu.pipeline_mode<synchronous>, transform_indices = @transform_2, window_bounds = array<i64: 48>}, {transform_indices = @transform_3, window_bounds = array<i64: 2000, 40>}]} {
    %get3A = arith.constant 0 : index
    %get3A_0 = arith.constant 0 : index
    %get3A_1 = arith.constant 0 : index
    %get3A_2 = vector.load %arg1[%get3A, %get3A_0, %get3A_1] : memref<2x2000x48xf32, #tpu.memory_space<vmem>>, vector<1x2000x48xf32>
    %get3A_3 = vector.shape_cast %get3A_2 : vector<1x2000x48xf32> to vector<2000x48xf32>
    %get3A_4 = arith.constant 1 : index
    %get3A_5 = arith.constant 0 : index
    %get3A_6 = arith.constant 0 : index
    %get3A_7 = vector.load %arg1[%get3A_4, %get3A_5, %get3A_6] : memref<2x2000x48xf32, #tpu.memory_space<vmem>>, vector<1x2000x48xf32>
    %get3A_8 = vector.shape_cast %get3A_7 : vector<1x2000x48xf32> to vector<2000x48xf32>
    %add3A = arith.addf %get3A_3, %get3A_8 : vector<2000x48xf32>
    %get3A_9 = arith.constant 0 : index
    %get3A_10 = arith.constant 0 : index
    %get3A_11 = vector.load %arg2[%get3A_9, %get3A_10] : memref<2000x1xf32, #tpu.memory_space<vmem>>, vector<2000x1xf32>
    %mul3A = vector.broadcast %get3A_11 : vector<2000x1xf32> to vector<2000x48xf32>
    %mul3A_12 = arith.mulf %add3A, %mul3A : vector<2000x48xf32>
    %get3A_13 = arith.constant 0 : index
    %get3A_14 = vector.load %arg3[%get3A_13] : memref<48xf32, #tpu.memory_space<vmem>>, vector<48xf32>
    %broadcast_in_dim3A = vector.shape_cast %get3A_14 : vector<48xf32> to vector<1x48xf32>
    %add3A_15 = vector.broadcast %broadcast_in_dim3A : vector<1x48xf32> to vector<2000x48xf32>
    %add3A_16 = arith.addf %mul3A_12, %add3A_15 : vector<2000x48xf32>
    %iota3A = tpu.iota {dimensions = array<i32: 1>} : vector<2000x48xi32>
    %lt3A = arith.constant 40 : i32
    %lt3A_17 = vector.broadcast %lt3A : i32 to vector<2000x48xi32>
    %lt3A_18 = arith.cmpi slt, %iota3A, %lt3A_17 : vector<2000x48xi32>
    %jit3A = arith.constant -1.000000e+30 : f32
    %broadcast_in_dim3A_19 = vector.broadcast %jit3A : f32 to vector<2000x48xf32>
    %select_n3A = arith.select %lt3A_18, %add3A_16, %broadcast_in_dim3A_19 : vector<2000x48xi1>, vector<2000x48xf32>
    %reduce_max3A = arith.constant dense<0xFF800000> : vector<2000xf32>
    %reduce_max3A_20 = vector.multi_reduction <maximumf>, %select_n3A, %reduce_max3A [1] : vector<2000x48xf32> to vector<2000xf32>
    %broadcast_in_dim3A_21 = vector.shape_cast %reduce_max3A_20 : vector<2000xf32> to vector<2000x1xf32>
    %sub3A = vector.broadcast %broadcast_in_dim3A_21 : vector<2000x1xf32> to vector<2000x48xf32>
    %sub3A_22 = arith.subf %select_n3A, %sub3A : vector<2000x48xf32>
    %exp3A = math.exp %sub3A_22 : vector<2000x48xf32>
    %reduce_sum3A = arith.constant dense<0.000000e+00> : vector<2000xf32>
    %reduce_sum3A_23 = vector.multi_reduction <add>, %exp3A, %reduce_sum3A [1] : vector<2000x48xf32> to vector<2000xf32>
    %broadcast_in_dim3A_24 = vector.shape_cast %reduce_sum3A_23 : vector<2000xf32> to vector<2000x1xf32>
    %log3A = math.log %broadcast_in_dim3A_24 : vector<2000x1xf32>
    %sub3A_25 = vector.broadcast %broadcast_in_dim3A_21 : vector<2000x1xf32> to vector<2000x48xf32>
    %sub3A_26 = arith.subf %add3A_16, %sub3A_25 : vector<2000x48xf32>
    %sub3A_27 = vector.broadcast %log3A : vector<2000x1xf32> to vector<2000x48xf32>
    %sub3A_28 = arith.subf %sub3A_26, %sub3A_27 : vector<2000x48xf32>
    %slice3A = vector.extract_strided_slice %sub3A_28 {offsets = [0, 0], sizes = [2000, 40], strides = [1, 1]} : vector<2000x48xf32> to vector<2000x40xf32>
    %swap3A = arith.constant 0 : index
    %swap3A_29 = arith.constant 0 : index
    %swap3A_30 = vector.load %arg4[%swap3A, %swap3A_29] : memref<2000x40xf32, #tpu.memory_space<vmem>>, vector<2000x40xf32>
    tpu.vector_store %arg4[%swap3A, %swap3A_29], %slice3A {strides = array<i32>} : memref<2000x40xf32, #tpu.memory_space<vmem>>, vector<2000x40xf32>,
    return
  }
  func.func @transform_0(%arg0: i32) -> (i32, i32, i32) {
    %c0_i32 = arith.constant 0 : i32
    %c0_i32_0 = arith.constant 0 : i32
    %c0_i32_1 = arith.constant 0 : i32
    return %c0_i32, %arg0, %c0_i32_0 : i32, i32, i32
  }
  func.func @transform_1(%arg0: i32) -> (i32, i32) {
    %c0_i32 = arith.constant 0 : i32
    %c0_i32_0 = arith.constant 0 : i32
    return %arg0, %c0_i32 : i32, i32
  }
  func.func @transform_2(%arg0: i32) -> i32 {
    %c0_i32 = arith.constant 0 : i32
    %c0_i32_0 = arith.constant 0 : i32
    return %c0_i32 : i32
  }
  func.func @transform_3(%arg0: i32) -> (i32, i32) {
    %c0_i32 = arith.constant 0 : i32
    %c0_i32_0 = arith.constant 0 : i32
    return %arg0, %c0_i32 : i32, i32
  }
}

</mosaic_0001>

<sc_bundles>
// kernel: kernel.12.cloned.1.call-start
scs
__scs_entry_jumppad:
0x0: {  	(pc) =	sbr.rel $0x88, $3  }
0x1: {  	(tag) =	ssettag $0x0;
	lr =	simm.s32 $0x1  }
0x2: {  	[smem:$0x3F9B] =	sst lr;
	_ =	strace $0xD0000000  }
0x3: {  	_ = 	snop  }
0x4: {  	_ = 	snop  }
0x5: {  	_ = 	snop  }
0x6: {  	_ = 	snop  }
0x7: {  	_ = 	snop  }
__scs_overlays_trampoline_lowered:
0x8: {  	[smem:$0x3FAA] =	sst s0  }
0x9: {  	[smem:$0x3FAB] =	sst s1  }
0xa: {  	[smem:$0x3FAC] =	sst s2  }
0xb: {  	[smem:$0x3FAD] =	sst s3  }
0xc: {  	[smem:$0x3FAE] =	sst s4  }
0xd: {  	[smem:$0x3FAF] =	sst s5  }
0xe: {  	[smem:$0x3FB0] =	sst s6  }
0xf: {  	[smem:$0x3FB1] =	sst s7  }
0x10: {  	[smem:$0x3FB2] =	sst s8  }
0x11: {  	[smem:$0x3FB3] =	sst s9;
	s0 =	simm.s32 @!p0 $0x0  }
0x12: {  	s1 =	sld [smem:$0x3F99];
	s0 =	simm.s32 @p0 $0x1  }
0x13: {  	[smem:$0x3FB4] =	sst s0;
	s0 =	simm.s32 @!p1 $0x0  }
0x14: {  	s2 =	sld [smem:$0x3F98];
	s0 =	simm.s32 @p1 $0x1  }
0x15: {  	[smem:$0x3FB5] =	sst s0;
	s0 =	simm.s32 @!p2 $0x0  }
0x16: {  	s3 =	sld [smem:$0x3FDB];
	s0 =	simm.s32 @p2 $0x1  }
0x17: {  	s4 =	simm.s32 $0x1BF5;
	[smem:$0x3FB7] =	sst s0  }
0x18: {  	s0 =	sld [smem:$0x3F9A];
	_ =	swait.ge [sflag:s4], $0x0  }
0x19: {  	s7 =	sld [smem:$0x3F9B]  }
0x1a: {  	s8 =	sadd.s32 $0xFFFFE003, lr  }
0x1b: {  	s9 =	sadd.s32 $0xFFFFFEF7, lr;
	s5 =	simm.s32 $0xFFFFFFFF;
	p2 =	slt.u32 s8, $0xFFFFF086  }
0x1c: {  	p1 =	slt.u32 s9, $0xF7A;
	s5 =	simm.s32 @!p2 $0x0  }
0x1d: {  	s5 =	simm.s32 @p1 $0x1;
	p0 =	seq.s32 s7, s2  }
0x1e: {  	s7 =	smul.u32 @!p0 $0xF7A, s2;
	p2 =	seq.s32 @!p0 s5, $0x0  }
0x1f: {  	s9 =	smul.u32 $0xF7A, s1;
	s8 =	simm.s32 @!p0 $0x1BF5;
	p2 =	por !p2, p0  }
0x20: {  	[sflag:s8] =	ssyncset.s32 @!p0 $0xFFFFF086;
	s6 =	sadd.s32 @!p0 s3, s7;
	s7 =	simm.s32 @!p0 $0x108  }
0x21: {  	s3 =	sadd.s32 s3, s9;
	s6 =	sadd.s32 @!p0 $0x88, s6;
	s7 =	simm.s32 @p2 $0x1082  }
0x22: {  	[simem:s7], [sflag:s8] =	dma.local @!p0 [hbm:s6], $0xF7A  }
0x23: {  	s9 =	sor.u32 $0xD0000000, s2;
	s6 =	simm.s32 $0x108;
	_ =	swait.ge @!p0 [sflag:s8], $0x0  }
0x24: {  	s3 =	sadd.s32 $0x88, s3;
	s6 =	simm.s32 @!p1 $0x1082;
	[sflag:s4] =	ssyncset.s32 $0xFFFFF086  }
0x25: {  	[simem:s6], [sflag:s4] =	dma.local [hbm:s3], $0xF7A  }
0x26: {  	[smem:$0x3F9B] =	sst s1;
	(tag) =	ssettag s2;
	_ =	strace s9  }
0x27: {  	s1 =	sld [smem:$0x3FAB]  }
0x28: {  	s2 =	sld [smem:$0x3FAC]  }
0x29: {  	s4 =	sld [smem:$0x3FAE]  }
0x2a: {  	p0 =	seq.s32 s5, $0x0;
	s5 =	sld [smem:$0x3FAF]  }
0x2b: {  	s6 =	sld [smem:$0x3FB0]  }
0x2c: {  	s7 =	sld [smem:$0x3FB1]  }
0x2d: {  	s3 =	simm.s32 $0x108;
	s8 =	sld [smem:$0x3FB2]  }
0x2e: {  	s3 =	simm.s32 @!p0 $0x1082;
	s9 =	sld [smem:$0x3FB3]  }
0x2f: {  	lr =	sadd.s32 s0, s3;
	s0 =	sld [smem:$0x3FAA]  }
0x30: {  	s3 =	sld [smem:$0x3FAD]  }
0x31: {  	[smem:$0x3FB6] =	sst s10  }
0x32: {  	s10 =	sld [smem:$0x3FB4];
	_ =	sdelay $0x3  }
0x33: {  	p0 =	seq.s32 s10, $0x1;
	s10 =	sld [smem:$0x3FB6];
	_ =	sdelay $0x3  }
0x34: {  	[smem:$0x3FB6] =	sst s10  }
0x35: {  	s10 =	sld [smem:$0x3FB5];
	_ =	sdelay $0x3  }
0x36: {  	p1 =	seq.s32 s10, $0x1;
	s10 =	sld [smem:$0x3FB6];
	_ =	sdelay $0x3  }
0x37: {  	[smem:$0x3FB6] =	sst s10  }
0x38: {  	s10 =	sld [smem:$0x3FB7]  }
0x39: {  	_ = 	snop;
	(pc) =	sbr.ind lr, $3  }
0x3a: {  	_ = 	snop  }
0x3b: {  	_ = 	snop  }
0x3c: {  	p2 =	seq.s32 s10, $0x1;
	s10 =	sld [smem:$0x3FB6]  }
0x3d: {  	_ =	shalt  }
0x3e: {  	_ =	shalt  }
0x3f: {  	_ =	shalt  }
0x40: {  	_ =	shalt  }
0x41: {  	_ =	shalt  }
0x42: {  	_ =	shalt  }
0x43: {  	_ =	shalt  }
0x44: {  	_ =	shalt  }
0x45: {  	_ =	shalt  }
0x46: {  	_ =	shalt  }
0x47: {  	_ =	shalt  }
0x48: {  	_ =	shalt  }
0x49: {  	_ =	shalt  }
0x4a: {  	_ =	shalt  }
0x4b: {  	_ =	shalt  }
0x4c: {  	_ =	shalt  }
0x4d: {  	_ =	shalt  }
0x4e: {  	_ =	shalt  }
0x4f: {  	_ =	shalt  }
0x50: {  	_ =	shalt  }
0x51: {  	_ =	shalt  }
0x52: {  	_ =	shalt  }
0x53: {  	_ =	shalt  }
0x54: {  	_ =	shalt  }
0x55: {  	_ =	shalt  }
0x56: {  	_ =	shalt  }
0x57: {  	_ =	shalt  }
0x58: {  	_ =	shalt  }
0x59: {  	_ =	shalt  }
0x5a: {  	_ =	shalt  }
0x5b: {  	_ =	shalt  }
0x5c: {  	_ =	shalt  }
0x5d: {  	_ =	shalt  }
0x5e: {  	_ =	shalt  }
0x5f: {  	_ =	shalt  }
0x60: {  	_ =	shalt  }
0x61: {  	_ =	shalt  }
0x62: {  	_ =	shalt  }
0x63: {  	_ =	shalt  }
0x64: {  	_ =	shalt  }
0x65: {  	_ =	shalt  }
0x66: {  	_ =	shalt  }
0x67: {  	_ =	shalt  }
0x68: {  	_ =	shalt  }
0x69: {  	_ =	shalt  }
0x6a: {  	_ =	shalt  }
0x6b: {  	_ =	shalt  }
0x6c: {  	_ =	shalt  }
0x6d: {  	_ =	shalt  }
0x6e: {  	_ =	shalt  }
0x6f: {  	_ =	shalt  }
0x70: {  	_ =	shalt  }
0x71: {  	_ =	shalt  }
0x72: {  	_ =	shalt  }
0x73: {  	_ =	shalt  }
0x74: {  	_ =	shalt  }
0x75: {  	_ =	shalt  }
0x76: {  	_ =	shalt  }
0x77: {  	_ =	shalt  }
0x78: {  	_ =	shalt  }
0x79: {  	_ =	shalt  }
0x7a: {  	_ =	shalt  }
0x7b: {  	_ =	shalt  }
0x7c: {  	_ =	shalt  }
0x7d: {  	_ =	shalt  }
0x7e: {  	_ =	shalt  }
0x7f: {  	_ =	shalt  }
0x80: {  	_ =	shalt  }
0x81: {  	_ =	shalt  }
0x82: {  	_ =	shalt  }
0x83: {  	_ =	shalt  }
0x84: {  	_ =	shalt  }
0x85: {  	_ =	shalt  }
0x86: {  	_ =	shalt  }
0x87: {  	_ =	shalt  }
.Lfunc_end0:
.L_simem_size_0:
called_computation.1_lowered:
.L_overlay_start_0:
0x88: {  	s2 =	sld [smem:$0x3FD9]  }
0x89: {  	s3 =	sld [smem:$0x3FFE];
	_ =	sdelay $0x1  }
0x8a: {  	s1 =	srdreg.scid  }
0x8b: {  	s0 =	sand.u32 $0x1, s1  }
0x8c: {  	s17 =	sshll.u32 s0, $0xA;
	s2 =	sadd.s32 s3, s2  }
0x8d: {  	s2 =	sadd.s32 s2, s17  }
0x8e: {  	[smem:$0x3FC2] =	sst s2  }
0x8f: {  	_ = 	snop  }
0x90: {  	s2 =	sld [smem:$0x3FD0];
	(tm) =	ssettm $0x1  }
0x91: {  	s18 =	sld [smem:$0x3FFB];
	_ =	sdelay $0x3  }
0x92: {  	_ =	strace s18  }
0x93: {  	s3 =	sld [smem:$0x3FFC];
	_ =	sdelay $0x3  }
0x94: {  	_ =	strace s3  }
0x95: {  	s3 =	sld [smem:$0x3FFD];
	_ =	sdelay $0x3  }
0x96: {  	_ =	strace s3  }
0x97: {  	_ =	strace $0x8FFFFFFF  }
0x98: {  	s19 =	sld [smem:$0x3FDB];
	_ =	sdelay $0x1  }
0x99: {  	s4 =	simm.s32 $_scs_section_size  }
0x9a: {  	s5 =	simm.s32 $_size__tile_overlayer_lowered;
	s6 =	simm.s32 $_tile_overlayer_lowered  }
0x9b: {  	s22 =	simm.s32 $0x1BFF;
	s21 =	sshll.u32 s6, $0x1;
	s3 =	sadd.s32 s4, s19  }
0x9c: {  	s7 =	simm.s32 $0x0;
	s20 =	sshll.u32 s5, $0x1;
	s5 =	sadd.s32 s21, s3  }
0x9d: {  	[timem:s7], [sflag:s22] =	dma.local [hbm:s5], s20  }
0x9e: {  	_ =	swait.ge [sflag:s22], s20  }
0x9f: {  	s4 =	ssub.s32 $0x0, s20;
	[sflag:s22] =	ssyncset.done $0x0  }
0xa0: {  	[sflag:s22] =	ssyncadd.s32 s4;
	_ =	sdelay $0x1  }
0xa1: {  	s23 =	simm.s32 $0x1B8B  }
0xa2: {  	_ =	swait.ge [sflag:s23], $0x1  }
0xa3: {  	[sflag:s23] =	ssyncset.done $0x0  }
0xa4: {  	s25 =	simm.s32 $0x1B8E;
	s24 =	sld [smem:$0x3FFE];
	[sflag:s23] =	ssyncadd.s32 $0xFFFFFFFF  }
0xa5: {  	s26 =	simm.s32 $execute0_lowered;
	[smem:$0x3FD2] =	sst s25  }
0xa6: {  	s5 =	sshll.u32 s26, $0x1;
	_ =	strace $0x80000049;
	[dreg:$0x1] =	wrdreg $0xFFFFFFFF  }
0xa7: {  	s28 =	simm.s32 $_size_execute0_lowered;
	s3 =	sadd.s32 s3, s5;
	[dreg:$0x0] =	wrdreg $0x0  }
0xa8: {  	s5 =	sshll.u32 s28, $0x1;
	[dreg:$0x2] =	wrdreg s3  }
0xa9: {  	[dreg:$0x3] =	wrdreg s5  }
0xaa: {  	[dreg:$0x4] =	wrdreg $0xC0  }
0xab: {  	_ =	task [dreg:s7], $0x5FFFF  }
0xac: {  	[dreg:$0x1] =	wrdreg $0xFFFFFFFF  }
0xad: {  	[dreg:$0x0] =	wrdreg $0x60  }
0xae: {  	[dreg:$0x2] =	wrdreg s24  }
0xaf: {  	[dreg:$0x3] =	wrdreg s2  }
0xb0: {  	[dreg:$0x4] =	wrdreg $0x7F800  }
0xb1: {  	[dreg:$0x5] =	wrdreg $0x11F800  }
0xb2: {  	[dreg:$0x6] =	wrdreg $0x9  }
0xb3: {  	_ =	task.clear_ibuf [dreg:s7], $0x7FFFF;
	_ =	strace $0x90000049  }
0xb4: {  	s29 =	simm.s32 $0x9;
	_ =	strace $0x8000004B  }
0xb5: {  	_ =	swait.ge [sflag:s29], $0x1  }
0xb6: {  	[sflag:s29] =	ssyncadd.s32 $0xFFFFFFFF  }
0xb7: {  	_ =	strace $0x9000004B  }
0xb8: {  	_ =	sfence  }
0xb9: {  	s30 =	sld [smem:$0x0];
	_ =	sdelay $0x2  }
0xba: {  	s31 =	sshll.u32 s1, $0xD;
	s1 =	sshrl.u32 s1, $0x2  }
0xbb: {  	s3 =	sand.u32 $0x4000, s31;
	s1 =	sadd.s32 s1, s30  }
0xbc: {  	s0 =	sor.u32 s3, s0;
	s1 =	sshll.u32 s1, $0x11  }
0xbd: {  	s0 =	sor.u32 s1, s0  }
0xbe: {  	s0 =	sadd.s32 $0x8F2B, s0  }
0xbf: {  	[sflag:s0] =	ssyncadd.remote.s32 $0x1  }
0xc0: {  	_ =	sfence.sel $0xFFFF  }
0xc1: {  	[dreg:$0x0] =	wrdreg $0xFFFFFFFF;
	(pc) =	sbr.abs _section_cstart, $3  }
0xc2: {  	[dreg:$0x1] =	wrdreg $0xFFFFFFFF  }
0xc3: {  	_ =	task.clear_ibuf [dreg:s7], $0x2FFFF;
	_ =	strace $0x9FFFFFFF  }
0xc4: {  	(tm) =	ssettm $0x7FFFFFFF  }
0xc5: {  	_ =	shalt  }
tec
execute0_lowered:
.L_overlay_start_1:
0x0: {  	(tag) =	ssettag $0x1  }
0x1: {  	s0 =	rddreg [dreg:$0x0]  }
0x2: {  	s2 =	rddreg [dreg:$0x2]  }
0x3: {  	s3 =	rddreg [dreg:$0x3]  }
0x4: {  	s4 =	simm.s32 $0x0;
	s1 =	srdreg.scid;
	s15 =	stileid.u32  }
0x5: {  	s17 =	simm.s32 $0x27C0;
	s18 =	simm.s32 $0x30;
	s19 =	simm.s32 $0x4F80  }
0x6: {  	s20 =	simm.s32 $0x5B80;
	s22 =	simm.s32 $0x6780;
	s29 =	simm.s32 $0x5  }
0x7: {  	s31 =	simm.s32 $0x3;
	[smem:$0x7FF] =	sst s4;
	s5 =	sadd.s32 $0xC600, s0  }
0x8: {  	s7 =	sadd.s32 $0x2600, s0;
	s1 =	sand.u32 $0x1, s1;
	s8 =	sadd.s32 $0x52600, s0  }
0x9: {  	s9 =	sadd.s32 $0x3E600, s0;
	s11 =	smul.u32 $0xA000, s15;
	s12 =	sadd.s32 $0x7A600, s0  }
0xa: {  	s0 =	sadd.s32 $0x66600, s0;
	s23 =	sshll.u32 s15, $0x6;
	s14 =	smul.u32 $0x4F80, s15  }
0xb: {  	s24 =	smul.u32 $0x9F0, s15;
	_ =	strace $0x8000004A;
	s6 =	ssub.s32 $0x2, s1  }
0xc: {  	p0 =	seq.s32 s1, $0x0;
	s10 =	sshrl.u32 s6, $0x1;
	s13 =	sadd.s32 s11, s2  }
0xd: {  	s16 =	sadd.s32 s11, s3;
	s11 =	sshrl.u32 s11, $0x3;
	s14 =	sshrl.u32 s14, $0x3  }
0xe: {  	s15 =	sadd.s32 s5, s24;
	s1 =	sadd.s32 s7, s24;
	s9 =	smov.u32 @p0 s8  }
0xf: {  	s0 =	smov.u32 @p0 s12;
	s8 =	simm.s32 $0x2850;
	s12 =	simm.s32 $0x0  }
0x10: {  	s10 =	ssub.s32 s6, s10;
	s6 =	sor.u32 $0x1C09, s23;
	[dreg:$0x5] =	wrdreg s15  }
0x11: {  	[dreg:$0x6] =	wrdreg s1;
	s25 =	sadd.s32 $0x4F8, s14;
	s28 =	sadd.s32 s9, s11  }
0x12: {  	s0 =	sadd.s32 s0, s11;
	s14 =	sshrl.u32 s13, $0x3;
	s15 =	simm.s32 $0x9  }
0x13: {  	s30 =	sshrl.u32 s16, $0x3;
	s23 =	simm.s32 $0x1;
	[dreg:$0xa] =	wrdreg s28  }
0x14: {  	s9 =	simm.s32 $0x7;
	s11 =	simm.s32 $0x8;
	[dreg:$0xb] =	wrdreg s0  }
.Ltmp0:
0x15: {  	s5 =	sadd.s32 s5, s25;
	[dreg:$0xc] =	wrdreg s30;
	(pc) =	sbr.rel .LBB2_1-.Ltmp0, $4  }
0x16: {  	s1 =	sadd.s32 s7, s25;
	s26 =	smax.u32 s10, $0x1;
	[dreg:$0x7] =	wrdreg s5  }
0x17: {  	s25 =	simm.s32 $0x7380;
	s0 =	simm.s32 $0x2820;
	[dreg:$0x8] =	wrdreg s1  }
0x18: {  	s7 =	simm.s32 $0x4;
	s10 =	simm.s32 $0x120;
	[dreg:$0x9] =	wrdreg s26  }
0x19: {  	s26 =	simm.s32 $0x2;
	s5 =	simm.s32 $0x6;
	s1 =	simm.s32 $0xF0  }
.LBB2_7:
0x1a: {  	_ =	swait.ge [sflag:s11], $0xC00  }
0x1b: {  	[sflag:s11] =	ssyncset.done $0x0  }
0x1c: {  	[sflag:s11] =	ssyncadd.s32 $0xFFFFF400  }
0x1d: {  	[bflag:$0x0] =	sbarrier.arrive $0xFFFF  }
0x1e: {  	s13 =	rddreg [dreg:$0xb]  }
0x1f: {  	[hbm:s13], [sflag:s6] =	dma.local [spmem:s14], $0x1400  }
0x20: {  	_ =	swait.ge [sflag:s15], $0x1400  }
0x21: {  	s12 =	sadd.s32 $0x1, s12;
	s30 =	rddreg [dreg:$0x9]  }
0x22: {  	p0 =	sne.s32 s12, s30  }
.Ltmp1:
0x23: {  	_ = 	snop;
	(pc) =	sbr.rel @!p0 .LBB2_8-.Ltmp1, $3  }
0x24: {  	_ =	sdelay $0x1  }
0x25: {  	[sflag:s15] =	ssyncset.done $0x0  }
0x26: {  	[sflag:s15] =	ssyncadd.s32 $0xFFFFEC00  }
.LBB2_1:
0x27: {  	s13 =	rddreg [dreg:$0x1]  }
0x28: {  	[spmem:s14], [sflag:s6] =	dma.local [hbm:s13], $0x1400  }
0x29: {  	_ =	swait.ge [sflag:s15], $0x1400  }
0x2a: {  	[sflag:s15] =	ssyncset.done $0x0;
	s28 =	rddreg [dreg:$0xa]  }
0x2b: {  	s16 =	rddreg [dreg:$0xc];
	[sflag:s15] =	ssyncadd.s32 $0xFFFFEC00  }
0x2c: {  	[spmem:s16], [sflag:s6] =	dma.local [hbm:s28], $0x1400  }
0x2d: {  	_ =	swait.ge [sflag:s15], $0x1400  }
0x2e: {  	[sflag:s15] =	ssyncset.done $0x0  }
0x2f: {  	[sflag:s15] =	ssyncadd.s32 $0xFFFFEC00  }
0x30: {  	[bflag:$0x0] =	sbarrier.arrive $0xFFFF  }
0x31: {  	s30 =	rddreg [dreg:$0x5]  }
0x32: {  	[tilespmem:s4], [sflag:$0x9] =	stream.linear.gather [hbm4b:s30+s4], $0x27C0, $0x38;
	[tilespmem:$0x1BF80] =	vst v63  }
0x33: {  	_ =	swait.ge [sflag:s15], $0x27C0  }
0x34: {  	[sflag:s15] =	ssyncset.done $0x0  }
0x35: {  	s16 =	rddreg [dreg:$0x6];
	[sflag:s15] =	ssyncadd.s32 $0xFFFFD840  }
0x36: {  	[tilespmem:s17], [sflag:$0x9] =	stream.linear.gather [hbm4b:s16+s4], $0x27C0, $0x38;
	[tilespmem:$0x1BF80] =	vst v63  }
0x37: {  	_ =	swait.ge [sflag:s15], $0x27C0  }
0x38: {  	[sflag:s15] =	ssyncset.done $0x0  }
0x39: {  	[sflag:s15] =	ssyncadd.s32 $0xFFFFD840  }
0x3a: {  	[tilespmem:s19], [sflag:$0x1] =	stream.indirect.gather [spmem:s3], $0x40, s4, s18, $0xb8;
	[tilespmem:$0x1BF80] =	vst v63  }
0x3b: {  	_ = 	snop  }
0x3c: {  	[tilespmem:s20], [sflag:$0x2] =	stream.indirect.gather [spmem:s3], $0x40, s18, s18, $0xb8;
	[tilespmem:$0x1BF80] =	vst v63  }
0x3d: {  	s21 =	simm.s32 $0x60  }
0x3e: {  	[tilespmem:s22], [sflag:$0x3] =	stream.indirect.gather [spmem:s3], $0x40, s21, s18, $0xb8;
	[tilespmem:$0x1BF80] =	vst v63  }
0x3f: {  	_ =	swait.ge [sflag:s23], $0xC00  }
0x40: {  	[sflag:s23] =	ssyncset.done $0x0  }
0x41: {  	[sflag:s23] =	ssyncadd.s32 $0xFFFFF400  }
0x42: {  	[spmem:s2] =	stream.indirect.scatter.add.f32 [tilespmem:s19], [sflag:$0x5], $0x40, s17, s18, $0xb8;
	[tilespmem:$0x1BF80] =	vst v63  }
0x43: {  	s24 =	simm.s32 $0x90  }
0x44: {  	[tilespmem:s25], [sflag:$0x4] =	stream.indirect.gather [spmem:s3], $0x40, s24, s18, $0xb8;
	[tilespmem:$0x1BF80] =	vst v63  }
0x45: {  	_ =	swait.ge [sflag:s26], $0xC00  }
0x46: {  	[sflag:s26] =	ssyncset.done $0x0  }
0x47: {  	s28 =	simm.s32 $0x27F0;
	[sflag:s26] =	ssyncadd.s32 $0xFFFFF400  }
0x48: {  	[spmem:s2] =	stream.indirect.scatter.add.f32 [tilespmem:s20], [sflag:$0x6], $0x40, s28, s18, $0xb8;
	[tilespmem:$0x1BF80] =	vst v63  }
0x49: {  	_ =	swait.ge [sflag:s29], $0xC00  }
0x4a: {  	[sflag:s29] =	ssyncset.done $0x0  }
0x4b: {  	s30 =	simm.s32 $0xC0;
	[sflag:s29] =	ssyncadd.s32 $0xFFFFF400  }
0x4c: {  	[tilespmem:s19], [sflag:$0x1] =	stream.indirect.gather [spmem:s3], $0x40, s30, s18, $0xb8;
	[tilespmem:$0x1BF80] =	vst v63  }
0x4d: {  	_ =	swait.ge [sflag:s31], $0xC00  }
0x4e: {  	[sflag:s31] =	ssyncset.done $0x0  }
0x4f: {  	[sflag:s31] =	ssyncadd.s32 $0xFFFFF400  }
0x50: {  	[spmem:s2] =	stream.indirect.scatter.add.f32 [tilespmem:s22], [sflag:$0x7], $0x40, s0, s18, $0xb8;
	[tilespmem:$0x1BF80] =	vst v63  }
0x51: {  	_ =	swait.ge [sflag:s5], $0xC00  }
0x52: {  	[sflag:s5] =	ssyncset.done $0x0  }
0x53: {  	[sflag:s5] =	ssyncadd.s32 $0xFFFFF400  }
0x54: {  	[tilespmem:s20], [sflag:$0x2] =	stream.indirect.gather [spmem:s3], $0x40, s1, s18, $0xb8;
	[tilespmem:$0x1BF80] =	vst v63  }
0x55: {  	_ =	swait.ge [sflag:s7], $0xC00  }
0x56: {  	[sflag:s7] =	ssyncset.done $0x0  }
0x57: {  	[sflag:s7] =	ssyncadd.s32 $0xFFFFF400  }
0x58: {  	[spmem:s2] =	stream.indirect.scatter.add.f32 [tilespmem:s25], [sflag:$0x8], $0x40, s8, s18, $0xb8;
	[tilespmem:$0x1BF80] =	vst v63  }
0x59: {  	_ =	swait.ge [sflag:s9], $0xC00  }
0x5a: {  	[sflag:s9] =	ssyncset.done $0x0  }
0x5b: {  	s13 =	simm.s32 $0x0;
	[sflag:s9] =	ssyncadd.s32 $0xFFFFF400  }
0x5c: {  	[tilespmem:s22], [sflag:$0x3] =	stream.indirect.gather [spmem:s3], $0x40, s10, s18, $0xb8;
	[tilespmem:$0x1BF80] =	vst v63  }
.LBB2_2:
0x5d: {  	_ =	swait.ge [sflag:s23], $0xC00  }
0x5e: {  	s16 =	sshra.s32 s13, $0x2;
	[sflag:s23] =	ssyncset.done $0x0  }
0x5f: {  	s21 =	sadd.s32 $0x2880, s16;
	[sflag:s23] =	ssyncadd.s32 $0xFFFFF400  }
0x60: {  	[spmem:s2] =	stream.indirect.scatter.add.f32 [tilespmem:s19], [sflag:$0x5], $0x40, s21, s18, $0xb8;
	[tilespmem:$0x1BF80] =	vst v63  }
0x61: {  	_ =	swait.ge [sflag:s11], $0xC00  }
0x62: {  	[sflag:s11] =	ssyncset.done $0x0  }
0x63: {  	s24 =	sadd.s32 $0x150, s16;
	[sflag:s11] =	ssyncadd.s32 $0xFFFFF400  }
0x64: {  	[tilespmem:s25], [sflag:$0x4] =	stream.indirect.gather [spmem:s3], $0x40, s24, s18, $0xb8;
	[tilespmem:$0x1BF80] =	vst v63  }
0x65: {  	_ =	swait.ge [sflag:s26], $0xC00  }
0x66: {  	[sflag:s26] =	ssyncset.done $0x0  }
0x67: {  	s28 =	sadd.s32 $0x28B0, s16;
	[sflag:s26] =	ssyncadd.s32 $0xFFFFF400  }
0x68: {  	[spmem:s2] =	stream.indirect.scatter.add.f32 [tilespmem:s20], [sflag:$0x6], $0x40, s28, s18, $0xb8;
	[tilespmem:$0x1BF80] =	vst v63  }
0x69: {  	_ =	swait.ge [sflag:s29], $0xC00  }
0x6a: {  	p0 =	seq.s32 s13, $0x9900;
	[sflag:s29] =	ssyncset.done $0x0  }
0x6b: {  	s21 =	simm.s32 @p0 $0x3;
	[sflag:s29] =	ssyncadd.s32 $0xFFFFF400  }
0x6c: {  	_ =	swait.ge @p0 [sflag:s21], $0xC00  }
0x6d: {  	[sflag:s21] =	ssyncset.done @p0 $0x0  }
0x6e: {  	[sflag:s21] =	ssyncadd.s32 @p0 $0xFFFFF400;
	s21 =	sshra.s32 @p0 s13, $0x2  }
0x6f: {  	s24 =	simm.s32 @p0 $0x30;
	s28 =	simm.s32 @p0 $0x6780;
	s21 =	sadd.s32 @p0 $0x28E0, s21  }
0x70: {  	[spmem:s2] =	stream.indirect.scatter.add.f32 @p0 [tilespmem:s28], [sflag:$0x7], $0x40, s21, s24, $0xb8;
	[tilespmem:$0x1BF80] =	vst v63  }
0x71: {  	s21 =	simm.s32 @p0 $0x6  }
0x72: {  	_ =	swait.ge @p0 [sflag:s21], $0xC00  }
0x73: {  	[sflag:s21] =	ssyncset.done @p0 $0x0  }
0x74: {  	[sflag:s21] =	ssyncadd.s32 @p0 $0xFFFFF400;
	s21 =	sshra.s32 @!p0 s13, $0x2  }
0x75: {  	s30 =	simm.s32 @!p0 $0x4F80;
	s28 =	simm.s32 @!p0 $0x30;
	s24 =	sadd.s32 @!p0 $0x180, s21  }
0x76: {  	[tilespmem:s30], [sflag:$0x1] =	stream.indirect.gather @!p0 [spmem:s3], $0x40, s24, s28, $0xb8;
	[tilespmem:$0x1BF80] =	vst v63  }
0x77: {  	s24 =	simm.s32 @!p0 $0x3  }
0x78: {  	_ =	swait.ge @!p0 [sflag:s24], $0xC00  }
0x79: {  	[sflag:s24] =	ssyncset.done @!p0 $0x0  }
0x7a: {  	s30 =	simm.s32 @!p0 $0x6780;
	[sflag:s24] =	ssyncadd.s32 @!p0 $0xFFFFF400;
	s24 =	sadd.s32 @!p0 $0x28E0, s21  }
0x7b: {  	[spmem:s2] =	stream.indirect.scatter.add.f32 @!p0 [tilespmem:s30], [sflag:$0x7], $0x40, s24, s28, $0xb8;
	[tilespmem:$0x1BF80] =	vst v63  }
0x7c: {  	s24 =	simm.s32 @!p0 $0x6  }
0x7d: {  	_ =	swait.ge @!p0 [sflag:s24], $0xC00  }
0x7e: {  	[sflag:s24] =	ssyncset.done @!p0 $0x0  }
0x7f: {  	s21 =	sadd.s32 @!p0 $0x1B0, s21;
	[sflag:s24] =	ssyncadd.s32 @!p0 $0xFFFFF400;
	s24 =	simm.s32 @!p0 $0x5B80  }
0x80: {  	[tilespmem:s24], [sflag:$0x2] =	stream.indirect.gather @!p0 [spmem:s3], $0x40, s21, s28, $0xb8;
	[tilespmem:$0x1BF80] =	vst v63  }
0x81: {  	_ =	swait.ge [sflag:s7], $0xC00  }
0x82: {  	[sflag:s7] =	ssyncset.done $0x0  }
.Ltmp2:
0x83: {  	s30 =	sadd.s32 $0x2910, s16;
	[sflag:s7] =	ssyncadd.s32 $0xFFFFF400;
	(pc) =	sbr.rel @p0 .LBB2_4-.Ltmp2, $4  }
0x84: {  	[spmem:s2] =	stream.indirect.scatter.add.f32 [tilespmem:s25], [sflag:$0x8], $0x40, s30, s18, $0xb8;
	[tilespmem:$0x1BF80] =	vst v63  }
0x85: {  	_ =	swait.ge [sflag:s9], $0xC00  }
0x86: {  	[sflag:s9] =	ssyncset.done $0x0  }
0x87: {  	[sflag:s9] =	ssyncadd.s32 $0xFFFFF400  }
.Ltmp3:
0x88: {  	(pc) =	sbr.rel .LBB2_2-.Ltmp3, $3  }
0x89: {  	_ =	sdelay $0x1  }
0x8a: {  	s16 =	sadd.s32 $0x1E0, s16;
	s13 =	sadd.s32 $0x300, s13  }
0x8b: {  	[tilespmem:s22], [sflag:$0x3] =	stream.indirect.gather [spmem:s3], $0x40, s16, s18, $0xb8;
	[tilespmem:$0x1BF80] =	vst v63  }
.LBB2_4:
0x8c: {  	_ =	swait.ge [sflag:s11], $0xC00  }
0x8d: {  	[sflag:s11] =	ssyncset.done $0x0  }
0x8e: {  	s13 =	simm.s32 $0x0;
	s16 =	rddreg [dreg:$0x7];
	[sflag:s11] =	ssyncadd.s32 $0xFFFFF400  }
0x8f: {  	[tilespmem:s13], [sflag:$0x9] =	stream.linear.gather [hbm4b:s16+s13], $0x27C0, $0x38;
	[tilespmem:$0x1BF80] =	vst v63  }
0x90: {  	_ =	swait.ge [sflag:s15], $0x27C0  }
0x91: {  	[sflag:s15] =	ssyncset.done $0x0  }
0x92: {  	s30 =	rddreg [dreg:$0x8];
	[sflag:s15] =	ssyncadd.s32 $0xFFFFD840  }
0x93: {  	[tilespmem:s17], [sflag:$0x9] =	stream.linear.gather [hbm4b:s30+s13], $0x27C0, $0x38;
	[tilespmem:$0x1BF80] =	vst v63  }
0x94: {  	_ =	swait.ge [sflag:s15], $0x27C0  }
0x95: {  	[sflag:s15] =	ssyncset.done $0x0  }
0x96: {  	[sflag:s15] =	ssyncadd.s32 $0xFFFFD840  }
0x97: {  	[tilespmem:s19], [sflag:$0x1] =	stream.indirect.gather [spmem:s3], $0x40, s13, s18, $0xb8;
	[tilespmem:$0x1BF80] =	vst v63  }
0x98: {  	_ = 	snop  }
0x99: {  	[tilespmem:s20], [sflag:$0x2] =	stream.indirect.gather [spmem:s3], $0x40, s18, s18, $0xb8;
	[tilespmem:$0x1BF80] =	vst v63  }
0x9a: {  	s21 =	simm.s32 $0x60  }
0x9b: {  	[tilespmem:s22], [sflag:$0x3] =	stream.indirect.gather [spmem:s3], $0x40, s21, s18, $0xb8;
	[tilespmem:$0x1BF80] =	vst v63  }
0x9c: {  	_ =	swait.ge [sflag:s23], $0xC00  }
0x9d: {  	[sflag:s23] =	ssyncset.done $0x0  }
0x9e: {  	[sflag:s23] =	ssyncadd.s32 $0xFFFFF400  }
0x9f: {  	[spmem:s2] =	stream.indirect.scatter.add.f32 [tilespmem:s19], [sflag:$0x5], $0x40, s17, s18, $0xb8;
	[tilespmem:$0x1BF80] =	vst v63  }
0xa0: {  	s24 =	simm.s32 $0x90  }
0xa1: {  	[tilespmem:s25], [sflag:$0x4] =	stream.indirect.gather [spmem:s3], $0x40, s24, s18, $0xb8;
	[tilespmem:$0x1BF80] =	vst v63  }
0xa2: {  	_ =	swait.ge [sflag:s26], $0xC00  }
0xa3: {  	[sflag:s26] =	ssyncset.done $0x0  }
0xa4: {  	s28 =	simm.s32 $0x27F0;
	[sflag:s26] =	ssyncadd.s32 $0xFFFFF400  }
0xa5: {  	[spmem:s2] =	stream.indirect.scatter.add.f32 [tilespmem:s20], [sflag:$0x6], $0x40, s28, s18, $0xb8;
	[tilespmem:$0x1BF80] =	vst v63  }
0xa6: {  	_ =	swait.ge [sflag:s29], $0xC00  }
0xa7: {  	[sflag:s29] =	ssyncset.done $0x0  }
0xa8: {  	s30 =	simm.s32 $0xC0;
	[sflag:s29] =	ssyncadd.s32 $0xFFFFF400  }
0xa9: {  	[tilespmem:s19], [sflag:$0x1] =	stream.indirect.gather [spmem:s3], $0x40, s30, s18, $0xb8;
	[tilespmem:$0x1BF80] =	vst v63  }
0xaa: {  	_ =	swait.ge [sflag:s31], $0xC00  }
0xab: {  	[sflag:s31] =	ssyncset.done $0x0  }
0xac: {  	[sflag:s31] =	ssyncadd.s32 $0xFFFFF400  }
0xad: {  	[spmem:s2] =	stream.indirect.scatter.add.f32 [tilespmem:s22], [sflag:$0x7], $0x40, s0, s18, $0xb8;
	[tilespmem:$0x1BF80] =	vst v63  }
0xae: {  	_ =	swait.ge [sflag:s5], $0xC00  }
0xaf: {  	[sflag:s5] =	ssyncset.done $0x0  }
0xb0: {  	[sflag:s5] =	ssyncadd.s32 $0xFFFFF400  }
0xb1: {  	[tilespmem:s20], [sflag:$0x2] =	stream.indirect.gather [spmem:s3], $0x40, s1, s18, $0xb8;
	[tilespmem:$0x1BF80] =	vst v63  }
0xb2: {  	_ =	swait.ge [sflag:s7], $0xC00  }
0xb3: {  	[sflag:s7] =	ssyncset.done $0x0  }
0xb4: {  	[sflag:s7] =	ssyncadd.s32 $0xFFFFF400  }
0xb5: {  	[spmem:s2] =	stream.indirect.scatter.add.f32 [tilespmem:s25], [sflag:$0x8], $0x40, s8, s18, $0xb8;
	[tilespmem:$0x1BF80] =	vst v63  }
0xb6: {  	_ =	swait.ge [sflag:s9], $0xC00  }
0xb7: {  	[sflag:s9] =	ssyncset.done $0x0  }
0xb8: {  	[sflag:s9] =	ssyncadd.s32 $0xFFFFF400  }
0xb9: {  	[tilespmem:s22], [sflag:$0x3] =	stream.indirect.gather [spmem:s3], $0x40, s10, s18, $0xb8;
	[tilespmem:$0x1BF80] =	vst v63  }
.LBB2_5:
0xba: {  	_ =	swait.ge [sflag:s23], $0xC00  }
0xbb: {  	s16 =	sshra.s32 s13, $0x2;
	[sflag:s23] =	ssyncset.done $0x0  }
0xbc: {  	s21 =	sadd.s32 $0x2880, s16;
	[sflag:s23] =	ssyncadd.s32 $0xFFFFF400  }
0xbd: {  	[spmem:s2] =	stream.indirect.scatter.add.f32 [tilespmem:s19], [sflag:$0x5], $0x40, s21, s18, $0xb8;
	[tilespmem:$0x1BF80] =	vst v63  }
0xbe: {  	_ =	swait.ge [sflag:s11], $0xC00  }
0xbf: {  	[sflag:s11] =	ssyncset.done $0x0  }
0xc0: {  	s24 =	sadd.s32 $0x150, s16;
	[sflag:s11] =	ssyncadd.s32 $0xFFFFF400  }
0xc1: {  	[tilespmem:s25], [sflag:$0x4] =	stream.indirect.gather [spmem:s3], $0x40, s24, s18, $0xb8;
	[tilespmem:$0x1BF80] =	vst v63  }
0xc2: {  	_ =	swait.ge [sflag:s26], $0xC00  }
0xc3: {  	[sflag:s26] =	ssyncset.done $0x0  }
0xc4: {  	s28 =	sadd.s32 $0x28B0, s16;
	[sflag:s26] =	ssyncadd.s32 $0xFFFFF400  }
0xc5: {  	[spmem:s2] =	stream.indirect.scatter.add.f32 [tilespmem:s20], [sflag:$0x6], $0x40, s28, s18, $0xb8;
	[tilespmem:$0x1BF80] =	vst v63  }
0xc6: {  	_ =	swait.ge [sflag:s29], $0xC00  }
0xc7: {  	p0 =	seq.s32 s13, $0x9900;
	[sflag:s29] =	ssyncset.done $0x0  }
0xc8: {  	s21 =	simm.s32 @p0 $0x3;
	[sflag:s29] =	ssyncadd.s32 $0xFFFFF400  }
0xc9: {  	_ =	swait.ge @p0 [sflag:s21], $0xC00  }
0xca: {  	[sflag:s21] =	ssyncset.done @p0 $0x0  }
0xcb: {  	[sflag:s21] =	ssyncadd.s32 @p0 $0xFFFFF400;
	s21 =	sshra.s32 @p0 s13, $0x2  }
0xcc: {  	s24 =	simm.s32 @p0 $0x30;
	s28 =	simm.s32 @p0 $0x6780;
	s21 =	sadd.s32 @p0 $0x28E0, s21  }
0xcd: {  	[spmem:s2] =	stream.indirect.scatter.add.f32 @p0 [tilespmem:s28], [sflag:$0x7], $0x40, s21, s24, $0xb8;
	[tilespmem:$0x1BF80] =	vst v63  }
0xce: {  	s21 =	simm.s32 @p0 $0x6  }
0xcf: {  	_ =	swait.ge @p0 [sflag:s21], $0xC00  }
0xd0: {  	[sflag:s21] =	ssyncset.done @p0 $0x0  }
0xd1: {  	[sflag:s21] =	ssyncadd.s32 @p0 $0xFFFFF400;
	s21 =	sshra.s32 @!p0 s13, $0x2  }
0xd2: {  	s30 =	simm.s32 @!p0 $0x4F80;
	s28 =	simm.s32 @!p0 $0x30;
	s24 =	sadd.s32 @!p0 $0x180, s21  }
0xd3: {  	[tilespmem:s30], [sflag:$0x1] =	stream.indirect.gather @!p0 [spmem:s3], $0x40, s24, s28, $0xb8;
	[tilespmem:$0x1BF80] =	vst v63  }
0xd4: {  	s24 =	simm.s32 @!p0 $0x3  }
0xd5: {  	_ =	swait.ge @!p0 [sflag:s24], $0xC00  }
0xd6: {  	[sflag:s24] =	ssyncset.done @!p0 $0x0  }
0xd7: {  	s30 =	simm.s32 @!p0 $0x6780;
	[sflag:s24] =	ssyncadd.s32 @!p0 $0xFFFFF400;
	s24 =	sadd.s32 @!p0 $0x28E0, s21  }
0xd8: {  	[spmem:s2] =	stream.indirect.scatter.add.f32 @!p0 [tilespmem:s30], [sflag:$0x7], $0x40, s24, s28, $0xb8;
	[tilespmem:$0x1BF80] =	vst v63  }
0xd9: {  	s24 =	simm.s32 @!p0 $0x6  }
0xda: {  	_ =	swait.ge @!p0 [sflag:s24], $0xC00  }
0xdb: {  	[sflag:s24] =	ssyncset.done @!p0 $0x0  }
0xdc: {  	s21 =	sadd.s32 @!p0 $0x1B0, s21;
	[sflag:s24] =	ssyncadd.s32 @!p0 $0xFFFFF400;
	s24 =	simm.s32 @!p0 $0x5B80  }
0xdd: {  	[tilespmem:s24], [sflag:$0x2] =	stream.indirect.gather @!p0 [spmem:s3], $0x40, s21, s28, $0xb8;
	[tilespmem:$0x1BF80] =	vst v63  }
0xde: {  	_ =	swait.ge [sflag:s7], $0xC00  }
0xdf: {  	[sflag:s7] =	ssyncset.done $0x0  }
.Ltmp4:
0xe0: {  	s30 =	sadd.s32 $0x2910, s16;
	[sflag:s7] =	ssyncadd.s32 $0xFFFFF400;
	(pc) =	sbr.rel @p0 .LBB2_7-.Ltmp4, $4  }
0xe1: {  	[spmem:s2] =	stream.indirect.scatter.add.f32 [tilespmem:s25], [sflag:$0x8], $0x40, s30, s18, $0xb8;
	[tilespmem:$0x1BF80] =	vst v63  }
0xe2: {  	_ =	swait.ge [sflag:s9], $0xC00  }
0xe3: {  	[sflag:s9] =	ssyncset.done $0x0  }
0xe4: {  	[sflag:s9] =	ssyncadd.s32 $0xFFFFF400  }
.Ltmp5:
0xe5: {  	(pc) =	sbr.rel .LBB2_5-.Ltmp5, $3  }
0xe6: {  	_ =	sdelay $0x1  }
0xe7: {  	s16 =	sadd.s32 $0x1E0, s16;
	s13 =	sadd.s32 $0x300, s13  }
0xe8: {  	[tilespmem:s22], [sflag:$0x3] =	stream.indirect.gather [spmem:s3], $0x40, s16, s18, $0xb8;
	[tilespmem:$0x1BF80] =	vst v63  }
.LBB2_8:
0xe9: {  	_ =	sfence.sel $0x180000  }
0xea: {  	[bflag:$0x0] =	sbarrier.arrive $0xFFFF  }
0xeb: {  	_ =	strace $0x9000004A  }
0xec: {  	s0 =	stileid.u32;
	[bflag:$0x2] =	sbarrier.arrive $0xFFFF  }
0xed: {  	p0 =	sne.s32 s0, $0x0;
	s0 =	rddreg [dreg:$0x4]  }
0xee: {  	s0 =	sadd.s32 @!p0 $0x100000, s0  }
0xef: {  	[sflag:s0] =	ssyncadd.tile.s32 @!p0 $0x1;
	_ =	shalt  }
.Lfunc_end2:
_tile_overlayer_lowered:
.L_overlay_start_2:
0xf0: {  	(tag) =	ssettag $0x2  }
0xf1: {  	s0 =	rddreg [dreg:$0x0];
	s2 =	stileid.u32  }
0xf2: {  	s1 =	rddreg [dreg:$0x1];
	p0 =	sne.s32 s2, $0x0  }
0xf3: {  	s3 =	rddreg [dreg:$0x2];
	[bflag:$0x3] =	sbarrier.arrive $0xFFFF;
	s2 =	simm.s32 @!p0 $0x1C09  }
0xf4: {  	[timem:s3], [sflag:s2] =	dma.local @!p0 [hbm:s0], s1  }
0xf5: {  	s0 =	simm.s32 @!p0 $0x9  }
0xf6: {  	_ =	swait.ge @!p0 [sflag:s0], s1  }
0xf7: {  	s1 =	ssub.s32 @!p0 $0x0, s1;
	[sflag:s0] =	ssyncset.done @!p0 $0x0  }
0xf8: {  	[sflag:s0] =	ssyncadd.s32 @!p0 s1  }
0xf9: {  	[bflag:$0x3] =	sbarrier.arrive $0xFFFF  }
0xfa: {  	_ =	shalt  }

// kernel: kernel.15.cloned.1.call-start
scs
__scs_entry_jumppad:
0x0: {  	(pc) =	sbr.rel $0x88, $3  }
0x1: {  	(tag) =	ssettag $0x0;
	lr =	simm.s32 $0x1  }
0x2: {  	[smem:$0x3F9B] =	sst lr;
	_ =	strace $0xD0000000  }
0x3: {  	_ = 	snop  }
0x4: {  	_ = 	snop  }
0x5: {  	_ = 	snop  }
0x6: {  	_ = 	snop  }
0x7: {  	_ = 	snop  }
__scs_overlays_trampoline_lowered:
0x8: {  	[smem:$0x3FAA] =	sst s0  }
0x9: {  	[smem:$0x3FAB] =	sst s1  }
0xa: {  	[smem:$0x3FAC] =	sst s2  }
0xb: {  	[smem:$0x3FAD] =	sst s3  }
0xc: {  	[smem:$0x3FAE] =	sst s4  }
0xd: {  	[smem:$0x3FAF] =	sst s5  }
0xe: {  	[smem:$0x3FB0] =	sst s6  }
0xf: {  	[smem:$0x3FB1] =	sst s7  }
0x10: {  	[smem:$0x3FB2] =	sst s8  }
0x11: {  	[smem:$0x3FB3] =	sst s9;
	s0 =	simm.s32 @!p0 $0x0  }
0x12: {  	s1 =	sld [smem:$0x3F99];
	s0 =	simm.s32 @p0 $0x1  }
0x13: {  	[smem:$0x3FB4] =	sst s0;
	s0 =	simm.s32 @!p1 $0x0  }
0x14: {  	s2 =	sld [smem:$0x3F98];
	s0 =	simm.s32 @p1 $0x1  }
0x15: {  	[smem:$0x3FB5] =	sst s0;
	s0 =	simm.s32 @!p2 $0x0  }
0x16: {  	s3 =	sld [smem:$0x3FDB];
	s0 =	simm.s32 @p2 $0x1  }
0x17: {  	s4 =	simm.s32 $0x1BF5;
	[smem:$0x3FB7] =	sst s0  }
0x18: {  	s0 =	sld [smem:$0x3F9A];
	_ =	swait.ge [sflag:s4], $0x0  }
0x19: {  	s7 =	sld [smem:$0x3F9B]  }
0x1a: {  	s8 =	sadd.s32 $0xFFFFE003, lr  }
0x1b: {  	s9 =	sadd.s32 $0xFFFFFEF7, lr;
	s5 =	simm.s32 $0xFFFFFFFF;
	p2 =	slt.u32 s8, $0xFFFFF086  }
0x1c: {  	p1 =	slt.u32 s9, $0xF7A;
	s5 =	simm.s32 @!p2 $0x0  }
0x1d: {  	s5 =	simm.s32 @p1 $0x1;
	p0 =	seq.s32 s7, s2  }
0x1e: {  	s7 =	smul.u32 @!p0 $0xF7A, s2;
	p2 =	seq.s32 @!p0 s5, $0x0  }
0x1f: {  	s9 =	smul.u32 $0xF7A, s1;
	s8 =	simm.s32 @!p0 $0x1BF5;
	p2 =	por !p2, p0  }
0x20: {  	[sflag:s8] =	ssyncset.s32 @!p0 $0xFFFFF086;
	s6 =	sadd.s32 @!p0 s3, s7;
	s7 =	simm.s32 @!p0 $0x108  }
0x21: {  	s3 =	sadd.s32 s3, s9;
	s6 =	sadd.s32 @!p0 $0x88, s6;
	s7 =	simm.s32 @p2 $0x1082  }
0x22: {  	[simem:s7], [sflag:s8] =	dma.local @!p0 [hbm:s6], $0xF7A  }
0x23: {  	s9 =	sor.u32 $0xD0000000, s2;
	s6 =	simm.s32 $0x108;
	_ =	swait.ge @!p0 [sflag:s8], $0x0  }
0x24: {  	s3 =	sadd.s32 $0x88, s3;
	s6 =	simm.s32 @!p1 $0x1082;
	[sflag:s4] =	ssyncset.s32 $0xFFFFF086  }
0x25: {  	[simem:s6], [sflag:s4] =	dma.local [hbm:s3], $0xF7A  }
0x26: {  	[smem:$0x3F9B] =	sst s1;
	(tag) =	ssettag s2;
	_ =	strace s9  }
0x27: {  	s1 =	sld [smem:$0x3FAB]  }
0x28: {  	s2 =	sld [smem:$0x3FAC]  }
0x29: {  	s4 =	sld [smem:$0x3FAE]  }
0x2a: {  	p0 =	seq.s32 s5, $0x0;
	s5 =	sld [smem:$0x3FAF]  }
0x2b: {  	s6 =	sld [smem:$0x3FB0]  }
0x2c: {  	s7 =	sld [smem:$0x3FB1]  }
0x2d: {  	s3 =	simm.s32 $0x108;
	s8 =	sld [smem:$0x3FB2]  }
0x2e: {  	s3 =	simm.s32 @!p0 $0x1082;
	s9 =	sld [smem:$0x3FB3]  }
0x2f: {  	lr =	sadd.s32 s0, s3;
	s0 =	sld [smem:$0x3FAA]  }
0x30: {  	s3 =	sld [smem:$0x3FAD]  }
0x31: {  	[smem:$0x3FB6] =	sst s10  }
0x32: {  	s10 =	sld [smem:$0x3FB4];
	_ =	sdelay $0x3  }
0x33: {  	p0 =	seq.s32 s10, $0x1;
	s10 =	sld [smem:$0x3FB6];
	_ =	sdelay $0x3  }
0x34: {  	[smem:$0x3FB6] =	sst s10  }
0x35: {  	s10 =	sld [smem:$0x3FB5];
	_ =	sdelay $0x3  }
0x36: {  	p1 =	seq.s32 s10, $0x1;
	s10 =	sld [smem:$0x3FB6];
	_ =	sdelay $0x3  }
0x37: {  	[smem:$0x3FB6] =	sst s10  }
0x38: {  	s10 =	sld [smem:$0x3FB7]  }
0x39: {  	_ = 	snop;
	(pc) =	sbr.ind lr, $3  }
0x3a: {  	_ = 	snop  }
0x3b: {  	_ = 	snop  }
0x3c: {  	p2 =	seq.s32 s10, $0x1;
	s10 =	sld [smem:$0x3FB6]  }
0x3d: {  	_ =	shalt  }
0x3e: {  	_ =	shalt  }
0x3f: {  	_ =	shalt  }
0x40: {  	_ =	shalt  }
0x41: {  	_ =	shalt  }
0x42: {  	_ =	shalt  }
0x43: {  	_ =	shalt  }
0x44: {  	_ =	shalt  }
0x45: {  	_ =	shalt  }
0x46: {  	_ =	shalt  }
0x47: {  	_ =	shalt  }
0x48: {  	_ =	shalt  }
0x49: {  	_ =	shalt  }
0x4a: {  	_ =	shalt  }
0x4b: {  	_ =	shalt  }
0x4c: {  	_ =	shalt  }
0x4d: {  	_ =	shalt  }
0x4e: {  	_ =	shalt  }
0x4f: {  	_ =	shalt  }
0x50: {  	_ =	shalt  }
0x51: {  	_ =	shalt  }
0x52: {  	_ =	shalt  }
0x53: {  	_ =	shalt  }
0x54: {  	_ =	shalt  }
0x55: {  	_ =	shalt  }
0x56: {  	_ =	shalt  }
0x57: {  	_ =	shalt  }
0x58: {  	_ =	shalt  }
0x59: {  	_ =	shalt  }
0x5a: {  	_ =	shalt  }
0x5b: {  	_ =	shalt  }
0x5c: {  	_ =	shalt  }
0x5d: {  	_ =	shalt  }
0x5e: {  	_ =	shalt  }
0x5f: {  	_ =	shalt  }
0x60: {  	_ =	shalt  }
0x61: {  	_ =	shalt  }
0x62: {  	_ =	shalt  }
0x63: {  	_ =	shalt  }
0x64: {  	_ =	shalt  }
0x65: {  	_ =	shalt  }
0x66: {  	_ =	shalt  }
0x67: {  	_ =	shalt  }
0x68: {  	_ =	shalt  }
0x69: {  	_ =	shalt  }
0x6a: {  	_ =	shalt  }
0x6b: {  	_ =	shalt  }
0x6c: {  	_ =	shalt  }
0x6d: {  	_ =	shalt  }
0x6e: {  	_ =	shalt  }
0x6f: {  	_ =	shalt  }
0x70: {  	_ =	shalt  }
0x71: {  	_ =	shalt  }
0x72: {  	_ =	shalt  }
0x73: {  	_ =	shalt  }
0x74: {  	_ =	shalt  }
0x75: {  	_ =	shalt  }
0x76: {  	_ =	shalt  }
0x77: {  	_ =	shalt  }
0x78: {  	_ =	shalt  }
0x79: {  	_ =	shalt  }
0x7a: {  	_ =	shalt  }
0x7b: {  	_ =	shalt  }
0x7c: {  	_ =	shalt  }
0x7d: {  	_ =	shalt  }
0x7e: {  	_ =	shalt  }
0x7f: {  	_ =	shalt  }
0x80: {  	_ =	shalt  }
0x81: {  	_ =	shalt  }
0x82: {  	_ =	shalt  }
0x83: {  	_ =	shalt  }
0x84: {  	_ =	shalt  }
0x85: {  	_ =	shalt  }
0x86: {  	_ =	shalt  }
0x87: {  	_ =	shalt  }
.Lfunc_end0:
.L_simem_size_0:
called_computation.2_lowered:
.L_overlay_start_0:
0x88: {  	s2 =	sld [smem:$0x3FD9]  }
0x89: {  	s3 =	sld [smem:$0x3FFE];
	_ =	sdelay $0x1  }
0x8a: {  	s1 =	srdreg.scid  }
0x8b: {  	s0 =	sand.u32 $0x1, s1  }
0x8c: {  	s17 =	sshll.u32 s0, $0xA;
	s2 =	sadd.s32 s3, s2  }
0x8d: {  	s2 =	sadd.s32 s2, s17  }
0x8e: {  	[smem:$0x3FC2] =	sst s2  }
0x8f: {  	_ = 	snop  }
0x90: {  	s2 =	sld [smem:$0x3FD0];
	(tm) =	ssettm $0x1  }
0x91: {  	s18 =	sld [smem:$0x3FFB];
	_ =	sdelay $0x3  }
0x92: {  	_ =	strace s18  }
0x93: {  	s3 =	sld [smem:$0x3FFC];
	_ =	sdelay $0x3  }
0x94: {  	_ =	strace s3  }
0x95: {  	s3 =	sld [smem:$0x3FFD];
	_ =	sdelay $0x3  }
0x96: {  	_ =	strace s3  }
0x97: {  	_ =	strace $0x8FFFFFFF  }
0x98: {  	s19 =	sld [smem:$0x3FDB];
	_ =	sdelay $0x1  }
0x99: {  	s4 =	simm.s32 $_scs_section_size  }
0x9a: {  	s5 =	simm.s32 $_size__tile_overlayer_lowered;
	s6 =	simm.s32 $_tile_overlayer_lowered  }
0x9b: {  	s22 =	simm.s32 $0x1BFF;
	s21 =	sshll.u32 s6, $0x1;
	s3 =	sadd.s32 s4, s19  }
0x9c: {  	s7 =	simm.s32 $0x0;
	s20 =	sshll.u32 s5, $0x1;
	s5 =	sadd.s32 s21, s3  }
0x9d: {  	[timem:s7], [sflag:s22] =	dma.local [hbm:s5], s20  }
0x9e: {  	_ =	swait.ge [sflag:s22], s20  }
0x9f: {  	s4 =	ssub.s32 $0x0, s20;
	[sflag:s22] =	ssyncset.done $0x0  }
0xa0: {  	[sflag:s22] =	ssyncadd.s32 s4;
	_ =	sdelay $0x1  }
0xa1: {  	s23 =	simm.s32 $0x1B8B  }
0xa2: {  	_ =	swait.ge [sflag:s23], $0x1  }
0xa3: {  	[sflag:s23] =	ssyncset.done $0x0  }
0xa4: {  	s25 =	simm.s32 $0x1B8E;
	s24 =	sld [smem:$0x3FFE];
	[sflag:s23] =	ssyncadd.s32 $0xFFFFFFFF  }
0xa5: {  	s26 =	simm.s32 $execute0_lowered;
	[smem:$0x3FD2] =	sst s25  }
0xa6: {  	s5 =	sshll.u32 s26, $0x1;
	_ =	strace $0x8000004C;
	[dreg:$0x1] =	wrdreg $0xFFFFFFFF  }
0xa7: {  	s28 =	simm.s32 $_size_execute0_lowered;
	s3 =	sadd.s32 s3, s5;
	[dreg:$0x0] =	wrdreg $0x0  }
0xa8: {  	s5 =	sshll.u32 s28, $0x1;
	[dreg:$0x2] =	wrdreg s3  }
0xa9: {  	[dreg:$0x3] =	wrdreg s5  }
0xaa: {  	[dreg:$0x4] =	wrdreg $0xC0  }
0xab: {  	_ =	task [dreg:s7], $0x5FFFF  }
0xac: {  	[dreg:$0x1] =	wrdreg $0xFFFFFFFF  }
0xad: {  	[dreg:$0x0] =	wrdreg $0x60  }
0xae: {  	[dreg:$0x2] =	wrdreg s24  }
0xaf: {  	[dreg:$0x3] =	wrdreg s2  }
0xb0: {  	[dreg:$0x4] =	wrdreg $0x73800  }
0xb1: {  	[dreg:$0x5] =	wrdreg $0xEB800  }
0xb2: {  	[dreg:$0x6] =	wrdreg $0x9  }
0xb3: {  	_ =	task.clear_ibuf [dreg:s7], $0x7FFFF;
	_ =	strace $0x9000004C  }
0xb4: {  	s29 =	simm.s32 $0x9;
	_ =	strace $0x8000004E  }
0xb5: {  	_ =	swait.ge [sflag:s29], $0x1  }
0xb6: {  	[sflag:s29] =	ssyncadd.s32 $0xFFFFFFFF  }
0xb7: {  	_ =	strace $0x9000004E  }
0xb8: {  	_ =	sfence  }
0xb9: {  	s30 =	sld [smem:$0x0];
	_ =	sdelay $0x2  }
0xba: {  	s31 =	sshll.u32 s1, $0xD;
	s1 =	sshrl.u32 s1, $0x2  }
0xbb: {  	s3 =	sand.u32 $0x4000, s31;
	s1 =	sadd.s32 s1, s30  }
0xbc: {  	s0 =	sor.u32 s3, s0;
	s1 =	sshll.u32 s1, $0x11  }
0xbd: {  	s0 =	sor.u32 s1, s0  }
0xbe: {  	s0 =	sadd.s32 $0x8F2B, s0  }
0xbf: {  	[sflag:s0] =	ssyncadd.remote.s32 $0x1  }
0xc0: {  	_ =	sfence.sel $0xFFFF  }
0xc1: {  	[dreg:$0x0] =	wrdreg $0xFFFFFFFF;
	(pc) =	sbr.abs _section_cstart, $3  }
0xc2: {  	[dreg:$0x1] =	wrdreg $0xFFFFFFFF  }
0xc3: {  	_ =	task.clear_ibuf [dreg:s7], $0x2FFFF;
	_ =	strace $0x9FFFFFFF  }
0xc4: {  	(tm) =	ssettm $0x7FFFFFFF  }
0xc5: {  	_ =	shalt  }
tec
execute0_lowered:
.L_overlay_start_1:
0x0: {  	(tag) =	ssettag $0x1  }
0x1: {  	s1 =	rddreg [dreg:$0x0]  }
0x2: {  	s0 =	srdreg.scid;
	s3 =	rddreg [dreg:$0x2]  }
0x3: {  	s11 =	stileid.u32;
	s4 =	rddreg [dreg:$0x3]  }
0x4: {  	s5 =	simm.s32 $0x0;
	s12 =	simm.s32 $0x27C0;
	s16 =	simm.s32 $0x30  }
0x5: {  	s17 =	simm.s32 $0x4F80;
	s18 =	simm.s32 $0x5880;
	s20 =	simm.s32 $0x6180  }
0x6: {  	s21 =	simm.s32 $0x1;
	s23 =	simm.s32 $0x6A80;
	s29 =	simm.s32 $0x3  }
0x7: {  	s31 =	simm.s32 $0x6;
	s19 =	simm.s32 $0x7;
	s28 =	simm.s32 $0x0  }
0x8: {  	s0 =	sand.u32 $0x1, s0;
	s2 =	sshll.u32 s11, $0x1;
	s8 =	smul.u32 $0x7800, s11  }
0x9: {  	[smem:$0x7FF] =	sst s5;
	s30 =	sshll.u32 s11, $0x6;
	s11 =	simm.s32 $0x9  }
0xa: {  	s2 =	sor.u32 s0, s2;
	s6 =	smul.u32 $0x78000, s0;
	_ =	strace $0x8000004D  }
0xb: {  	s0 =	ssub.s32 $0x2, s0;
	s13 =	sor.u32 $0x1C09, s30;
	s2 =	smul.u32 $0x4F8, s2  }
0xc: {  	s7 =	sshrl.u32 s8, $0x3;
	s24 =	sshrl.u32 s0, $0x1;
	s26 =	sadd.s32 s8, s3  }
0xd: {  	s15 =	sadd.s32 s8, s4;
	s6 =	sadd.s32 s8, s6;
	s9 =	sadd.s32 s7, s1  }
0xe: {  	s0 =	ssub.s32 s0, s24;
	s14 =	sshrl.u32 s26, $0x3;
	s15 =	sshrl.u32 s15, $0x3  }
.Ltmp0:
0xf: {  	s24 =	simm.s32 $0x2;
	s26 =	simm.s32 $0x5;
	(pc) =	sbr.rel .LBB2_1-.Ltmp0, $4  }
0x10: {  	s2 =	sadd.s32 s2, s1;
	s6 =	sshrl.u32 s6, $0x3;
	s8 =	sadd.s32 $0x16600, s9  }
0x11: {  	s10 =	smax.u32 s0, $0x1;
	s0 =	simm.s32 $0x4;
	s25 =	sadd.s32 $0xC600, s2  }
0x12: {  	s1 =	sadd.s32 s6, s1;
	s2 =	sadd.s32 $0x2600, s2;
	[dreg:$0x5] =	wrdreg s25  }
0x13: {  	[dreg:$0x6] =	wrdreg s2;
	s9 =	sadd.s32 $0x25600, s1;
	s25 =	simm.s32 $0x8  }
.LBB2_4:
0x14: {  	_ =	swait.ge [sflag:s25], $0x900  }
0x15: {  	s28 =	sadd.s32 $0x1, s28;
	[sflag:s25] =	ssyncset.done $0x0  }
0x16: {  	p0 =	sne.s32 s28, s10;
	[sflag:s25] =	ssyncadd.s32 $0xFFFFF700  }
.Ltmp1:
0x17: {  	[bflag:$0x0] =	sbarrier.arrive $0xFFFF;
	(pc) =	sbr.rel @!p0 .LBB2_5-.Ltmp1, $4  }
0x18: {  	[hbm:s9], [sflag:s13] =	dma.local [spmem:s14], $0xF00  }
0x19: {  	_ =	swait.ge [sflag:s11], $0xF00  }
0x1a: {  	[sflag:s11] =	ssyncset.done $0x0  }
0x1b: {  	[sflag:s11] =	ssyncadd.s32 $0xFFFFF100  }
.LBB2_1:
0x1c: {  	s1 =	rddreg [dreg:$0x5]  }
0x1d: {  	[tilespmem:s5], [sflag:$0x9] =	stream.linear.gather [hbm4b:s1+s5], $0x27C0, $0x38;
	[tilespmem:$0x16380] =	vst v63  }
0x1e: {  	_ =	swait.ge [sflag:s11], $0x27C0  }
0x1f: {  	[sflag:s11] =	ssyncset.done $0x0  }
0x20: {  	s7 =	rddreg [dreg:$0x6];
	[sflag:s11] =	ssyncadd.s32 $0xFFFFD840  }
0x21: {  	[tilespmem:s12], [sflag:$0x9] =	stream.linear.gather [hbm4b:s7+s5], $0x27C0, $0x38;
	[tilespmem:$0x16380] =	vst v63  }
0x22: {  	_ =	swait.ge [sflag:s11], $0x27C0  }
0x23: {  	[sflag:s11] =	ssyncset.done $0x0  }
0x24: {  	[sflag:s11] =	ssyncadd.s32 $0xFFFFD840  }
0x25: {  	s22 =	rddreg [dreg:$0x1]  }
0x26: {  	[spmem:s14], [sflag:s13] =	dma.local [hbm:s22], $0xF00  }
0x27: {  	_ =	swait.ge [sflag:s11], $0xF00  }
0x28: {  	[sflag:s11] =	ssyncset.done $0x0  }
0x29: {  	[sflag:s11] =	ssyncadd.s32 $0xFFFFF100  }
0x2a: {  	[spmem:s15], [sflag:s13] =	dma.local [hbm:s8], $0xF00  }
0x2b: {  	_ =	swait.ge [sflag:s11], $0xF00  }
0x2c: {  	[sflag:s11] =	ssyncset.done $0x0  }
0x2d: {  	[sflag:s11] =	ssyncadd.s32 $0xFFFFF100  }
0x2e: {  	[bflag:$0x0] =	sbarrier.arrive $0xFFFF  }
0x2f: {  	[tilespmem:s17], [sflag:$0x1] =	stream.indirect.gather [spmem:s4], $0x30, s5, s16, $0xb8;
	[tilespmem:$0x16380] =	vst v63  }
0x30: {  	_ = 	snop  }
0x31: {  	[tilespmem:s18], [sflag:$0x2] =	stream.indirect.gather [spmem:s4], $0x30, s16, s16, $0xb8;
	[tilespmem:$0x16380] =	vst v63  }
0x32: {  	s2 =	simm.s32 $0x60  }
0x33: {  	[tilespmem:s20], [sflag:$0x3] =	stream.indirect.gather [spmem:s4], $0x30, s2, s16, $0xb8;
	[tilespmem:$0x16380] =	vst v63  }
0x34: {  	_ =	swait.ge [sflag:s21], $0x900  }
0x35: {  	[sflag:s21] =	ssyncset.done $0x0  }
0x36: {  	[sflag:s21] =	ssyncadd.s32 $0xFFFFF700  }
0x37: {  	[spmem:s3] =	stream.indirect.scatter.add.f32 [tilespmem:s17], [sflag:$0x5], $0x30, s12, s16, $0xb8;
	[tilespmem:$0x16380] =	vst v63  }
0x38: {  	s6 =	simm.s32 $0x90  }
0x39: {  	[tilespmem:s23], [sflag:$0x4] =	stream.indirect.gather [spmem:s4], $0x30, s6, s16, $0xb8;
	[tilespmem:$0x16380] =	vst v63  }
0x3a: {  	_ =	swait.ge [sflag:s24], $0x900  }
0x3b: {  	[sflag:s24] =	ssyncset.done $0x0  }
0x3c: {  	s7 =	simm.s32 $0x27F0;
	[sflag:s24] =	ssyncadd.s32 $0xFFFFF700  }
0x3d: {  	[spmem:s3] =	stream.indirect.scatter.add.f32 [tilespmem:s18], [sflag:$0x6], $0x30, s7, s16, $0xb8;
	[tilespmem:$0x16380] =	vst v63  }
0x3e: {  	_ =	swait.ge [sflag:s26], $0x900  }
0x3f: {  	[sflag:s26] =	ssyncset.done $0x0  }
0x40: {  	s22 =	simm.s32 $0xC0;
	[sflag:s26] =	ssyncadd.s32 $0xFFFFF700  }
0x41: {  	[tilespmem:s17], [sflag:$0x1] =	stream.indirect.gather [spmem:s4], $0x30, s22, s16, $0xb8;
	[tilespmem:$0x16380] =	vst v63  }
0x42: {  	_ =	swait.ge [sflag:s29], $0x900  }
0x43: {  	[sflag:s29] =	ssyncset.done $0x0  }
0x44: {  	s2 =	simm.s32 $0x2820;
	[sflag:s29] =	ssyncadd.s32 $0xFFFFF700  }
0x45: {  	[spmem:s3] =	stream.indirect.scatter.add.f32 [tilespmem:s20], [sflag:$0x7], $0x30, s2, s16, $0xb8;
	[tilespmem:$0x16380] =	vst v63  }
0x46: {  	_ =	swait.ge [sflag:s31], $0x900  }
0x47: {  	[sflag:s31] =	ssyncset.done $0x0  }
0x48: {  	s6 =	simm.s32 $0xF0;
	[sflag:s31] =	ssyncadd.s32 $0xFFFFF700  }
0x49: {  	[tilespmem:s18], [sflag:$0x2] =	stream.indirect.gather [spmem:s4], $0x30, s6, s16, $0xb8;
	[tilespmem:$0x16380] =	vst v63  }
0x4a: {  	_ =	swait.ge [sflag:s0], $0x900  }
0x4b: {  	[sflag:s0] =	ssyncset.done $0x0  }
0x4c: {  	s7 =	simm.s32 $0x2850;
	[sflag:s0] =	ssyncadd.s32 $0xFFFFF700  }
0x4d: {  	[spmem:s3] =	stream.indirect.scatter.add.f32 [tilespmem:s23], [sflag:$0x8], $0x30, s7, s16, $0xb8;
	[tilespmem:$0x16380] =	vst v63  }
0x4e: {  	_ =	swait.ge [sflag:s19], $0x900  }
0x4f: {  	[sflag:s19] =	ssyncset.done $0x0  }
0x50: {  	s30 =	simm.s32 $0x0;
	s22 =	simm.s32 $0x120;
	[sflag:s19] =	ssyncadd.s32 $0xFFFFF700  }
0x51: {  	[tilespmem:s20], [sflag:$0x3] =	stream.indirect.gather [spmem:s4], $0x30, s22, s16, $0xb8;
	[tilespmem:$0x16380] =	vst v63  }
.LBB2_2:
0x52: {  	_ =	swait.ge [sflag:s21], $0x900  }
0x53: {  	s1 =	sshra.s32 s30, $0x2;
	[sflag:s21] =	ssyncset.done $0x0  }
0x54: {  	s2 =	sadd.s32 $0x2880, s1;
	[sflag:s21] =	ssyncadd.s32 $0xFFFFF700  }
0x55: {  	[spmem:s3] =	stream.indirect.scatter.add.f32 [tilespmem:s17], [sflag:$0x5], $0x30, s2, s16, $0xb8;
	[tilespmem:$0x16380] =	vst v63  }
0x56: {  	_ =	swait.ge [sflag:s25], $0x900  }
0x57: {  	[sflag:s25] =	ssyncset.done $0x0  }
0x58: {  	s6 =	sadd.s32 $0x150, s1;
	[sflag:s25] =	ssyncadd.s32 $0xFFFFF700  }
0x59: {  	[tilespmem:s23], [sflag:$0x4] =	stream.indirect.gather [spmem:s4], $0x30, s6, s16, $0xb8;
	[tilespmem:$0x16380] =	vst v63  }
0x5a: {  	_ =	swait.ge [sflag:s24], $0x900  }
0x5b: {  	[sflag:s24] =	ssyncset.done $0x0  }
0x5c: {  	s7 =	sadd.s32 $0x28B0, s1;
	[sflag:s24] =	ssyncadd.s32 $0xFFFFF700  }
0x5d: {  	[spmem:s3] =	stream.indirect.scatter.add.f32 [tilespmem:s18], [sflag:$0x6], $0x30, s7, s16, $0xb8;
	[tilespmem:$0x16380] =	vst v63  }
0x5e: {  	_ =	swait.ge [sflag:s26], $0x900  }
0x5f: {  	p0 =	seq.s32 s30, $0x9900;
	[sflag:s26] =	ssyncset.done $0x0  }
0x60: {  	s2 =	simm.s32 @p0 $0x3;
	[sflag:s26] =	ssyncadd.s32 $0xFFFFF700  }
0x61: {  	_ =	swait.ge @p0 [sflag:s2], $0x900  }
0x62: {  	[sflag:s2] =	ssyncset.done @p0 $0x0  }
0x63: {  	[sflag:s2] =	ssyncadd.s32 @p0 $0xFFFFF700;
	s2 =	sshra.s32 @p0 s30, $0x2  }
0x64: {  	s22 =	simm.s32 @p0 $0x30;
	s6 =	simm.s32 @p0 $0x6180;
	s2 =	sadd.s32 @p0 $0x28E0, s2  }
0x65: {  	[spmem:s3] =	stream.indirect.scatter.add.f32 @p0 [tilespmem:s6], [sflag:$0x7], $0x30, s2, s22, $0xb8;
	[tilespmem:$0x16380] =	vst v63  }
0x66: {  	s2 =	simm.s32 @p0 $0x6  }
0x67: {  	_ =	swait.ge @p0 [sflag:s2], $0x900  }
0x68: {  	[sflag:s2] =	ssyncset.done @p0 $0x0  }
0x69: {  	[sflag:s2] =	ssyncadd.s32 @p0 $0xFFFFF700;
	s2 =	sshra.s32 @!p0 s30, $0x2  }
0x6a: {  	s7 =	simm.s32 @!p0 $0x4F80;
	s22 =	simm.s32 @!p0 $0x30;
	s6 =	sadd.s32 @!p0 $0x180, s2  }
0x6b: {  	[tilespmem:s7], [sflag:$0x1] =	stream.indirect.gather @!p0 [spmem:s4], $0x30, s6, s22, $0xb8;
	[tilespmem:$0x16380] =	vst v63  }
0x6c: {  	s6 =	simm.s32 @!p0 $0x3  }
0x6d: {  	_ =	swait.ge @!p0 [sflag:s6], $0x900  }
0x6e: {  	[sflag:s6] =	ssyncset.done @!p0 $0x0  }
0x6f: {  	s7 =	simm.s32 @!p0 $0x6180;
	[sflag:s6] =	ssyncadd.s32 @!p0 $0xFFFFF700;
	s6 =	sadd.s32 @!p0 $0x28E0, s2  }
0x70: {  	[spmem:s3] =	stream.indirect.scatter.add.f32 @!p0 [tilespmem:s7], [sflag:$0x7], $0x30, s6, s22, $0xb8;
	[tilespmem:$0x16380] =	vst v63  }
0x71: {  	s6 =	simm.s32 @!p0 $0x6  }
0x72: {  	_ =	swait.ge @!p0 [sflag:s6], $0x900  }
0x73: {  	[sflag:s6] =	ssyncset.done @!p0 $0x0  }
0x74: {  	s2 =	sadd.s32 @!p0 $0x1B0, s2;
	[sflag:s6] =	ssyncadd.s32 @!p0 $0xFFFFF700;
	s6 =	simm.s32 @!p0 $0x5880  }
0x75: {  	[tilespmem:s6], [sflag:$0x2] =	stream.indirect.gather @!p0 [spmem:s4], $0x30, s2, s22, $0xb8;
	[tilespmem:$0x16380] =	vst v63  }
0x76: {  	_ =	swait.ge [sflag:s0], $0x900  }
0x77: {  	[sflag:s0] =	ssyncset.done $0x0  }
.Ltmp2:
0x78: {  	s22 =	sadd.s32 $0x2910, s1;
	[sflag:s0] =	ssyncadd.s32 $0xFFFFF700;
	(pc) =	sbr.rel @p0 .LBB2_4-.Ltmp2, $4  }
0x79: {  	[spmem:s3] =	stream.indirect.scatter.add.f32 [tilespmem:s23], [sflag:$0x8], $0x30, s22, s16, $0xb8;
	[tilespmem:$0x16380] =	vst v63  }
0x7a: {  	_ =	swait.ge [sflag:s19], $0x900  }
0x7b: {  	[sflag:s19] =	ssyncset.done $0x0  }
0x7c: {  	[sflag:s19] =	ssyncadd.s32 $0xFFFFF700  }
.Ltmp3:
0x7d: {  	(pc) =	sbr.rel .LBB2_2-.Ltmp3, $3  }
0x7e: {  	_ =	sdelay $0x1  }
0x7f: {  	s1 =	sadd.s32 $0x1E0, s1;
	s30 =	sadd.s32 $0x300, s30  }
0x80: {  	[tilespmem:s20], [sflag:$0x3] =	stream.indirect.gather [spmem:s4], $0x30, s1, s16, $0xb8;
	[tilespmem:$0x16380] =	vst v63  }
.LBB2_5:
0x81: {  	_ =	sfence.sel $0x180000  }
0x82: {  	[bflag:$0x0] =	sbarrier.arrive $0xFFFF  }
0x83: {  	_ =	strace $0x9000004D  }
0x84: {  	s0 =	stileid.u32;
	[bflag:$0x2] =	sbarrier.arrive $0xFFFF  }
0x85: {  	p0 =	sne.s32 s0, $0x0;
	s0 =	rddreg [dreg:$0x4]  }
0x86: {  	s0 =	sadd.s32 @!p0 $0x100000, s0  }
0x87: {  	[sflag:s0] =	ssyncadd.tile.s32 @!p0 $0x1;
	_ =	shalt  }
.Lfunc_end2:
_tile_overlayer_lowered:
.L_overlay_start_2:
0x88: {  	(tag) =	ssettag $0x2  }
0x89: {  	s0 =	rddreg [dreg:$0x0];
	s2 =	stileid.u32  }
0x8a: {  	s1 =	rddreg [dreg:$0x1];
	p0 =	sne.s32 s2, $0x0  }
0x8b: {  	s3 =	rddreg [dreg:$0x2];
	[bflag:$0x3] =	sbarrier.arrive $0xFFFF;
	s2 =	simm.s32 @!p0 $0x1C09  }
0x8c: {  	[timem:s3], [sflag:s2] =	dma.local @!p0 [hbm:s0], s1  }
0x8d: {  	s0 =	simm.s32 @!p0 $0x9  }
0x8e: {  	_ =	swait.ge @!p0 [sflag:s0], s1  }
0x8f: {  	s1 =	ssub.s32 @!p0 $0x0, s1;
	[sflag:s0] =	ssyncset.done @!p0 $0x0  }
0x90: {  	[sflag:s0] =	ssyncadd.s32 @!p0 s1  }
0x91: {  	[bflag:$0x3] =	sbarrier.arrive $0xFFFF  }
0x92: {  	_ =	shalt  }

// kernel: kernel.9.cloned.1.call-start
scs
__scs_entry_jumppad:
0x0: {  	(pc) =	sbr.rel $0x88, $3  }
0x1: {  	(tag) =	ssettag $0x0;
	lr =	simm.s32 $0x1  }
0x2: {  	[smem:$0x3F9B] =	sst lr;
	_ =	strace $0xD0000000  }
0x3: {  	_ = 	snop  }
0x4: {  	_ = 	snop  }
0x5: {  	_ = 	snop  }
0x6: {  	_ = 	snop  }
0x7: {  	_ = 	snop  }
__scs_overlays_trampoline_lowered:
0x8: {  	[smem:$0x3FAA] =	sst s0  }
0x9: {  	[smem:$0x3FAB] =	sst s1  }
0xa: {  	[smem:$0x3FAC] =	sst s2  }
0xb: {  	[smem:$0x3FAD] =	sst s3  }
0xc: {  	[smem:$0x3FAE] =	sst s4  }
0xd: {  	[smem:$0x3FAF] =	sst s5  }
0xe: {  	[smem:$0x3FB0] =	sst s6  }
0xf: {  	[smem:$0x3FB1] =	sst s7  }
0x10: {  	[smem:$0x3FB2] =	sst s8  }
0x11: {  	[smem:$0x3FB3] =	sst s9;
	s0 =	simm.s32 @!p0 $0x0  }
0x12: {  	s1 =	sld [smem:$0x3F99];
	s0 =	simm.s32 @p0 $0x1  }
0x13: {  	[smem:$0x3FB4] =	sst s0;
	s0 =	simm.s32 @!p1 $0x0  }
0x14: {  	s2 =	sld [smem:$0x3F98];
	s0 =	simm.s32 @p1 $0x1  }
0x15: {  	[smem:$0x3FB5] =	sst s0;
	s0 =	simm.s32 @!p2 $0x0  }
0x16: {  	s3 =	sld [smem:$0x3FDB];
	s0 =	simm.s32 @p2 $0x1  }
0x17: {  	s4 =	simm.s32 $0x1BF5;
	[smem:$0x3FB7] =	sst s0  }
0x18: {  	s0 =	sld [smem:$0x3F9A];
	_ =	swait.ge [sflag:s4], $0x0  }
0x19: {  	s7 =	sld [smem:$0x3F9B]  }
0x1a: {  	s8 =	sadd.s32 $0xFFFFE003, lr  }
0x1b: {  	s9 =	sadd.s32 $0xFFFFFEF7, lr;
	s5 =	simm.s32 $0xFFFFFFFF;
	p2 =	slt.u32 s8, $0xFFFFF086  }
0x1c: {  	p1 =	slt.u32 s9, $0xF7A;
	s5 =	simm.s32 @!p2 $0x0  }
0x1d: {  	s5 =	simm.s32 @p1 $0x1;
	p0 =	seq.s32 s7, s2  }
0x1e: {  	s7 =	smul.u32 @!p0 $0xF7A, s2;
	p2 =	seq.s32 @!p0 s5, $0x0  }
0x1f: {  	s9 =	smul.u32 $0xF7A, s1;
	s8 =	simm.s32 @!p0 $0x1BF5;
	p2 =	por !p2, p0  }
0x20: {  	[sflag:s8] =	ssyncset.s32 @!p0 $0xFFFFF086;
	s6 =	sadd.s32 @!p0 s3, s7;
	s7 =	simm.s32 @!p0 $0x108  }
0x21: {  	s3 =	sadd.s32 s3, s9;
	s6 =	sadd.s32 @!p0 $0x88, s6;
	s7 =	simm.s32 @p2 $0x1082  }
0x22: {  	[simem:s7], [sflag:s8] =	dma.local @!p0 [hbm:s6], $0xF7A  }
0x23: {  	s9 =	sor.u32 $0xD0000000, s2;
	s6 =	simm.s32 $0x108;
	_ =	swait.ge @!p0 [sflag:s8], $0x0  }
0x24: {  	s3 =	sadd.s32 $0x88, s3;
	s6 =	simm.s32 @!p1 $0x1082;
	[sflag:s4] =	ssyncset.s32 $0xFFFFF086  }
0x25: {  	[simem:s6], [sflag:s4] =	dma.local [hbm:s3], $0xF7A  }
0x26: {  	[smem:$0x3F9B] =	sst s1;
	(tag) =	ssettag s2;
	_ =	strace s9  }
0x27: {  	s1 =	sld [smem:$0x3FAB]  }
0x28: {  	s2 =	sld [smem:$0x3FAC]  }
0x29: {  	s4 =	sld [smem:$0x3FAE]  }
0x2a: {  	p0 =	seq.s32 s5, $0x0;
	s5 =	sld [smem:$0x3FAF]  }
0x2b: {  	s6 =	sld [smem:$0x3FB0]  }
0x2c: {  	s7 =	sld [smem:$0x3FB1]  }
0x2d: {  	s3 =	simm.s32 $0x108;
	s8 =	sld [smem:$0x3FB2]  }
0x2e: {  	s3 =	simm.s32 @!p0 $0x1082;
	s9 =	sld [smem:$0x3FB3]  }
0x2f: {  	lr =	sadd.s32 s0, s3;
	s0 =	sld [smem:$0x3FAA]  }
0x30: {  	s3 =	sld [smem:$0x3FAD]  }
0x31: {  	[smem:$0x3FB6] =	sst s10  }
0x32: {  	s10 =	sld [smem:$0x3FB4];
	_ =	sdelay $0x3  }
0x33: {  	p0 =	seq.s32 s10, $0x1;
	s10 =	sld [smem:$0x3FB6];
	_ =	sdelay $0x3  }
0x34: {  	[smem:$0x3FB6] =	sst s10  }
0x35: {  	s10 =	sld [smem:$0x3FB5];
	_ =	sdelay $0x3  }
0x36: {  	p1 =	seq.s32 s10, $0x1;
	s10 =	sld [smem:$0x3FB6];
	_ =	sdelay $0x3  }
0x37: {  	[smem:$0x3FB6] =	sst s10  }
0x38: {  	s10 =	sld [smem:$0x3FB7]  }
0x39: {  	_ = 	snop;
	(pc) =	sbr.ind lr, $3  }
0x3a: {  	_ = 	snop  }
0x3b: {  	_ = 	snop  }
0x3c: {  	p2 =	seq.s32 s10, $0x1;
	s10 =	sld [smem:$0x3FB6]  }
0x3d: {  	_ =	shalt  }
0x3e: {  	_ =	shalt  }
0x3f: {  	_ =	shalt  }
0x40: {  	_ =	shalt  }
0x41: {  	_ =	shalt  }
0x42: {  	_ =	shalt  }
0x43: {  	_ =	shalt  }
0x44: {  	_ =	shalt  }
0x45: {  	_ =	shalt  }
0x46: {  	_ =	shalt  }
0x47: {  	_ =	shalt  }
0x48: {  	_ =	shalt  }
0x49: {  	_ =	shalt  }
0x4a: {  	_ =	shalt  }
0x4b: {  	_ =	shalt  }
0x4c: {  	_ =	shalt  }
0x4d: {  	_ =	shalt  }
0x4e: {  	_ =	shalt  }
0x4f: {  	_ =	shalt  }
0x50: {  	_ =	shalt  }
0x51: {  	_ =	shalt  }
0x52: {  	_ =	shalt  }
0x53: {  	_ =	shalt  }
0x54: {  	_ =	shalt  }
0x55: {  	_ =	shalt  }
0x56: {  	_ =	shalt  }
0x57: {  	_ =	shalt  }
0x58: {  	_ =	shalt  }
0x59: {  	_ =	shalt  }
0x5a: {  	_ =	shalt  }
0x5b: {  	_ =	shalt  }
0x5c: {  	_ =	shalt  }
0x5d: {  	_ =	shalt  }
0x5e: {  	_ =	shalt  }
0x5f: {  	_ =	shalt  }
0x60: {  	_ =	shalt  }
0x61: {  	_ =	shalt  }
0x62: {  	_ =	shalt  }
0x63: {  	_ =	shalt  }
0x64: {  	_ =	shalt  }
0x65: {  	_ =	shalt  }
0x66: {  	_ =	shalt  }
0x67: {  	_ =	shalt  }
0x68: {  	_ =	shalt  }
0x69: {  	_ =	shalt  }
0x6a: {  	_ =	shalt  }
0x6b: {  	_ =	shalt  }
0x6c: {  	_ =	shalt  }
0x6d: {  	_ =	shalt  }
0x6e: {  	_ =	shalt  }
0x6f: {  	_ =	shalt  }
0x70: {  	_ =	shalt  }
0x71: {  	_ =	shalt  }
0x72: {  	_ =	shalt  }
0x73: {  	_ =	shalt  }
0x74: {  	_ =	shalt  }
0x75: {  	_ =	shalt  }
0x76: {  	_ =	shalt  }
0x77: {  	_ =	shalt  }
0x78: {  	_ =	shalt  }
0x79: {  	_ =	shalt  }
0x7a: {  	_ =	shalt  }
0x7b: {  	_ =	shalt  }
0x7c: {  	_ =	shalt  }
0x7d: {  	_ =	shalt  }
0x7e: {  	_ =	shalt  }
0x7f: {  	_ =	shalt  }
0x80: {  	_ =	shalt  }
0x81: {  	_ =	shalt  }
0x82: {  	_ =	shalt  }
0x83: {  	_ =	shalt  }
0x84: {  	_ =	shalt  }
0x85: {  	_ =	shalt  }
0x86: {  	_ =	shalt  }
0x87: {  	_ =	shalt  }
.Lfunc_end0:
.L_simem_size_0:
called_computation_lowered:
.L_overlay_start_0:
0x88: {  	s2 =	sld [smem:$0x3FD9]  }
0x89: {  	s3 =	sld [smem:$0x3FFE];
	_ =	sdelay $0x1  }
0x8a: {  	s1 =	srdreg.scid  }
0x8b: {  	s0 =	sand.u32 $0x1, s1  }
0x8c: {  	s17 =	sshll.u32 s0, $0xA;
	s2 =	sadd.s32 s3, s2  }
0x8d: {  	s2 =	sadd.s32 s2, s17  }
0x8e: {  	[smem:$0x3FC2] =	sst s2  }
0x8f: {  	_ = 	snop  }
0x90: {  	s2 =	sld [smem:$0x3FD0];
	(tm) =	ssettm $0x1  }
0x91: {  	s18 =	sld [smem:$0x3FFB];
	_ =	sdelay $0x3  }
0x92: {  	_ =	strace s18  }
0x93: {  	s3 =	sld [smem:$0x3FFC];
	_ =	sdelay $0x3  }
0x94: {  	_ =	strace s3  }
0x95: {  	s3 =	sld [smem:$0x3FFD];
	_ =	sdelay $0x3  }
0x96: {  	_ =	strace s3  }
0x97: {  	_ =	strace $0x8FFFFFFF  }
0x98: {  	s19 =	sld [smem:$0x3FDB];
	_ =	sdelay $0x1  }
0x99: {  	s4 =	simm.s32 $_scs_section_size  }
0x9a: {  	s5 =	simm.s32 $_size__tile_overlayer_lowered;
	s6 =	simm.s32 $_tile_overlayer_lowered  }
0x9b: {  	s22 =	simm.s32 $0x1BFF;
	s21 =	sshll.u32 s6, $0x1;
	s3 =	sadd.s32 s4, s19  }
0x9c: {  	s7 =	simm.s32 $0x0;
	s20 =	sshll.u32 s5, $0x1;
	s5 =	sadd.s32 s21, s3  }
0x9d: {  	[timem:s7], [sflag:s22] =	dma.local [hbm:s5], s20  }
0x9e: {  	_ =	swait.ge [sflag:s22], s20  }
0x9f: {  	s4 =	ssub.s32 $0x0, s20;
	[sflag:s22] =	ssyncset.done $0x0  }
0xa0: {  	[sflag:s22] =	ssyncadd.s32 s4;
	_ =	sdelay $0x1  }
0xa1: {  	s23 =	simm.s32 $0x1B8B  }
0xa2: {  	_ =	swait.ge [sflag:s23], $0x1  }
0xa3: {  	[sflag:s23] =	ssyncset.done $0x0  }
0xa4: {  	s25 =	simm.s32 $0x1B8E;
	s24 =	sld [smem:$0x3FFE];
	[sflag:s23] =	ssyncadd.s32 $0xFFFFFFFF  }
0xa5: {  	s26 =	simm.s32 $execute0_lowered;
	[smem:$0x3FD2] =	sst s25  }
0xa6: {  	s5 =	sshll.u32 s26, $0x1;
	_ =	strace $0x80000046;
	[dreg:$0x1] =	wrdreg $0xFFFFFFFF  }
0xa7: {  	s28 =	simm.s32 $_size_execute0_lowered;
	s3 =	sadd.s32 s3, s5;
	[dreg:$0x0] =	wrdreg $0x0  }
0xa8: {  	s5 =	sshll.u32 s28, $0x1;
	[dreg:$0x2] =	wrdreg s3  }
0xa9: {  	[dreg:$0x3] =	wrdreg s5  }
0xaa: {  	[dreg:$0x4] =	wrdreg $0xC0  }
0xab: {  	_ =	task [dreg:s7], $0x5FFFF  }
0xac: {  	[dreg:$0x1] =	wrdreg $0xFFFFFFFF  }
0xad: {  	[dreg:$0x0] =	wrdreg $0x60  }
0xae: {  	[dreg:$0x2] =	wrdreg s24  }
0xaf: {  	[dreg:$0x3] =	wrdreg s2  }
0xb0: {  	[dreg:$0x4] =	wrdreg $0x52800  }
0xb1: {  	[dreg:$0x5] =	wrdreg $0x7A800  }
0xb2: {  	[dreg:$0x6] =	wrdreg $0x9  }
0xb3: {  	_ =	task.clear_ibuf [dreg:s7], $0x7FFFF;
	_ =	strace $0x90000046  }
0xb4: {  	s29 =	simm.s32 $0x9;
	_ =	strace $0x80000048  }
0xb5: {  	_ =	swait.ge [sflag:s29], $0x1  }
0xb6: {  	[sflag:s29] =	ssyncadd.s32 $0xFFFFFFFF  }
0xb7: {  	_ =	strace $0x90000048  }
0xb8: {  	_ =	sfence  }
0xb9: {  	s30 =	sld [smem:$0x0];
	_ =	sdelay $0x2  }
0xba: {  	s31 =	sshll.u32 s1, $0xD;
	s1 =	sshrl.u32 s1, $0x2  }
0xbb: {  	s3 =	sand.u32 $0x4000, s31;
	s1 =	sadd.s32 s1, s30  }
0xbc: {  	s0 =	sor.u32 s3, s0;
	s1 =	sshll.u32 s1, $0x11  }
0xbd: {  	s0 =	sor.u32 s1, s0  }
0xbe: {  	s0 =	sadd.s32 $0x8F2B, s0  }
0xbf: {  	[sflag:s0] =	ssyncadd.remote.s32 $0x1  }
0xc0: {  	_ =	sfence.sel $0xFFFF  }
0xc1: {  	[dreg:$0x0] =	wrdreg $0xFFFFFFFF;
	(pc) =	sbr.abs _section_cstart, $3  }
0xc2: {  	[dreg:$0x1] =	wrdreg $0xFFFFFFFF  }
0xc3: {  	_ =	task.clear_ibuf [dreg:s7], $0x2FFFF;
	_ =	strace $0x9FFFFFFF  }
0xc4: {  	(tm) =	ssettm $0x7FFFFFFF  }
0xc5: {  	_ =	shalt  }
tec
execute0_lowered:
.L_overlay_start_1:
0x0: {  	(tag) =	ssettag $0x1  }
0x1: {  	s7 =	rddreg [dreg:$0x0]  }
0x2: {  	s1 =	srdreg.scid;
	s9 =	rddreg [dreg:$0x1]  }
0x3: {  	s0 =	stileid.u32;
	s2 =	rddreg [dreg:$0x2]  }
0x4: {  	s3 =	rddreg [dreg:$0x3];
	s4 =	simm.s32 $0x0;
	s18 =	simm.s32 $0x30  }
0x5: {  	s19 =	simm.s32 $0x1;
	s20 =	simm.s32 $0x2;
	s21 =	simm.s32 $0x3  }
0x6: {  	s22 =	simm.s32 $0x4;
	s23 =	simm.s32 $0x2790;
	s24 =	simm.s32 $0x4F50  }
0x7: {  	s25 =	simm.s32 $0x0;
	s6 =	sand.u32 $0x1, s1;
	s30 =	sshll.u32 s0, $0x1  }
0x8: {  	s10 =	smul.u32 $0x2800, s0;
	[smem:$0x7FF] =	sst s4;
	s15 =	sshll.u32 s0, $0x6  }
0x9: {  	s1 =	sor.u32 s6, s30;
	s8 =	smul.u32 $0x28000, s6;
	s12 =	ssub.s32 $0x2, s6  }
0xa: {  	s6 =	sadd.s32 $0x16600, s7;
	s15 =	sor.u32 $0x1C05, s15;
	s5 =	smul.u32 $0x4F8, s1  }
0xb: {  	s1 =	rddreg [dreg:$0x4];
	_ =	strace $0x80000047;
	s31 =	sshrl.u32 s12, $0x1  }
0xc: {  	s16 =	sadd.s32 s10, s2;
	s17 =	sadd.s32 s10, s3;
	s8 =	sadd.s32 s10, s8  }
0xd: {  	s12 =	ssub.s32 s12, s31;
	s16 =	sshrl.u32 s16, $0x3;
	s17 =	sshrl.u32 s17, $0x3  }
0xe: {  	s11 =	sadd.s32 s5, s7;
	s5 =	sadd.s32 $0x16C00, s7;
	s13 =	sshrl.u32 s8, $0x3  }
0xf: {  	s14 =	sadd.s32 s13, s7;
	s7 =	sadd.s32 $0xC600, s11;
	s8 =	sadd.s32 $0x2600, s11  }
0x10: {  	s9 =	sadd.s32 s9, s13;
	s11 =	smax.u32 s12, $0x1;
	s12 =	simm.s32 $0x5  }
0x11: {  	s13 =	simm.s32 $0x27C0;
	s10 =	sadd.s32 $0x16E00, s14;
	s14 =	simm.s32 $0x4F80  }
.LBB2_1:
0x12: {  	[tilespmem:s4], [sflag:$0x5] =	stream.linear.gather [hbm4b:s7+s4], $0x27C0, $0x38;
	[tilespmem:$0xA280] =	vst v63  }
0x13: {  	_ =	swait.ge [sflag:s12], $0x27C0  }
0x14: {  	[sflag:s12] =	ssyncset.done $0x0  }
0x15: {  	[sflag:s12] =	ssyncadd.s32 $0xFFFFD840  }
0x16: {  	[tilespmem:s13], [sflag:$0x5] =	stream.linear.gather [hbm4b:s8+s4], $0x27C0, $0x38;
	[tilespmem:$0xA280] =	vst v63  }
0x17: {  	_ =	swait.ge [sflag:s12], $0x27C0  }
0x18: {  	[sflag:s12] =	ssyncset.done $0x0  }
0x19: {  	[sflag:s12] =	ssyncadd.s32 $0xFFFFD840  }
0x1a: {  	[tilespmem:s14], [sflag:$0x5] =	stream.linear.gather [hbm4b:s5+s4], $0x300, $0x38;
	[tilespmem:$0xA280] =	vst v63  }
0x1b: {  	_ =	swait.ge [sflag:s12], $0x300  }
0x1c: {  	[sflag:s12] =	ssyncset.done $0x0  }
0x1d: {  	[sflag:s12] =	ssyncadd.s32 $0xFFFFFD00  }
0x1e: {  	[spmem:s16], [sflag:s15] =	dma.local [hbm:s6], $0x500  }
0x1f: {  	_ =	swait.ge [sflag:s12], $0x500  }
0x20: {  	[sflag:s12] =	ssyncset.done $0x0  }
0x21: {  	[sflag:s12] =	ssyncadd.s32 $0xFFFFFB00  }
0x22: {  	[spmem:s17], [sflag:s15] =	dma.local [hbm:s6], $0x500  }
0x23: {  	_ =	swait.ge [sflag:s12], $0x500  }
0x24: {  	[sflag:s12] =	ssyncset.done $0x0  }
0x25: {  	[sflag:s12] =	ssyncadd.s32 $0xFFFFFB00  }
0x26: {  	[bflag:$0x0] =	sbarrier.arrive $0xFFFF  }
0x27: {  	[spmem:s2] =	stream.indirect.scatter.add.f32 [tilespmem:s14], [sflag:$0x1], $0x10, s4, s18, $0xb8;
	[tilespmem:$0xA280] =	vst v63  }
0x28: {  	_ = 	snop  }
0x29: {  	[spmem:s3] =	stream.indirect.scatter.add.f32 [tilespmem:s14], [sflag:$0x2], $0x10, s13, s18, $0xb8;
	[tilespmem:$0xA280] =	vst v63  }
0x2a: {  	s26 =	simm.s32 $0x30  }
0x2b: {  	[spmem:s2] =	stream.indirect.scatter.add.f32 [tilespmem:s14], [sflag:$0x3], $0x10, s26, s18, $0xb8;
	[tilespmem:$0xA280] =	vst v63  }
0x2c: {  	s29 =	simm.s32 $0x27F0  }
0x2d: {  	[spmem:s3] =	stream.indirect.scatter.add.f32 [tilespmem:s14], [sflag:$0x4], $0x10, s29, s18, $0xb8;
	[tilespmem:$0xA280] =	vst v63  }
0x2e: {  	_ =	swait.ge [sflag:s19], $0x300  }
0x2f: {  	[sflag:s19] =	ssyncset.done $0x0  }
0x30: {  	[sflag:s19] =	ssyncadd.s32 $0xFFFFFD00  }
0x31: {  	_ =	swait.ge [sflag:s20], $0x300  }
0x32: {  	[sflag:s20] =	ssyncset.done $0x0  }
0x33: {  	s30 =	simm.s32 $0x60;
	[sflag:s20] =	ssyncadd.s32 $0xFFFFFD00  }
0x34: {  	[spmem:s2] =	stream.indirect.scatter.add.f32 [tilespmem:s14], [sflag:$0x1], $0x10, s30, s18, $0xb8;
	[tilespmem:$0xA280] =	vst v63  }
0x35: {  	s31 =	simm.s32 $0x2820  }
0x36: {  	[spmem:s3] =	stream.indirect.scatter.add.f32 [tilespmem:s14], [sflag:$0x2], $0x10, s31, s18, $0xb8;
	[tilespmem:$0xA280] =	vst v63  }
0x37: {  	_ =	swait.ge [sflag:s21], $0x300  }
0x38: {  	[sflag:s21] =	ssyncset.done $0x0  }
0x39: {  	[sflag:s21] =	ssyncadd.s32 $0xFFFFFD00  }
0x3a: {  	_ =	swait.ge [sflag:s22], $0x300  }
0x3b: {  	s28 =	simm.s32 $0xFFFF6580;
	s26 =	simm.s32 $0xFFFFD900;
	[sflag:s22] =	ssyncset.done $0x0  }
.LBB2_2:
0x3c: {  	s29 =	sadd.s32 $0x2790, s26  }
0x3d: {  	[sflag:s22] =	ssyncadd.s32 $0xFFFFFD00;
	s30 =	smov.u32 s28;
	s31 =	sadd.s32 $0x180, s28  }
0x3e: {  	[spmem:s2] =	stream.indirect.scatter.add.f32 [tilespmem:s14], [sflag:$0x3], $0x10, s29, s18, $0xb8;
	[tilespmem:$0xA280] =	vst v63  }
0x3f: {  	p0 =	sne.s32 s28, $0xFFFFFE80;
	s28 =	sadd.s32 $0x4F50, s26  }
0x40: {  	[spmem:s3] =	stream.indirect.scatter.add.f32 [tilespmem:s14], [sflag:$0x4], $0x10, s28, s18, $0xb8;
	[tilespmem:$0xA280] =	vst v63  }
0x41: {  	_ =	swait.ge [sflag:s19], $0x300  }
0x42: {  	[sflag:s19] =	ssyncset.done $0x0  }
0x43: {  	[sflag:s19] =	ssyncadd.s32 $0xFFFFFD00  }
0x44: {  	_ =	swait.ge [sflag:s20], $0x300  }
0x45: {  	[sflag:s20] =	ssyncset.done $0x0  }
0x46: {  	s28 =	sadd.s32 $0x27C0, s26;
	[sflag:s20] =	ssyncadd.s32 $0xFFFFFD00  }
0x47: {  	[spmem:s2] =	stream.indirect.scatter.add.f32 [tilespmem:s14], [sflag:$0x1], $0x10, s28, s18, $0xb8;
	[tilespmem:$0xA280] =	vst v63  }
0x48: {  	s26 =	sadd.s32 $0x4F80, s26  }
0x49: {  	[spmem:s3] =	stream.indirect.scatter.add.f32 [tilespmem:s14], [sflag:$0x2], $0x10, s26, s18, $0xb8;
	[tilespmem:$0xA280] =	vst v63  }
.Ltmp0:
0x4a: {  	_ =	swait.ge [sflag:s21], $0x300;
	(pc) =	sbr.rel @p0 .LBB2_2-.Ltmp0, $4  }
0x4b: {  	[sflag:s21] =	ssyncset.done $0x0  }
0x4c: {  	[sflag:s21] =	ssyncadd.s32 $0xFFFFFD00  }
0x4d: {  	_ =	swait.ge [sflag:s22], $0x300  }
0x4e: {  	s28 =	smov.u32 s31;
	s26 =	sshra.s32 s30, $0x2;
	[sflag:s22] =	ssyncset.done $0x0  }
0x4f: {  	s28 =	sadd.s32 $0x2790, s26;
	[sflag:s22] =	ssyncadd.s32 $0xFFFFFD00  }
0x50: {  	[spmem:s2] =	stream.indirect.scatter.add.f32 [tilespmem:s14], [sflag:$0x3], $0x10, s28, s18, $0xb8;
	[tilespmem:$0xA280] =	vst v63  }
0x51: {  	s29 =	sadd.s32 $0x4F50, s26  }
0x52: {  	[spmem:s3] =	stream.indirect.scatter.add.f32 [tilespmem:s14], [sflag:$0x4], $0x10, s29, s18, $0xb8;
	[tilespmem:$0xA280] =	vst v63  }
0x53: {  	_ =	swait.ge [sflag:s19], $0x300  }
0x54: {  	[sflag:s19] =	ssyncset.done $0x0  }
0x55: {  	[sflag:s19] =	ssyncadd.s32 $0xFFFFFD00  }
0x56: {  	_ =	swait.ge [sflag:s20], $0x300  }
0x57: {  	[sflag:s20] =	ssyncset.done $0x0  }
0x58: {  	s30 =	sadd.s32 $0x27C0, s26;
	[sflag:s20] =	ssyncadd.s32 $0xFFFFFD00  }
0x59: {  	[spmem:s2] =	stream.indirect.scatter.add.f32 [tilespmem:s14], [sflag:$0x1], $0x10, s30, s18, $0xb8;
	[tilespmem:$0xA280] =	vst v63  }
0x5a: {  	s31 =	sadd.s32 $0x4F80, s26  }
0x5b: {  	[spmem:s3] =	stream.indirect.scatter.add.f32 [tilespmem:s14], [sflag:$0x2], $0x10, s31, s18, $0xb8;
	[tilespmem:$0xA280] =	vst v63  }
0x5c: {  	_ =	swait.ge [sflag:s21], $0x300  }
0x5d: {  	[sflag:s21] =	ssyncset.done $0x0  }
0x5e: {  	[sflag:s21] =	ssyncadd.s32 $0xFFFFFD00  }
0x5f: {  	_ =	swait.ge [sflag:s22], $0x300  }
0x60: {  	[sflag:s22] =	ssyncset.done $0x0  }
0x61: {  	[sflag:s22] =	ssyncadd.s32 $0xFFFFFD00  }
0x62: {  	[spmem:s2] =	stream.indirect.scatter.add.f32 [tilespmem:s14], [sflag:$0x3], $0x10, s23, s18, $0xb8;
	[tilespmem:$0xA280] =	vst v63  }
0x63: {  	_ = 	snop  }
0x64: {  	[spmem:s3] =	stream.indirect.scatter.add.f32 [tilespmem:s14], [sflag:$0x4], $0x10, s24, s18, $0xb8;
	[tilespmem:$0xA280] =	vst v63  }
0x65: {  	_ =	swait.ge [sflag:s19], $0x300  }
0x66: {  	[sflag:s19] =	ssyncset.done $0x0  }
0x67: {  	[sflag:s19] =	ssyncadd.s32 $0xFFFFFD00  }
0x68: {  	_ =	swait.ge [sflag:s20], $0x300  }
0x69: {  	[sflag:s20] =	ssyncset.done $0x0  }
0x6a: {  	[sflag:s20] =	ssyncadd.s32 $0xFFFFFD00  }
0x6b: {  	_ =	swait.ge [sflag:s21], $0x300  }
0x6c: {  	[sflag:s21] =	ssyncset.done $0x0  }
0x6d: {  	[sflag:s21] =	ssyncadd.s32 $0xFFFFFD00  }
0x6e: {  	_ =	swait.ge [sflag:s22], $0x300  }
0x6f: {  	[sflag:s22] =	ssyncset.done $0x0  }
0x70: {  	[sflag:s22] =	ssyncadd.s32 $0xFFFFFD00  }
0x71: {  	[bflag:$0x0] =	sbarrier.arrive $0xFFFF  }
0x72: {  	[hbm:s9], [sflag:s15] =	dma.local [spmem:s16], $0x500  }
0x73: {  	s25 =	sadd.s32 $0x1, s25;
	_ =	swait.ge [sflag:s12], $0x500  }
0x74: {  	p0 =	sne.s32 s25, s11;
	[sflag:s12] =	ssyncset.done $0x0  }
.Ltmp1:
0x75: {  	[sflag:s12] =	ssyncadd.s32 $0xFFFFFB00;
	(pc) =	sbr.rel @p0 .LBB2_1-.Ltmp1, $4  }
0x76: {  	[hbm:s10], [sflag:s15] =	dma.local [spmem:s17], $0x500  }
0x77: {  	_ =	swait.ge [sflag:s12], $0x500  }
0x78: {  	[sflag:s12] =	ssyncset.done $0x0  }
0x79: {  	[sflag:s12] =	ssyncadd.s32 $0xFFFFFB00  }
0x7a: {  	_ =	sfence.sel $0x180000  }
0x7b: {  	[bflag:$0x0] =	sbarrier.arrive $0xFFFF  }
0x7c: {  	p0 =	sne.s32 s0, $0x0;
	_ =	strace $0x90000047  }
0x7d: {  	s0 =	sadd.s32 @!p0 $0x100000, s1;
	[bflag:$0x2] =	sbarrier.arrive $0xFFFF  }
0x7e: {  	[sflag:s0] =	ssyncadd.tile.s32 @!p0 $0x1;
	_ =	shalt  }
.Lfunc_end2:
_tile_overlayer_lowered:
.L_overlay_start_2:
0x7f: {  	(tag) =	ssettag $0x2  }
0x80: {  	s0 =	rddreg [dreg:$0x0];
	s2 =	stileid.u32  }
0x81: {  	s1 =	rddreg [dreg:$0x1];
	p0 =	sne.s32 s2, $0x0  }
0x82: {  	s3 =	rddreg [dreg:$0x2];
	[bflag:$0x3] =	sbarrier.arrive $0xFFFF;
	s2 =	simm.s32 @!p0 $0x1C05  }
0x83: {  	[timem:s3], [sflag:s2] =	dma.local @!p0 [hbm:s0], s1  }
0x84: {  	s0 =	simm.s32 @!p0 $0x5  }
0x85: {  	_ =	swait.ge @!p0 [sflag:s0], s1  }
0x86: {  	s1 =	ssub.s32 @!p0 $0x0, s1;
	[sflag:s0] =	ssyncset.done @!p0 $0x0  }
0x87: {  	[sflag:s0] =	ssyncadd.s32 @!p0 s1  }
0x88: {  	[bflag:$0x3] =	sbarrier.arrive $0xFFFF  }
0x89: {  	_ =	shalt  }

</sc_bundles>
